<compile_context>
chip_gen: v7x
topology: tpu7x:2x2x1
jax: 0.10.2.dev20260603
libtpu: 0.0.44.dev20260713+nightly
codegen_flags: <defaults>
</compile_context>

<pallas_src>
import functools

import jax
import jax.numpy as jnp
from jax import lax
from jax.experimental import pallas as pl
from jax.experimental.pallas import tpu as pltpu
from jax.experimental.pallas import tpu_sc as plsc

BATCH = 8192
F = 4096
L = 16

NUM_CORES = 2
NUM_SUBCORES = 16
NW = NUM_CORES * NUM_SUBCORES
ROWS_PER_W = BATCH // NW
R = 8
NCHUNK = ROWS_PER_W // R
FH = F // 2

_mesh = plsc.VectorSubcoreMesh(core_axis_name="c", subcore_axis_name="s")


@functools.partial(
    pl.kernel,
    out_type=jax.ShapeDtypeStruct((BATCH, F), jnp.float32),
    mesh=_mesh,
    scratch_types=[
        pltpu.VMEM((F,), jnp.int32),
        pltpu.VMEM((R, F), jnp.float32),
        pltpu.VMEM((R, F), jnp.float32),
        pltpu.VMEM((R, FH), jnp.float32),
        pltpu.VMEM((R, FH), jnp.float32),
        pltpu.SemaphoreType.DMA,
        pltpu.SemaphoreType.DMA,
        pltpu.SemaphoreType.DMA,
        pltpu.SemaphoreType.DMA,
    ],
    compiler_params=pltpu.CompilerParams(
        needs_layout_passes=False,
        use_tc_tiling_on_sc=True,
    ),
)
def _shuffle(x_hbm, perm_hbm, out_hbm, perm_v, in0, in1, out0, out1,
             isem0, isem1, osem0, osem1):
    wid = lax.axis_index("s") * NUM_CORES + lax.axis_index("c")
    base = wid * ROWS_PER_W

    pltpu.sync_copy(perm_hbm, perm_v)

    ins = (in0, in1)
    outs = (out0, out1)
    isems = (isem0, isem1)
    osems = (osem0, osem1)

    def src(c):
        return x_hbm.at[pl.ds(base + c * R, R), :]

    def dst(c, h):
        return out_hbm.at[pl.ds(base + c * R, R), pl.ds(h * FH, FH)]

    def start_in(c, b):
        pltpu.async_copy(src(c), ins[b], isems[b])

    def wait_in(c, b):
        pltpu.make_async_copy(src(c), ins[b], isems[b]).wait()

    def start_out(c, h, b):
        pltpu.async_copy(outs[b], dst(c, h), osems[b])

    def wait_out(c, h, b):
        pltpu.make_async_copy(outs[b], dst(c, h), osems[b]).wait()

    row_ids = [jnp.full((L,), r, dtype=jnp.int32) for r in range(R)]

    def gather(bi, h):
        iv = ins[bi]
        ov = outs[h]

        @plsc.parallel_loop(0, FH // L, unroll=2)
        def body(i):
            idx = perm_v[pl.ds((h * (FH // L) + i) * L, L)]
            vals = [plsc.load_gather(iv, [row_ids[r], idx]) for r in range(R)]
            for r in range(R):
                ov[r, pl.ds(i * L, L)] = vals[r]

    def process_steady(c, b):
        wait_in(c, b)
        for h in range(2):
            wait_out(c - 1, h, h)
            gather(b, h)
            start_out(c, h, h)
        start_in(c + 2, b)

    start_in(0, 0)
    start_in(1, 1)
    wait_in(0, 0)
    for h in range(2):
        gather(0, h)
        start_out(0, h, h)
    start_in(2, 0)

    def pair(p, carry):
        process_steady(p * 2 + 1, 1)
        process_steady(p * 2 + 2, 0)
        return carry

    lax.fori_loop(0, NCHUNK // 2 - 2, pair, 0)

    process_steady(NCHUNK - 3, 1)
    c = NCHUNK - 2
    wait_in(c, 0)
    for h in range(2):
        wait_out(c - 1, h, h)
        gather(0, h)
        start_out(c, h, h)
    c = NCHUNK - 1
    wait_in(c, 1)
    for h in range(2):
        wait_out(c - 1, h, h)
        gather(1, h)
        start_out(c, h, h)
    for h in range(2):
        wait_out(NCHUNK - 1, h, h)


def kernel(x, perm):
    perm32 = perm.astype(jnp.int32)
    return _shuffle(x, perm32)

# --- scband reference (transcript-rebuilt; emitter-appended) ---
"""Pipeline reference for scband-shuffle-49847390437650 (READ-ONLY COPY).

The authoritative reference and input builder live on the scoring server;
editing this copy changes nothing except your own understanding.
"""

import jax, jax.numpy as jnp
import numpy as np

FLOW_SIZE = 4096
BATCH = 8192


def setup_inputs(seed: int = 0) -> dict:
    key = jax.random.key(seed)
    k1, k2 = jax.random.split(key)
    x = jax.random.normal(k1, (BATCH, FLOW_SIZE), dtype=jnp.float32)
    # fixed permutation buffer created at module init (torch.randperm equivalent)
    perm = jax.random.permutation(k2, jnp.arange(FLOW_SIZE, dtype=jnp.int64))
    return {"x": x, "perm": perm}


def reference(x, perm):
    # forward (rev=False, cal_jacobian=False): gather columns by perm
    return jnp.take(x, perm, axis=1)

if __name__ == "__main__":
    import jax
    _d = setup_inputs()
    print(jax.jit(kernel)(*tuple(_d.values())))

</pallas_src>

<mosaic_0001>
#map = affine_map<(d0, d1) -> (0, 0)>
#map1 = affine_map<(d0, d1) -> (0)>
module attributes {stable_mosaic.version = 14 : i64} {
  func.func @_shuffle(%arg0: i32, %arg1: i32, %arg2: memref<8192x4096xf32, #tpu.memory_space<hbm>>, %arg3: memref<4096xi32, #tpu.memory_space<hbm>>, %arg4: memref<8192x4096xf32, #tpu.memory_space<hbm>>, %arg5: memref<4096xi32, #tpu.memory_space<vmem>>, %arg6: memref<8x4096xf32, #tpu.memory_space<vmem>>, %arg7: memref<8x4096xf32, #tpu.memory_space<vmem>>, %arg8: memref<8x2048xf32, #tpu.memory_space<vmem>>, %arg9: memref<8x2048xf32, #tpu.memory_space<vmem>>, %arg10: memref<!tpu.dma_semaphore, #tpu.memory_space<semaphore_mem>>, %arg11: memref<!tpu.dma_semaphore, #tpu.memory_space<semaphore_mem>>, %arg12: memref<!tpu.dma_semaphore, #tpu.memory_space<semaphore_mem>>, %arg13: memref<!tpu.dma_semaphore, #tpu.memory_space<semaphore_mem>>) attributes {dimension_semantics = [#tpu.dimension_semantics<core_parallel>, #tpu.dimension_semantics<subcore_parallel>], iteration_bounds = array<i64: 2, 16>, scalar_prefetch = 0 : i64, scratch_operands = 9 : i64, tpu.core_type = #tpu.core_type<sc_vector_subcore>, window_params = [{transform_indices = #map}, {transform_indices = #map1}, {transform_indices = #map}]} {
    %mul3A = arith.constant 2 : i32
    %mul3A_0 = arith.muli %arg1, %mul3A : i32
    %add3A = arith.addi %mul3A_0, %arg0 : i32
    %mul3A_1 = arith.constant 256 : i32
    %mul3A_2 = arith.muli %add3A, %mul3A_1 : i32
    "tpu.region"() ({
      %run_scoped3A = tpu.sem_alloc : memref<!tpu.dma_semaphore, #tpu.memory_space<semaphore_mem>>
      tpu.enqueue_dma source(%arg3 : memref<4096xi32, #tpu.memory_space<hbm>>) target(%arg5 : memref<4096xi32, #tpu.memory_space<vmem>>) target_semaphore(%run_scoped3A : memref<!tpu.dma_semaphore, #tpu.memory_space<semaphore_mem>>)
      tpu.wait_dma2 semaphore(%run_scoped3A : memref<!tpu.dma_semaphore, #tpu.memory_space<semaphore_mem>>) src(%arg3 : memref<4096xi32, #tpu.memory_space<hbm>>) dst(%arg5 : memref<4096xi32, #tpu.memory_space<vmem>>)
      tpu.yield
    }) : () -> ()
    %broadcast_in_dim3A = arith.constant 0 : i32
    %broadcast_in_dim3A_3 = vector.broadcast %broadcast_in_dim3A : i32 to vector<16xi32>
    %broadcast_in_dim3A_4 = arith.constant 1 : i32
    %broadcast_in_dim3A_5 = vector.broadcast %broadcast_in_dim3A_4 : i32 to vector<16xi32>
    %broadcast_in_dim3A_6 = arith.constant 2 : i32
    %broadcast_in_dim3A_7 = vector.broadcast %broadcast_in_dim3A_6 : i32 to vector<16xi32>
    %broadcast_in_dim3A_8 = arith.constant 3 : i32
    %broadcast_in_dim3A_9 = vector.broadcast %broadcast_in_dim3A_8 : i32 to vector<16xi32>
    %broadcast_in_dim3A_10 = arith.constant 4 : i32
    %broadcast_in_dim3A_11 = vector.broadcast %broadcast_in_dim3A_10 : i32 to vector<16xi32>
    %broadcast_in_dim3A_12 = arith.constant 5 : i32
    %broadcast_in_dim3A_13 = vector.broadcast %broadcast_in_dim3A_12 : i32 to vector<16xi32>
    %broadcast_in_dim3A_14 = arith.constant 6 : i32
    %broadcast_in_dim3A_15 = vector.broadcast %broadcast_in_dim3A_14 : i32 to vector<16xi32>
    %broadcast_in_dim3A_16 = arith.constant 7 : i32
    %broadcast_in_dim3A_17 = vector.broadcast %broadcast_in_dim3A_16 : i32 to vector<16xi32>
    %add3A_18 = arith.constant 0 : i32
    %add3A_19 = arith.addi %mul3A_2, %add3A_18 : i32
    %dma_start3A = arith.constant 0 : i32
    %dma_start3A_20 = tpu.memref_slice %arg2[%add3A_19, %dma_start3A] : memref<8192x4096xf32, #tpu.memory_space<hbm>> -> memref<8x4096xf32, #tpu.memory_space<hbm>>
    %dma_start3A_21 = arith.constant 0 : i32
    %dma_start3A_22 = tpu.memref_slice %arg2[%add3A_19, %dma_start3A_21] : memref<8192x4096xf32, #tpu.memory_space<hbm>> -> memref<8x4096xf32, #tpu.memory_space<hbm>>
    tpu.enqueue_dma source(%dma_start3A_22 : memref<8x4096xf32, #tpu.memory_space<hbm>>) target(%arg6 : memref<8x4096xf32, #tpu.memory_space<vmem>>) target_semaphore(%arg10 : memref<!tpu.dma_semaphore, #tpu.memory_space<semaphore_mem>>)
    %add3A_23 = arith.constant 8 : i32
    %add3A_24 = arith.addi %mul3A_2, %add3A_23 : i32
    %dma_start3A_25 = arith.constant 0 : i32
    %dma_start3A_26 = tpu.memref_slice %arg2[%add3A_24, %dma_start3A_25] : memref<8192x4096xf32, #tpu.memory_space<hbm>> -> memref<8x4096xf32, #tpu.memory_space<hbm>>
    %dma_start3A_27 = arith.constant 0 : i32
    %dma_start3A_28 = tpu.memref_slice %arg2[%add3A_24, %dma_start3A_27] : memref<8192x4096xf32, #tpu.memory_space<hbm>> -> memref<8x4096xf32, #tpu.memory_space<hbm>>
    tpu.enqueue_dma source(%dma_start3A_28 : memref<8x4096xf32, #tpu.memory_space<hbm>>) target(%arg7 : memref<8x4096xf32, #tpu.memory_space<vmem>>) target_semaphore(%arg11 : memref<!tpu.dma_semaphore, #tpu.memory_space<semaphore_mem>>)
    %add3A_29 = arith.constant 0 : i32
    %add3A_30 = arith.addi %mul3A_2, %add3A_29 : i32
    %dma_wait3A = arith.constant 0 : i32
    %dma_wait3A_31 = tpu.memref_slice %arg2[%add3A_30, %dma_wait3A] : memref<8192x4096xf32, #tpu.memory_space<hbm>> -> memref<8x4096xf32, #tpu.memory_space<hbm>>
    %dma_wait3A_32 = arith.constant 0 : i32
    %dma_wait3A_33 = tpu.memref_slice %arg2[%add3A_30, %dma_wait3A_32] : memref<8192x4096xf32, #tpu.memory_space<hbm>> -> memref<8x4096xf32, #tpu.memory_space<hbm>>
    tpu.wait_dma2 semaphore(%arg10 : memref<!tpu.dma_semaphore, #tpu.memory_space<semaphore_mem>>) src(%dma_wait3A_33 : memref<8x4096xf32, #tpu.memory_space<hbm>>) dst(%arg6 : memref<8x4096xf32, #tpu.memory_space<vmem>>)
    %parallel_loop3A = arith.constant 0 : i32
    %parallel_loop3A_34 = arith.constant 128 : i32
    %parallel_loop3A_35 = arith.constant 1 : i32
    scf.for %parallel_loop3A_188 = %parallel_loop3A to %parallel_loop3A_34 step %parallel_loop3A_35  : i32 {
      %parallel_loop3A_189 = arith.constant 0 : i32
      %parallel_loop3A_190 = arith.addi %parallel_loop3A_189, %parallel_loop3A_188 : i32
      %parallel_loop3A_191 = arith.constant 16 : i32
      %parallel_loop3A_192 = arith.muli %parallel_loop3A_190, %parallel_loop3A_191 : i32
      %parallel_loop3A_193 = arith.index_cast %parallel_loop3A_192 : i32 to index
      %parallel_loop3A_194 = tpu.vector_load %arg5[%parallel_loop3A_193] {strides = array<i32>} : memref<4096xi32, #tpu.memory_space<vmem>>, vector<16xi32>,
      %parallel_loop3A_195 = tpu.vector_load_idx %arg6[%broadcast_in_dim3A_3, %parallel_loop3A_194] : memref<8x4096xf32, #tpu.memory_space<vmem>>[vector<16xi32>, vector<16xi32>], vector<16xf32>,
      %parallel_loop3A_196 = tpu.vector_load_idx %arg6[%broadcast_in_dim3A_5, %parallel_loop3A_194] : memref<8x4096xf32, #tpu.memory_space<vmem>>[vector<16xi32>, vector<16xi32>], vector<16xf32>,
      %parallel_loop3A_197 = tpu.vector_load_idx %arg6[%broadcast_in_dim3A_7, %parallel_loop3A_194] : memref<8x4096xf32, #tpu.memory_space<vmem>>[vector<16xi32>, vector<16xi32>], vector<16xf32>,
      %parallel_loop3A_198 = tpu.vector_load_idx %arg6[%broadcast_in_dim3A_9, %parallel_loop3A_194] : memref<8x4096xf32, #tpu.memory_space<vmem>>[vector<16xi32>, vector<16xi32>], vector<16xf32>,
      %parallel_loop3A_199 = tpu.vector_load_idx %arg6[%broadcast_in_dim3A_11, %parallel_loop3A_194] : memref<8x4096xf32, #tpu.memory_space<vmem>>[vector<16xi32>, vector<16xi32>], vector<16xf32>,
      %parallel_loop3A_200 = tpu.vector_load_idx %arg6[%broadcast_in_dim3A_13, %parallel_loop3A_194] : memref<8x4096xf32, #tpu.memory_space<vmem>>[vector<16xi32>, vector<16xi32>], vector<16xf32>,
      %parallel_loop3A_201 = tpu.vector_load_idx %arg6[%broadcast_in_dim3A_15, %parallel_loop3A_194] : memref<8x4096xf32, #tpu.memory_space<vmem>>[vector<16xi32>, vector<16xi32>], vector<16xf32>,
      %parallel_loop3A_202 = tpu.vector_load_idx %arg6[%broadcast_in_dim3A_17, %parallel_loop3A_194] : memref<8x4096xf32, #tpu.memory_space<vmem>>[vector<16xi32>, vector<16xi32>], vector<16xf32>,
      %parallel_loop3A_203 = arith.constant 16 : i32
      %parallel_loop3A_204 = arith.muli %parallel_loop3A_188, %parallel_loop3A_203 : i32
      %parallel_loop3A_205 = arith.constant 0 : i32
      %parallel_loop3A_206 = arith.index_cast %parallel_loop3A_205 : i32 to index
      %parallel_loop3A_207 = arith.index_cast %parallel_loop3A_204 : i32 to index
      %parallel_loop3A_208 = tpu.vector_load %arg8[%parallel_loop3A_206, %parallel_loop3A_207] {strides = array<i32>} : memref<8x2048xf32, #tpu.memory_space<vmem>>, vector<16xf32>,
      tpu.vector_store %arg8[%parallel_loop3A_206, %parallel_loop3A_207], %parallel_loop3A_195 {strides = array<i32>} : memref<8x2048xf32, #tpu.memory_space<vmem>>, vector<16xf32>,
      %parallel_loop3A_209 = arith.constant 16 : i32
      %parallel_loop3A_210 = arith.muli %parallel_loop3A_188, %parallel_loop3A_209 : i32
      %parallel_loop3A_211 = arith.constant 1 : i32
      %parallel_loop3A_212 = arith.index_cast %parallel_loop3A_211 : i32 to index
      %parallel_loop3A_213 = arith.index_cast %parallel_loop3A_210 : i32 to index
      %parallel_loop3A_214 = tpu.vector_load %arg8[%parallel_loop3A_212, %parallel_loop3A_213] {strides = array<i32>} : memref<8x2048xf32, #tpu.memory_space<vmem>>, vector<16xf32>,
      tpu.vector_store %arg8[%parallel_loop3A_212, %parallel_loop3A_213], %parallel_loop3A_196 {strides = array<i32>} : memref<8x2048xf32, #tpu.memory_space<vmem>>, vector<16xf32>,
      %parallel_loop3A_215 = arith.constant 16 : i32
      %parallel_loop3A_216 = arith.muli %parallel_loop3A_188, %parallel_loop3A_215 : i32
      %parallel_loop3A_217 = arith.constant 2 : i32
      %parallel_loop3A_218 = arith.index_cast %parallel_loop3A_217 : i32 to index
      %parallel_loop3A_219 = arith.index_cast %parallel_loop3A_216 : i32 to index
      %parallel_loop3A_220 = tpu.vector_load %arg8[%parallel_loop3A_218, %parallel_loop3A_219] {strides = array<i32>} : memref<8x2048xf32, #tpu.memory_space<vmem>>, vector<16xf32>,
      tpu.vector_store %arg8[%parallel_loop3A_218, %parallel_loop3A_219], %parallel_loop3A_197 {strides = array<i32>} : memref<8x2048xf32, #tpu.memory_space<vmem>>, vector<16xf32>,
      %parallel_loop3A_221 = arith.constant 16 : i32
      %parallel_loop3A_222 = arith.muli %parallel_loop3A_188, %parallel_loop3A_221 : i32
      %parallel_loop3A_223 = arith.constant 3 : i32
      %parallel_loop3A_224 = arith.index_cast %parallel_loop3A_223 : i32 to index
      %parallel_loop3A_225 = arith.index_cast %parallel_loop3A_222 : i32 to index
      %parallel_loop3A_226 = tpu.vector_load %arg8[%parallel_loop3A_224, %parallel_loop3A_225] {strides = array<i32>} : memref<8x2048xf32, #tpu.memory_space<vmem>>, vector<16xf32>,
      tpu.vector_store %arg8[%parallel_loop3A_224, %parallel_loop3A_225], %parallel_loop3A_198 {strides = array<i32>} : memref<8x2048xf32, #tpu.memory_space<vmem>>, vector<16xf32>,
      %parallel_loop3A_227 = arith.constant 16 : i32
      %parallel_loop3A_228 = arith.muli %parallel_loop3A_188, %parallel_loop3A_227 : i32
      %parallel_loop3A_229 = arith.constant 4 : i32
      %parallel_loop3A_230 = arith.index_cast %parallel_loop3A_229 : i32 to index
      %parallel_loop3A_231 = arith.index_cast %parallel_loop3A_228 : i32 to index
      %parallel_loop3A_232 = tpu.vector_load %arg8[%parallel_loop3A_230, %parallel_loop3A_231] {strides = array<i32>} : memref<8x2048xf32, #tpu.memory_space<vmem>>, vector<16xf32>,
      tpu.vector_store %arg8[%parallel_loop3A_230, %parallel_loop3A_231], %parallel_loop3A_199 {strides = array<i32>} : memref<8x2048xf32, #tpu.memory_space<vmem>>, vector<16xf32>,
      %parallel_loop3A_233 = arith.constant 16 : i32
      %parallel_loop3A_234 = arith.muli %parallel_loop3A_188, %parallel_loop3A_233 : i32
      %parallel_loop3A_235 = arith.constant 5 : i32
      %parallel_loop3A_236 = arith.index_cast %parallel_loop3A_235 : i32 to index
      %parallel_loop3A_237 = arith.index_cast %parallel_loop3A_234 : i32 to index
      %parallel_loop3A_238 = tpu.vector_load %arg8[%parallel_loop3A_236, %parallel_loop3A_237] {strides = array<i32>} : memref<8x2048xf32, #tpu.memory_space<vmem>>, vector<16xf32>,
      tpu.vector_store %arg8[%parallel_loop3A_236, %parallel_loop3A_237], %parallel_loop3A_200 {strides = array<i32>} : memref<8x2048xf32, #tpu.memory_space<vmem>>, vector<16xf32>,
      %parallel_loop3A_239 = arith.constant 16 : i32
      %parallel_loop3A_240 = arith.muli %parallel_loop3A_188, %parallel_loop3A_239 : i32
      %parallel_loop3A_241 = arith.constant 6 : i32
      %parallel_loop3A_242 = arith.index_cast %parallel_loop3A_241 : i32 to index
      %parallel_loop3A_243 = arith.index_cast %parallel_loop3A_240 : i32 to index
      %parallel_loop3A_244 = tpu.vector_load %arg8[%parallel_loop3A_242, %parallel_loop3A_243] {strides = array<i32>} : memref<8x2048xf32, #tpu.memory_space<vmem>>, vector<16xf32>,
      tpu.vector_store %arg8[%parallel_loop3A_242, %parallel_loop3A_243], %parallel_loop3A_201 {strides = array<i32>} : memref<8x2048xf32, #tpu.memory_space<vmem>>, vector<16xf32>,
      %parallel_loop3A_245 = arith.constant 16 : i32
      %parallel_loop3A_246 = arith.muli %parallel_loop3A_188, %parallel_loop3A_245 : i32
      %parallel_loop3A_247 = arith.constant 7 : i32
      %parallel_loop3A_248 = arith.index_cast %parallel_loop3A_247 : i32 to index
      %parallel_loop3A_249 = arith.index_cast %parallel_loop3A_246 : i32 to index
      %parallel_loop3A_250 = tpu.vector_load %arg8[%parallel_loop3A_248, %parallel_loop3A_249] {strides = array<i32>} : memref<8x2048xf32, #tpu.memory_space<vmem>>, vector<16xf32>,
      tpu.vector_store %arg8[%parallel_loop3A_248, %parallel_loop3A_249], %parallel_loop3A_202 {strides = array<i32>} : memref<8x2048xf32, #tpu.memory_space<vmem>>, vector<16xf32>,
    } {sc.loop_unroll_factor = 2 : i64, sc.parallel_access}
    %add3A_36 = arith.constant 0 : i32
    %add3A_37 = arith.addi %mul3A_2, %add3A_36 : i32
    %dma_start3A_38 = arith.constant 0 : i32
    %dma_start3A_39 = tpu.memref_slice %arg4[%add3A_37, %dma_start3A_38] : memref<8192x4096xf32, #tpu.memory_space<hbm>> -> memref<8x2048xf32, #tpu.memory_space<hbm>>
    %dma_start3A_40 = arith.constant 0 : i32
    %dma_start3A_41 = tpu.memref_slice %arg4[%add3A_37, %dma_start3A_40] : memref<8192x4096xf32, #tpu.memory_space<hbm>> -> memref<8x2048xf32, #tpu.memory_space<hbm>>
    tpu.enqueue_dma source(%arg8 : memref<8x2048xf32, #tpu.memory_space<vmem>>) target(%dma_start3A_41 : memref<8x2048xf32, #tpu.memory_space<hbm>>) target_semaphore(%arg12 : memref<!tpu.dma_semaphore, #tpu.memory_space<semaphore_mem>>)
    %parallel_loop3A_42 = arith.constant 0 : i32
    %parallel_loop3A_43 = arith.constant 128 : i32
    %parallel_loop3A_44 = arith.constant 1 : i32
    scf.for %parallel_loop3A_188 = %parallel_loop3A_42 to %parallel_loop3A_43 step %parallel_loop3A_44  : i32 {
      %parallel_loop3A_189 = arith.constant 128 : i32
      %parallel_loop3A_190 = arith.addi %parallel_loop3A_189, %parallel_loop3A_188 : i32
      %parallel_loop3A_191 = arith.constant 16 : i32
      %parallel_loop3A_192 = arith.muli %parallel_loop3A_190, %parallel_loop3A_191 : i32
      %parallel_loop3A_193 = arith.index_cast %parallel_loop3A_192 : i32 to index
      %parallel_loop3A_194 = tpu.vector_load %arg5[%parallel_loop3A_193] {strides = array<i32>} : memref<4096xi32, #tpu.memory_space<vmem>>, vector<16xi32>,
      %parallel_loop3A_195 = tpu.vector_load_idx %arg6[%broadcast_in_dim3A_3, %parallel_loop3A_194] : memref<8x4096xf32, #tpu.memory_space<vmem>>[vector<16xi32>, vector<16xi32>], vector<16xf32>,
      %parallel_loop3A_196 = tpu.vector_load_idx %arg6[%broadcast_in_dim3A_5, %parallel_loop3A_194] : memref<8x4096xf32, #tpu.memory_space<vmem>>[vector<16xi32>, vector<16xi32>], vector<16xf32>,
      %parallel_loop3A_197 = tpu.vector_load_idx %arg6[%broadcast_in_dim3A_7, %parallel_loop3A_194] : memref<8x4096xf32, #tpu.memory_space<vmem>>[vector<16xi32>, vector<16xi32>], vector<16xf32>,
      %parallel_loop3A_198 = tpu.vector_load_idx %arg6[%broadcast_in_dim3A_9, %parallel_loop3A_194] : memref<8x4096xf32, #tpu.memory_space<vmem>>[vector<16xi32>, vector<16xi32>], vector<16xf32>,
      %parallel_loop3A_199 = tpu.vector_load_idx %arg6[%broadcast_in_dim3A_11, %parallel_loop3A_194] : memref<8x4096xf32, #tpu.memory_space<vmem>>[vector<16xi32>, vector<16xi32>], vector<16xf32>,
      %parallel_loop3A_200 = tpu.vector_load_idx %arg6[%broadcast_in_dim3A_13, %parallel_loop3A_194] : memref<8x4096xf32, #tpu.memory_space<vmem>>[vector<16xi32>, vector<16xi32>], vector<16xf32>,
      %parallel_loop3A_201 = tpu.vector_load_idx %arg6[%broadcast_in_dim3A_15, %parallel_loop3A_194] : memref<8x4096xf32, #tpu.memory_space<vmem>>[vector<16xi32>, vector<16xi32>], vector<16xf32>,
      %parallel_loop3A_202 = tpu.vector_load_idx %arg6[%broadcast_in_dim3A_17, %parallel_loop3A_194] : memref<8x4096xf32, #tpu.memory_space<vmem>>[vector<16xi32>, vector<16xi32>], vector<16xf32>,
      %parallel_loop3A_203 = arith.constant 16 : i32
      %parallel_loop3A_204 = arith.muli %parallel_loop3A_188, %parallel_loop3A_203 : i32
      %parallel_loop3A_205 = arith.constant 0 : i32
      %parallel_loop3A_206 = arith.index_cast %parallel_loop3A_205 : i32 to index
      %parallel_loop3A_207 = arith.index_cast %parallel_loop3A_204 : i32 to index
      %parallel_loop3A_208 = tpu.vector_load %arg9[%parallel_loop3A_206, %parallel_loop3A_207] {strides = array<i32>} : memref<8x2048xf32, #tpu.memory_space<vmem>>, vector<16xf32>,
      tpu.vector_store %arg9[%parallel_loop3A_206, %parallel_loop3A_207], %parallel_loop3A_195 {strides = array<i32>} : memref<8x2048xf32, #tpu.memory_space<vmem>>, vector<16xf32>,
      %parallel_loop3A_209 = arith.constant 16 : i32
      %parallel_loop3A_210 = arith.muli %parallel_loop3A_188, %parallel_loop3A_209 : i32
      %parallel_loop3A_211 = arith.constant 1 : i32
      %parallel_loop3A_212 = arith.index_cast %parallel_loop3A_211 : i32 to index
      %parallel_loop3A_213 = arith.index_cast %parallel_loop3A_210 : i32 to index
      %parallel_loop3A_214 = tpu.vector_load %arg9[%parallel_loop3A_212, %parallel_loop3A_213] {strides = array<i32>} : memref<8x2048xf32, #tpu.memory_space<vmem>>, vector<16xf32>,
      tpu.vector_store %arg9[%parallel_loop3A_212, %parallel_loop3A_213], %parallel_loop3A_196 {strides = array<i32>} : memref<8x2048xf32, #tpu.memory_space<vmem>>, vector<16xf32>,
      %parallel_loop3A_215 = arith.constant 16 : i32
      %parallel_loop3A_216 = arith.muli %parallel_loop3A_188, %parallel_loop3A_215 : i32
      %parallel_loop3A_217 = arith.constant 2 : i32
      %parallel_loop3A_218 = arith.index_cast %parallel_loop3A_217 : i32 to index
      %parallel_loop3A_219 = arith.index_cast %parallel_loop3A_216 : i32 to index
      %parallel_loop3A_220 = tpu.vector_load %arg9[%parallel_loop3A_218, %parallel_loop3A_219] {strides = array<i32>} : memref<8x2048xf32, #tpu.memory_space<vmem>>, vector<16xf32>,
      tpu.vector_store %arg9[%parallel_loop3A_218, %parallel_loop3A_219], %parallel_loop3A_197 {strides = array<i32>} : memref<8x2048xf32, #tpu.memory_space<vmem>>, vector<16xf32>,
      %parallel_loop3A_221 = arith.constant 16 : i32
      %parallel_loop3A_222 = arith.muli %parallel_loop3A_188, %parallel_loop3A_221 : i32
      %parallel_loop3A_223 = arith.constant 3 : i32
      %parallel_loop3A_224 = arith.index_cast %parallel_loop3A_223 : i32 to index
      %parallel_loop3A_225 = arith.index_cast %parallel_loop3A_222 : i32 to index
      %parallel_loop3A_226 = tpu.vector_load %arg9[%parallel_loop3A_224, %parallel_loop3A_225] {strides = array<i32>} : memref<8x2048xf32, #tpu.memory_space<vmem>>, vector<16xf32>,
      tpu.vector_store %arg9[%parallel_loop3A_224, %parallel_loop3A_225], %parallel_loop3A_198 {strides = array<i32>} : memref<8x2048xf32, #tpu.memory_space<vmem>>, vector<16xf32>,
      %parallel_loop3A_227 = arith.constant 16 : i32
      %parallel_loop3A_228 = arith.muli %parallel_loop3A_188, %parallel_loop3A_227 : i32
      %parallel_loop3A_229 = arith.constant 4 : i32
      %parallel_loop3A_230 = arith.index_cast %parallel_loop3A_229 : i32 to index
      %parallel_loop3A_231 = arith.index_cast %parallel_loop3A_228 : i32 to index
      %parallel_loop3A_232 = tpu.vector_load %arg9[%parallel_loop3A_230, %parallel_loop3A_231] {strides = array<i32>} : memref<8x2048xf32, #tpu.memory_space<vmem>>, vector<16xf32>,
      tpu.vector_store %arg9[%parallel_loop3A_230, %parallel_loop3A_231], %parallel_loop3A_199 {strides = array<i32>} : memref<8x2048xf32, #tpu.memory_space<vmem>>, vector<16xf32>,
      %parallel_loop3A_233 = arith.constant 16 : i32
      %parallel_loop3A_234 = arith.muli %parallel_loop3A_188, %parallel_loop3A_233 : i32
      %parallel_loop3A_235 = arith.constant 5 : i32
      %parallel_loop3A_236 = arith.index_cast %parallel_loop3A_235 : i32 to index
      %parallel_loop3A_237 = arith.index_cast %parallel_loop3A_234 : i32 to index
      %parallel_loop3A_238 = tpu.vector_load %arg9[%parallel_loop3A_236, %parallel_loop3A_237] {strides = array<i32>} : memref<8x2048xf32, #tpu.memory_space<vmem>>, vector<16xf32>,
      tpu.vector_store %arg9[%parallel_loop3A_236, %parallel_loop3A_237], %parallel_loop3A_200 {strides = array<i32>} : memref<8x2048xf32, #tpu.memory_space<vmem>>, vector<16xf32>,
      %parallel_loop3A_239 = arith.constant 16 : i32
      %parallel_loop3A_240 = arith.muli %parallel_loop3A_188, %parallel_loop3A_239 : i32
      %parallel_loop3A_241 = arith.constant 6 : i32
      %parallel_loop3A_242 = arith.index_cast %parallel_loop3A_241 : i32 to index
      %parallel_loop3A_243 = arith.index_cast %parallel_loop3A_240 : i32 to index
      %parallel_loop3A_244 = tpu.vector_load %arg9[%parallel_loop3A_242, %parallel_loop3A_243] {strides = array<i32>} : memref<8x2048xf32, #tpu.memory_space<vmem>>, vector<16xf32>,
      tpu.vector_store %arg9[%parallel_loop3A_242, %parallel_loop3A_243], %parallel_loop3A_201 {strides = array<i32>} : memref<8x2048xf32, #tpu.memory_space<vmem>>, vector<16xf32>,
      %parallel_loop3A_245 = arith.constant 16 : i32
      %parallel_loop3A_246 = arith.muli %parallel_loop3A_188, %parallel_loop3A_245 : i32
      %parallel_loop3A_247 = arith.constant 7 : i32
      %parallel_loop3A_248 = arith.index_cast %parallel_loop3A_247 : i32 to index
      %parallel_loop3A_249 = arith.index_cast %parallel_loop3A_246 : i32 to index
      %parallel_loop3A_250 = tpu.vector_load %arg9[%parallel_loop3A_248, %parallel_loop3A_249] {strides = array<i32>} : memref<8x2048xf32, #tpu.memory_space<vmem>>, vector<16xf32>,
      tpu.vector_store %arg9[%parallel_loop3A_248, %parallel_loop3A_249], %parallel_loop3A_202 {strides = array<i32>} : memref<8x2048xf32, #tpu.memory_space<vmem>>, vector<16xf32>,
    } {sc.loop_unroll_factor = 2 : i64, sc.parallel_access}
    %add3A_45 = arith.constant 0 : i32
    %add3A_46 = arith.addi %mul3A_2, %add3A_45 : i32
    %dma_start3A_47 = arith.constant 2048 : i32
    %dma_start3A_48 = tpu.memref_slice %arg4[%add3A_46, %dma_start3A_47] : memref<8192x4096xf32, #tpu.memory_space<hbm>> -> memref<8x2048xf32, #tpu.memory_space<hbm>>
    %dma_start3A_49 = arith.constant 2048 : i32
    %dma_start3A_50 = tpu.memref_slice %arg4[%add3A_46, %dma_start3A_49] : memref<8192x4096xf32, #tpu.memory_space<hbm>> -> memref<8x2048xf32, #tpu.memory_space<hbm>>
    tpu.enqueue_dma source(%arg9 : memref<8x2048xf32, #tpu.memory_space<vmem>>) target(%dma_start3A_50 : memref<8x2048xf32, #tpu.memory_space<hbm>>) target_semaphore(%arg13 : memref<!tpu.dma_semaphore, #tpu.memory_space<semaphore_mem>>)
    %add3A_51 = arith.constant 16 : i32
    %add3A_52 = arith.addi %mul3A_2, %add3A_51 : i32
    %dma_start3A_53 = arith.constant 0 : i32
    %dma_start3A_54 = tpu.memref_slice %arg2[%add3A_52, %dma_start3A_53] : memref<8192x4096xf32, #tpu.memory_space<hbm>> -> memref<8x4096xf32, #tpu.memory_space<hbm>>
    %dma_start3A_55 = arith.constant 0 : i32
    %dma_start3A_56 = tpu.memref_slice %arg2[%add3A_52, %dma_start3A_55] : memref<8192x4096xf32, #tpu.memory_space<hbm>> -> memref<8x4096xf32, #tpu.memory_space<hbm>>
    tpu.enqueue_dma source(%dma_start3A_56 : memref<8x4096xf32, #tpu.memory_space<hbm>>) target(%arg6 : memref<8x4096xf32, #tpu.memory_space<vmem>>) target_semaphore(%arg10 : memref<!tpu.dma_semaphore, #tpu.memory_space<semaphore_mem>>)
    %scan3A = arith.constant 0 : i32
    %scan3A_57 = arith.constant 0 : i32
    %scan3A_58 = arith.constant 14 : i32
    %scan3A_59 = arith.addi %scan3A_57, %scan3A_58 : i32
    %scan3A_60 = arith.constant 1 : i32
    scf.for %scan3A_188 = %scan3A_57 to %scan3A_59 step %scan3A_60  : i32 {
      %mul3A_189 = arith.constant 2 : i32
      %mul3A_190 = arith.muli %scan3A_188, %mul3A_189 : i32
      %add3A_191 = arith.constant 1 : i32
      %add3A_192 = arith.addi %mul3A_190, %add3A_191 : i32
      %mul3A_193 = arith.constant 8 : i32
      %mul3A_194 = arith.muli %add3A_192, %mul3A_193 : i32
      %add3A_195 = arith.addi %mul3A_2, %mul3A_194 : i32
      %dma_wait3A_196 = arith.constant 0 : i32
      %dma_wait3A_197 = tpu.memref_slice %arg2[%add3A_195, %dma_wait3A_196] : memref<8192x4096xf32, #tpu.memory_space<hbm>> -> memref<8x4096xf32, #tpu.memory_space<hbm>>
      %dma_wait3A_198 = arith.constant 0 : i32
      %dma_wait3A_199 = tpu.memref_slice %arg2[%add3A_195, %dma_wait3A_198] : memref<8192x4096xf32, #tpu.memory_space<hbm>> -> memref<8x4096xf32, #tpu.memory_space<hbm>>
      tpu.wait_dma2 semaphore(%arg11 : memref<!tpu.dma_semaphore, #tpu.memory_space<semaphore_mem>>) src(%dma_wait3A_199 : memref<8x4096xf32, #tpu.memory_space<hbm>>) dst(%arg7 : memref<8x4096xf32, #tpu.memory_space<vmem>>)
      %sub3A = arith.constant 1 : i32
      %sub3A_200 = arith.subi %add3A_192, %sub3A : i32
      %mul3A_201 = arith.constant 8 : i32
      %mul3A_202 = arith.muli %sub3A_200, %mul3A_201 : i32
      %add3A_203 = arith.addi %mul3A_2, %mul3A_202 : i32
      %dma_wait3A_204 = arith.constant 0 : i32
      %dma_wait3A_205 = tpu.memref_slice %arg4[%add3A_203, %dma_wait3A_204] : memref<8192x4096xf32, #tpu.memory_space<hbm>> -> memref<8x2048xf32, #tpu.memory_space<hbm>>
      %dma_wait3A_206 = arith.constant 0 : i32
      %dma_wait3A_207 = tpu.memref_slice %arg4[%add3A_203, %dma_wait3A_206] : memref<8192x4096xf32, #tpu.memory_space<hbm>> -> memref<8x2048xf32, #tpu.memory_space<hbm>>
      tpu.wait_dma2 semaphore(%arg12 : memref<!tpu.dma_semaphore, #tpu.memory_space<semaphore_mem>>) src(%arg8 : memref<8x2048xf32, #tpu.memory_space<vmem>>) dst(%dma_wait3A_207 : memref<8x2048xf32, #tpu.memory_space<hbm>>)
      %parallel_loop3A_208 = arith.constant 0 : i32
      %parallel_loop3A_209 = arith.constant 128 : i32
      %parallel_loop3A_210 = arith.constant 1 : i32
      scf.for %parallel_loop3A_304 = %parallel_loop3A_208 to %parallel_loop3A_209 step %parallel_loop3A_210  : i32 {
        %parallel_loop3A_305 = arith.constant 0 : i32
        %parallel_loop3A_306 = arith.addi %parallel_loop3A_305, %parallel_loop3A_304 : i32
        %parallel_loop3A_307 = arith.constant 16 : i32
        %parallel_loop3A_308 = arith.muli %parallel_loop3A_306, %parallel_loop3A_307 : i32
        %parallel_loop3A_309 = arith.index_cast %parallel_loop3A_308 : i32 to index
        %parallel_loop3A_310 = tpu.vector_load %arg5[%parallel_loop3A_309] {strides = array<i32>} : memref<4096xi32, #tpu.memory_space<vmem>>, vector<16xi32>,
        %parallel_loop3A_311 = tpu.vector_load_idx %arg7[%broadcast_in_dim3A_3, %parallel_loop3A_310] : memref<8x4096xf32, #tpu.memory_space<vmem>>[vector<16xi32>, vector<16xi32>], vector<16xf32>,
        %parallel_loop3A_312 = tpu.vector_load_idx %arg7[%broadcast_in_dim3A_5, %parallel_loop3A_310] : memref<8x4096xf32, #tpu.memory_space<vmem>>[vector<16xi32>, vector<16xi32>], vector<16xf32>,
        %parallel_loop3A_313 = tpu.vector_load_idx %arg7[%broadcast_in_dim3A_7, %parallel_loop3A_310] : memref<8x4096xf32, #tpu.memory_space<vmem>>[vector<16xi32>, vector<16xi32>], vector<16xf32>,
        %parallel_loop3A_314 = tpu.vector_load_idx %arg7[%broadcast_in_dim3A_9, %parallel_loop3A_310] : memref<8x4096xf32, #tpu.memory_space<vmem>>[vector<16xi32>, vector<16xi32>], vector<16xf32>,
        %parallel_loop3A_315 = tpu.vector_load_idx %arg7[%broadcast_in_dim3A_11, %parallel_loop3A_310] : memref<8x4096xf32, #tpu.memory_space<vmem>>[vector<16xi32>, vector<16xi32>], vector<16xf32>,
        %parallel_loop3A_316 = tpu.vector_load_idx %arg7[%broadcast_in_dim3A_13, %parallel_loop3A_310] : memref<8x4096xf32, #tpu.memory_space<vmem>>[vector<16xi32>, vector<16xi32>], vector<16xf32>,
        %parallel_loop3A_317 = tpu.vector_load_idx %arg7[%broadcast_in_dim3A_15, %parallel_loop3A_310] : memref<8x4096xf32, #tpu.memory_space<vmem>>[vector<16xi32>, vector<16xi32>], vector<16xf32>,
        %parallel_loop3A_318 = tpu.vector_load_idx %arg7[%broadcast_in_dim3A_17, %parallel_loop3A_310] : memref<8x4096xf32, #tpu.memory_space<vmem>>[vector<16xi32>, vector<16xi32>], vector<16xf32>,
        %parallel_loop3A_319 = arith.constant 16 : i32
        %parallel_loop3A_320 = arith.muli %parallel_loop3A_304, %parallel_loop3A_319 : i32
        %parallel_loop3A_321 = arith.constant 0 : i32
        %parallel_loop3A_322 = arith.index_cast %parallel_loop3A_321 : i32 to index
        %parallel_loop3A_323 = arith.index_cast %parallel_loop3A_320 : i32 to index
        %parallel_loop3A_324 = tpu.vector_load %arg8[%parallel_loop3A_322, %parallel_loop3A_323] {strides = array<i32>} : memref<8x2048xf32, #tpu.memory_space<vmem>>, vector<16xf32>,
        tpu.vector_store %arg8[%parallel_loop3A_322, %parallel_loop3A_323], %parallel_loop3A_311 {strides = array<i32>} : memref<8x2048xf32, #tpu.memory_space<vmem>>, vector<16xf32>,
        %parallel_loop3A_325 = arith.constant 16 : i32
        %parallel_loop3A_326 = arith.muli %parallel_loop3A_304, %parallel_loop3A_325 : i32
        %parallel_loop3A_327 = arith.constant 1 : i32
        %parallel_loop3A_328 = arith.index_cast %parallel_loop3A_327 : i32 to index
        %parallel_loop3A_329 = arith.index_cast %parallel_loop3A_326 : i32 to index
        %parallel_loop3A_330 = tpu.vector_load %arg8[%parallel_loop3A_328, %parallel_loop3A_329] {strides = array<i32>} : memref<8x2048xf32, #tpu.memory_space<vmem>>, vector<16xf32>,
        tpu.vector_store %arg8[%parallel_loop3A_328, %parallel_loop3A_329], %parallel_loop3A_312 {strides = array<i32>} : memref<8x2048xf32, #tpu.memory_space<vmem>>, vector<16xf32>,
        %parallel_loop3A_331 = arith.constant 16 : i32
        %parallel_loop3A_332 = arith.muli %parallel_loop3A_304, %parallel_loop3A_331 : i32
        %parallel_loop3A_333 = arith.constant 2 : i32
        %parallel_loop3A_334 = arith.index_cast %parallel_loop3A_333 : i32 to index
        %parallel_loop3A_335 = arith.index_cast %parallel_loop3A_332 : i32 to index
        %parallel_loop3A_336 = tpu.vector_load %arg8[%parallel_loop3A_334, %parallel_loop3A_335] {strides = array<i32>} : memref<8x2048xf32, #tpu.memory_space<vmem>>, vector<16xf32>,
        tpu.vector_store %arg8[%parallel_loop3A_334, %parallel_loop3A_335], %parallel_loop3A_313 {strides = array<i32>} : memref<8x2048xf32, #tpu.memory_space<vmem>>, vector<16xf32>,
        %parallel_loop3A_337 = arith.constant 16 : i32
        %parallel_loop3A_338 = arith.muli %parallel_loop3A_304, %parallel_loop3A_337 : i32
        %parallel_loop3A_339 = arith.constant 3 : i32
        %parallel_loop3A_340 = arith.index_cast %parallel_loop3A_339 : i32 to index
        %parallel_loop3A_341 = arith.index_cast %parallel_loop3A_338 : i32 to index
        %parallel_loop3A_342 = tpu.vector_load %arg8[%parallel_loop3A_340, %parallel_loop3A_341] {strides = array<i32>} : memref<8x2048xf32, #tpu.memory_space<vmem>>, vector<16xf32>,
        tpu.vector_store %arg8[%parallel_loop3A_340, %parallel_loop3A_341], %parallel_loop3A_314 {strides = array<i32>} : memref<8x2048xf32, #tpu.memory_space<vmem>>, vector<16xf32>,
        %parallel_loop3A_343 = arith.constant 16 : i32
        %parallel_loop3A_344 = arith.muli %parallel_loop3A_304, %parallel_loop3A_343 : i32
        %parallel_loop3A_345 = arith.constant 4 : i32
        %parallel_loop3A_346 = arith.index_cast %parallel_loop3A_345 : i32 to index
        %parallel_loop3A_347 = arith.index_cast %parallel_loop3A_344 : i32 to index
        %parallel_loop3A_348 = tpu.vector_load %arg8[%parallel_loop3A_346, %parallel_loop3A_347] {strides = array<i32>} : memref<8x2048xf32, #tpu.memory_space<vmem>>, vector<16xf32>,
        tpu.vector_store %arg8[%parallel_loop3A_346, %parallel_loop3A_347], %parallel_loop3A_315 {strides = array<i32>} : memref<8x2048xf32, #tpu.memory_space<vmem>>, vector<16xf32>,
        %parallel_loop3A_349 = arith.constant 16 : i32
        %parallel_loop3A_350 = arith.muli %parallel_loop3A_304, %parallel_loop3A_349 : i32
        %parallel_loop3A_351 = arith.constant 5 : i32
        %parallel_loop3A_352 = arith.index_cast %parallel_loop3A_351 : i32 to index
        %parallel_loop3A_353 = arith.index_cast %parallel_loop3A_350 : i32 to index
        %parallel_loop3A_354 = tpu.vector_load %arg8[%parallel_loop3A_352, %parallel_loop3A_353] {strides = array<i32>} : memref<8x2048xf32, #tpu.memory_space<vmem>>, vector<16xf32>,
        tpu.vector_store %arg8[%parallel_loop3A_352, %parallel_loop3A_353], %parallel_loop3A_316 {strides = array<i32>} : memref<8x2048xf32, #tpu.memory_space<vmem>>, vector<16xf32>,
        %parallel_loop3A_355 = arith.constant 16 : i32
        %parallel_loop3A_356 = arith.muli %parallel_loop3A_304, %parallel_loop3A_355 : i32
        %parallel_loop3A_357 = arith.constant 6 : i32
        %parallel_loop3A_358 = arith.index_cast %parallel_loop3A_357 : i32 to index
        %parallel_loop3A_359 = arith.index_cast %parallel_loop3A_356 : i32 to index
        %parallel_loop3A_360 = tpu.vector_load %arg8[%parallel_loop3A_358, %parallel_loop3A_359] {strides = array<i32>} : memref<8x2048xf32, #tpu.memory_space<vmem>>, vector<16xf32>,
        tpu.vector_store %arg8[%parallel_loop3A_358, %parallel_loop3A_359], %parallel_loop3A_317 {strides = array<i32>} : memref<8x2048xf32, #tpu.memory_space<vmem>>, vector<16xf32>,
        %parallel_loop3A_361 = arith.constant 16 : i32
        %parallel_loop3A_362 = arith.muli %parallel_loop3A_304, %parallel_loop3A_361 : i32
        %parallel_loop3A_363 = arith.constant 7 : i32
        %parallel_loop3A_364 = arith.index_cast %parallel_loop3A_363 : i32 to index
        %parallel_loop3A_365 = arith.index_cast %parallel_loop3A_362 : i32 to index
        %parallel_loop3A_366 = tpu.vector_load %arg8[%parallel_loop3A_364, %parallel_loop3A_365] {strides = array<i32>} : memref<8x2048xf32, #tpu.memory_space<vmem>>, vector<16xf32>,
        tpu.vector_store %arg8[%parallel_loop3A_364, %parallel_loop3A_365], %parallel_loop3A_318 {strides = array<i32>} : memref<8x2048xf32, #tpu.memory_space<vmem>>, vector<16xf32>,
      } {sc.loop_unroll_factor = 2 : i64, sc.parallel_access}
      %mul3A_211 = arith.constant 8 : i32
      %mul3A_212 = arith.muli %add3A_192, %mul3A_211 : i32
      %add3A_213 = arith.addi %mul3A_2, %mul3A_212 : i32
      %dma_start3A_214 = arith.constant 0 : i32
      %dma_start3A_215 = tpu.memref_slice %arg4[%add3A_213, %dma_start3A_214] : memref<8192x4096xf32, #tpu.memory_space<hbm>> -> memref<8x2048xf32, #tpu.memory_space<hbm>>
      %dma_start3A_216 = arith.constant 0 : i32
      %dma_start3A_217 = tpu.memref_slice %arg4[%add3A_213, %dma_start3A_216] : memref<8192x4096xf32, #tpu.memory_space<hbm>> -> memref<8x2048xf32, #tpu.memory_space<hbm>>
      tpu.enqueue_dma source(%arg8 : memref<8x2048xf32, #tpu.memory_space<vmem>>) target(%dma_start3A_217 : memref<8x2048xf32, #tpu.memory_space<hbm>>) target_semaphore(%arg12 : memref<!tpu.dma_semaphore, #tpu.memory_space<semaphore_mem>>)
      %sub3A_218 = arith.constant 1 : i32
      %sub3A_219 = arith.subi %add3A_192, %sub3A_218 : i32
      %mul3A_220 = arith.constant 8 : i32
      %mul3A_221 = arith.muli %sub3A_219, %mul3A_220 : i32
      %add3A_222 = arith.addi %mul3A_2, %mul3A_221 : i32
      %dma_wait3A_223 = arith.constant 2048 : i32
      %dma_wait3A_224 = tpu.memref_slice %arg4[%add3A_222, %dma_wait3A_223] : memref<8192x4096xf32, #tpu.memory_space<hbm>> -> memref<8x2048xf32, #tpu.memory_space<hbm>>
      %dma_wait3A_225 = arith.constant 2048 : i32
      %dma_wait3A_226 = tpu.memref_slice %arg4[%add3A_222, %dma_wait3A_225] : memref<8192x4096xf32, #tpu.memory_space<hbm>> -> memref<8x2048xf32, #tpu.memory_space<hbm>>
      tpu.wait_dma2 semaphore(%arg13 : memref<!tpu.dma_semaphore, #tpu.memory_space<semaphore_mem>>) src(%arg9 : memref<8x2048xf32, #tpu.memory_space<vmem>>) dst(%dma_wait3A_226 : memref<8x2048xf32, #tpu.memory_space<hbm>>)
      %parallel_loop3A_227 = arith.constant 0 : i32
      %parallel_loop3A_228 = arith.constant 128 : i32
      %parallel_loop3A_229 = arith.constant 1 : i32
      scf.for %parallel_loop3A_304 = %parallel_loop3A_227 to %parallel_loop3A_228 step %parallel_loop3A_229  : i32 {
        %parallel_loop3A_305 = arith.constant 128 : i32
        %parallel_loop3A_306 = arith.addi %parallel_loop3A_305, %parallel_loop3A_304 : i32
        %parallel_loop3A_307 = arith.constant 16 : i32
        %parallel_loop3A_308 = arith.muli %parallel_loop3A_306, %parallel_loop3A_307 : i32
        %parallel_loop3A_309 = arith.index_cast %parallel_loop3A_308 : i32 to index
        %parallel_loop3A_310 = tpu.vector_load %arg5[%parallel_loop3A_309] {strides = array<i32>} : memref<4096xi32, #tpu.memory_space<vmem>>, vector<16xi32>,
        %parallel_loop3A_311 = tpu.vector_load_idx %arg7[%broadcast_in_dim3A_3, %parallel_loop3A_310] : memref<8x4096xf32, #tpu.memory_space<vmem>>[vector<16xi32>, vector<16xi32>], vector<16xf32>,
        %parallel_loop3A_312 = tpu.vector_load_idx %arg7[%broadcast_in_dim3A_5, %parallel_loop3A_310] : memref<8x4096xf32, #tpu.memory_space<vmem>>[vector<16xi32>, vector<16xi32>], vector<16xf32>,
        %parallel_loop3A_313 = tpu.vector_load_idx %arg7[%broadcast_in_dim3A_7, %parallel_loop3A_310] : memref<8x4096xf32, #tpu.memory_space<vmem>>[vector<16xi32>, vector<16xi32>], vector<16xf32>,
        %parallel_loop3A_314 = tpu.vector_load_idx %arg7[%broadcast_in_dim3A_9, %parallel_loop3A_310] : memref<8x4096xf32, #tpu.memory_space<vmem>>[vector<16xi32>, vector<16xi32>], vector<16xf32>,
        %parallel_loop3A_315 = tpu.vector_load_idx %arg7[%broadcast_in_dim3A_11, %parallel_loop3A_310] : memref<8x4096xf32, #tpu.memory_space<vmem>>[vector<16xi32>, vector<16xi32>], vector<16xf32>,
        %parallel_loop3A_316 = tpu.vector_load_idx %arg7[%broadcast_in_dim3A_13, %parallel_loop3A_310] : memref<8x4096xf32, #tpu.memory_space<vmem>>[vector<16xi32>, vector<16xi32>], vector<16xf32>,
        %parallel_loop3A_317 = tpu.vector_load_idx %arg7[%broadcast_in_dim3A_15, %parallel_loop3A_310] : memref<8x4096xf32, #tpu.memory_space<vmem>>[vector<16xi32>, vector<16xi32>], vector<16xf32>,
        %parallel_loop3A_318 = tpu.vector_load_idx %arg7[%broadcast_in_dim3A_17, %parallel_loop3A_310] : memref<8x4096xf32, #tpu.memory_space<vmem>>[vector<16xi32>, vector<16xi32>], vector<16xf32>,
        %parallel_loop3A_319 = arith.constant 16 : i32
        %parallel_loop3A_320 = arith.muli %parallel_loop3A_304, %parallel_loop3A_319 : i32
        %parallel_loop3A_321 = arith.constant 0 : i32
        %parallel_loop3A_322 = arith.index_cast %parallel_loop3A_321 : i32 to index
        %parallel_loop3A_323 = arith.index_cast %parallel_loop3A_320 : i32 to index
        %parallel_loop3A_324 = tpu.vector_load %arg9[%parallel_loop3A_322, %parallel_loop3A_323] {strides = array<i32>} : memref<8x2048xf32, #tpu.memory_space<vmem>>, vector<16xf32>,
        tpu.vector_store %arg9[%parallel_loop3A_322, %parallel_loop3A_323], %parallel_loop3A_311 {strides = array<i32>} : memref<8x2048xf32, #tpu.memory_space<vmem>>, vector<16xf32>,
        %parallel_loop3A_325 = arith.constant 16 : i32
        %parallel_loop3A_326 = arith.muli %parallel_loop3A_304, %parallel_loop3A_325 : i32
        %parallel_loop3A_327 = arith.constant 1 : i32
        %parallel_loop3A_328 = arith.index_cast %parallel_loop3A_327 : i32 to index
        %parallel_loop3A_329 = arith.index_cast %parallel_loop3A_326 : i32 to index
        %parallel_loop3A_330 = tpu.vector_load %arg9[%parallel_loop3A_328, %parallel_loop3A_329] {strides = array<i32>} : memref<8x2048xf32, #tpu.memory_space<vmem>>, vector<16xf32>,
        tpu.vector_store %arg9[%parallel_loop3A_328, %parallel_loop3A_329], %parallel_loop3A_312 {strides = array<i32>} : memref<8x2048xf32, #tpu.memory_space<vmem>>, vector<16xf32>,
        %parallel_loop3A_331 = arith.constant 16 : i32
        %parallel_loop3A_332 = arith.muli %parallel_loop3A_304, %parallel_loop3A_331 : i32
        %parallel_loop3A_333 = arith.constant 2 : i32
        %parallel_loop3A_334 = arith.index_cast %parallel_loop3A_333 : i32 to index
        %parallel_loop3A_335 = arith.index_cast %parallel_loop3A_332 : i32 to index
        %parallel_loop3A_336 = tpu.vector_load %arg9[%parallel_loop3A_334, %parallel_loop3A_335] {strides = array<i32>} : memref<8x2048xf32, #tpu.memory_space<vmem>>, vector<16xf32>,
        tpu.vector_store %arg9[%parallel_loop3A_334, %parallel_loop3A_335], %parallel_loop3A_313 {strides = array<i32>} : memref<8x2048xf32, #tpu.memory_space<vmem>>, vector<16xf32>,
        %parallel_loop3A_337 = arith.constant 16 : i32
        %parallel_loop3A_338 = arith.muli %parallel_loop3A_304, %parallel_loop3A_337 : i32
        %parallel_loop3A_339 = arith.constant 3 : i32
        %parallel_loop3A_340 = arith.index_cast %parallel_loop3A_339 : i32 to index
        %parallel_loop3A_341 = arith.index_cast %parallel_loop3A_338 : i32 to index
        %parallel_loop3A_342 = tpu.vector_load %arg9[%parallel_loop3A_340, %parallel_loop3A_341] {strides = array<i32>} : memref<8x2048xf32, #tpu.memory_space<vmem>>, vector<16xf32>,
        tpu.vector_store %arg9[%parallel_loop3A_340, %parallel_loop3A_341], %parallel_loop3A_314 {strides = array<i32>} : memref<8x2048xf32, #tpu.memory_space<vmem>>, vector<16xf32>,
        %parallel_loop3A_343 = arith.constant 16 : i32
        %parallel_loop3A_344 = arith.muli %parallel_loop3A_304, %parallel_loop3A_343 : i32
        %parallel_loop3A_345 = arith.constant 4 : i32
        %parallel_loop3A_346 = arith.index_cast %parallel_loop3A_345 : i32 to index
        %parallel_loop3A_347 = arith.index_cast %parallel_loop3A_344 : i32 to index
        %parallel_loop3A_348 = tpu.vector_load %arg9[%parallel_loop3A_346, %parallel_loop3A_347] {strides = array<i32>} : memref<8x2048xf32, #tpu.memory_space<vmem>>, vector<16xf32>,
        tpu.vector_store %arg9[%parallel_loop3A_346, %parallel_loop3A_347], %parallel_loop3A_315 {strides = array<i32>} : memref<8x2048xf32, #tpu.memory_space<vmem>>, vector<16xf32>,
        %parallel_loop3A_349 = arith.constant 16 : i32
        %parallel_loop3A_350 = arith.muli %parallel_loop3A_304, %parallel_loop3A_349 : i32
        %parallel_loop3A_351 = arith.constant 5 : i32
        %parallel_loop3A_352 = arith.index_cast %parallel_loop3A_351 : i32 to index
        %parallel_loop3A_353 = arith.index_cast %parallel_loop3A_350 : i32 to index
        %parallel_loop3A_354 = tpu.vector_load %arg9[%parallel_loop3A_352, %parallel_loop3A_353] {strides = array<i32>} : memref<8x2048xf32, #tpu.memory_space<vmem>>, vector<16xf32>,
        tpu.vector_store %arg9[%parallel_loop3A_352, %parallel_loop3A_353], %parallel_loop3A_316 {strides = array<i32>} : memref<8x2048xf32, #tpu.memory_space<vmem>>, vector<16xf32>,
        %parallel_loop3A_355 = arith.constant 16 : i32
        %parallel_loop3A_356 = arith.muli %parallel_loop3A_304, %parallel_loop3A_355 : i32
        %parallel_loop3A_357 = arith.constant 6 : i32
        %parallel_loop3A_358 = arith.index_cast %parallel_loop3A_357 : i32 to index
        %parallel_loop3A_359 = arith.index_cast %parallel_loop3A_356 : i32 to index
        %parallel_loop3A_360 = tpu.vector_load %arg9[%parallel_loop3A_358, %parallel_loop3A_359] {strides = array<i32>} : memref<8x2048xf32, #tpu.memory_space<vmem>>, vector<16xf32>,
        tpu.vector_store %arg9[%parallel_loop3A_358, %parallel_loop3A_359], %parallel_loop3A_317 {strides = array<i32>} : memref<8x2048xf32, #tpu.memory_space<vmem>>, vector<16xf32>,
        %parallel_loop3A_361 = arith.constant 16 : i32
        %parallel_loop3A_362 = arith.muli %parallel_loop3A_304, %parallel_loop3A_361 : i32
        %parallel_loop3A_363 = arith.constant 7 : i32
        %parallel_loop3A_364 = arith.index_cast %parallel_loop3A_363 : i32 to index
        %parallel_loop3A_365 = arith.index_cast %parallel_loop3A_362 : i32 to index
        %parallel_loop3A_366 = tpu.vector_load %arg9[%parallel_loop3A_364, %parallel_loop3A_365] {strides = array<i32>} : memref<8x2048xf32, #tpu.memory_space<vmem>>, vector<16xf32>,
        tpu.vector_store %arg9[%parallel_loop3A_364, %parallel_loop3A_365], %parallel_loop3A_318 {strides = array<i32>} : memref<8x2048xf32, #tpu.memory_space<vmem>>, vector<16xf32>,
      } {sc.loop_unroll_factor = 2 : i64, sc.parallel_access}
      %mul3A_230 = arith.constant 8 : i32
      %mul3A_231 = arith.muli %add3A_192, %mul3A_230 : i32
      %add3A_232 = arith.addi %mul3A_2, %mul3A_231 : i32
      %dma_start3A_233 = arith.constant 2048 : i32
      %dma_start3A_234 = tpu.memref_slice %arg4[%add3A_232, %dma_start3A_233] : memref<8192x4096xf32, #tpu.memory_space<hbm>> -> memref<8x2048xf32, #tpu.memory_space<hbm>>
      %dma_start3A_235 = arith.constant 2048 : i32
      %dma_start3A_236 = tpu.memref_slice %arg4[%add3A_232, %dma_start3A_235] : memref<8192x4096xf32, #tpu.memory_space<hbm>> -> memref<8x2048xf32, #tpu.memory_space<hbm>>
      tpu.enqueue_dma source(%arg9 : memref<8x2048xf32, #tpu.memory_space<vmem>>) target(%dma_start3A_236 : memref<8x2048xf32, #tpu.memory_space<hbm>>) target_semaphore(%arg13 : memref<!tpu.dma_semaphore, #tpu.memory_space<semaphore_mem>>)
      %add3A_237 = arith.constant 2 : i32
      %add3A_238 = arith.addi %add3A_192, %add3A_237 : i32
      %mul3A_239 = arith.constant 8 : i32
      %mul3A_240 = arith.muli %add3A_238, %mul3A_239 : i32
      %add3A_241 = arith.addi %mul3A_2, %mul3A_240 : i32
      %dma_start3A_242 = arith.constant 0 : i32
      %dma_start3A_243 = tpu.memref_slice %arg2[%add3A_241, %dma_start3A_242] : memref<8192x4096xf32, #tpu.memory_space<hbm>> -> memref<8x4096xf32, #tpu.memory_space<hbm>>
      %dma_start3A_244 = arith.constant 0 : i32
      %dma_start3A_245 = tpu.memref_slice %arg2[%add3A_241, %dma_start3A_244] : memref<8192x4096xf32, #tpu.memory_space<hbm>> -> memref<8x4096xf32, #tpu.memory_space<hbm>>
      tpu.enqueue_dma source(%dma_start3A_245 : memref<8x4096xf32, #tpu.memory_space<hbm>>) target(%arg7 : memref<8x4096xf32, #tpu.memory_space<vmem>>) target_semaphore(%arg11 : memref<!tpu.dma_semaphore, #tpu.memory_space<semaphore_mem>>)
      %mul3A_246 = arith.constant 2 : i32
      %mul3A_247 = arith.muli %scan3A_188, %mul3A_246 : i32
      %add3A_248 = arith.constant 2 : i32
      %add3A_249 = arith.addi %mul3A_247, %add3A_248 : i32
      %mul3A_250 = arith.constant 8 : i32
      %mul3A_251 = arith.muli %add3A_249, %mul3A_250 : i32
      %add3A_252 = arith.addi %mul3A_2, %mul3A_251 : i32
      %dma_wait3A_253 = arith.constant 0 : i32
      %dma_wait3A_254 = tpu.memref_slice %arg2[%add3A_252, %dma_wait3A_253] : memref<8192x4096xf32, #tpu.memory_space<hbm>> -> memref<8x4096xf32, #tpu.memory_space<hbm>>
      %dma_wait3A_255 = arith.constant 0 : i32
      %dma_wait3A_256 = tpu.memref_slice %arg2[%add3A_252, %dma_wait3A_255] : memref<8192x4096xf32, #tpu.memory_space<hbm>> -> memref<8x4096xf32, #tpu.memory_space<hbm>>
      tpu.wait_dma2 semaphore(%arg10 : memref<!tpu.dma_semaphore, #tpu.memory_space<semaphore_mem>>) src(%dma_wait3A_256 : memref<8x4096xf32, #tpu.memory_space<hbm>>) dst(%arg6 : memref<8x4096xf32, #tpu.memory_space<vmem>>)
      %sub3A_257 = arith.constant 1 : i32
      %sub3A_258 = arith.subi %add3A_249, %sub3A_257 : i32
      %mul3A_259 = arith.constant 8 : i32
      %mul3A_260 = arith.muli %sub3A_258, %mul3A_259 : i32
      %add3A_261 = arith.addi %mul3A_2, %mul3A_260 : i32
      %dma_wait3A_262 = arith.constant 0 : i32
      %dma_wait3A_263 = tpu.memref_slice %arg4[%add3A_261, %dma_wait3A_262] : memref<8192x4096xf32, #tpu.memory_space<hbm>> -> memref<8x2048xf32, #tpu.memory_space<hbm>>
      %dma_wait3A_264 = arith.constant 0 : i32
      %dma_wait3A_265 = tpu.memref_slice %arg4[%add3A_261, %dma_wait3A_264] : memref<8192x4096xf32, #tpu.memory_space<hbm>> -> memref<8x2048xf32, #tpu.memory_space<hbm>>
      tpu.wait_dma2 semaphore(%arg12 : memref<!tpu.dma_semaphore, #tpu.memory_space<semaphore_mem>>) src(%arg8 : memref<8x2048xf32, #tpu.memory_space<vmem>>) dst(%dma_wait3A_265 : memref<8x2048xf32, #tpu.memory_space<hbm>>)
      %parallel_loop3A_266 = arith.constant 0 : i32
      %parallel_loop3A_267 = arith.constant 128 : i32
      %parallel_loop3A_268 = arith.constant 1 : i32
      scf.for %parallel_loop3A_304 = %parallel_loop3A_266 to %parallel_loop3A_267 step %parallel_loop3A_268  : i32 {
        %parallel_loop3A_305 = arith.constant 0 : i32
        %parallel_loop3A_306 = arith.addi %parallel_loop3A_305, %parallel_loop3A_304 : i32
        %parallel_loop3A_307 = arith.constant 16 : i32
        %parallel_loop3A_308 = arith.muli %parallel_loop3A_306, %parallel_loop3A_307 : i32
        %parallel_loop3A_309 = arith.index_cast %parallel_loop3A_308 : i32 to index
        %parallel_loop3A_310 = tpu.vector_load %arg5[%parallel_loop3A_309] {strides = array<i32>} : memref<4096xi32, #tpu.memory_space<vmem>>, vector<16xi32>,
        %parallel_loop3A_311 = tpu.vector_load_idx %arg6[%broadcast_in_dim3A_3, %parallel_loop3A_310] : memref<8x4096xf32, #tpu.memory_space<vmem>>[vector<16xi32>, vector<16xi32>], vector<16xf32>,
        %parallel_loop3A_312 = tpu.vector_load_idx %arg6[%broadcast_in_dim3A_5, %parallel_loop3A_310] : memref<8x4096xf32, #tpu.memory_space<vmem>>[vector<16xi32>, vector<16xi32>], vector<16xf32>,
        %parallel_loop3A_313 = tpu.vector_load_idx %arg6[%broadcast_in_dim3A_7, %parallel_loop3A_310] : memref<8x4096xf32, #tpu.memory_space<vmem>>[vector<16xi32>, vector<16xi32>], vector<16xf32>,
        %parallel_loop3A_314 = tpu.vector_load_idx %arg6[%broadcast_in_dim3A_9, %parallel_loop3A_310] : memref<8x4096xf32, #tpu.memory_space<vmem>>[vector<16xi32>, vector<16xi32>], vector<16xf32>,
        %parallel_loop3A_315 = tpu.vector_load_idx %arg6[%broadcast_in_dim3A_11, %parallel_loop3A_310] : memref<8x4096xf32, #tpu.memory_space<vmem>>[vector<16xi32>, vector<16xi32>], vector<16xf32>,
        %parallel_loop3A_316 = tpu.vector_load_idx %arg6[%broadcast_in_dim3A_13, %parallel_loop3A_310] : memref<8x4096xf32, #tpu.memory_space<vmem>>[vector<16xi32>, vector<16xi32>], vector<16xf32>,
        %parallel_loop3A_317 = tpu.vector_load_idx %arg6[%broadcast_in_dim3A_15, %parallel_loop3A_310] : memref<8x4096xf32, #tpu.memory_space<vmem>>[vector<16xi32>, vector<16xi32>], vector<16xf32>,
        %parallel_loop3A_318 = tpu.vector_load_idx %arg6[%broadcast_in_dim3A_17, %parallel_loop3A_310] : memref<8x4096xf32, #tpu.memory_space<vmem>>[vector<16xi32>, vector<16xi32>], vector<16xf32>,
        %parallel_loop3A_319 = arith.constant 16 : i32
        %parallel_loop3A_320 = arith.muli %parallel_loop3A_304, %parallel_loop3A_319 : i32
        %parallel_loop3A_321 = arith.constant 0 : i32
        %parallel_loop3A_322 = arith.index_cast %parallel_loop3A_321 : i32 to index
        %parallel_loop3A_323 = arith.index_cast %parallel_loop3A_320 : i32 to index
        %parallel_loop3A_324 = tpu.vector_load %arg8[%parallel_loop3A_322, %parallel_loop3A_323] {strides = array<i32>} : memref<8x2048xf32, #tpu.memory_space<vmem>>, vector<16xf32>,
        tpu.vector_store %arg8[%parallel_loop3A_322, %parallel_loop3A_323], %parallel_loop3A_311 {strides = array<i32>} : memref<8x2048xf32, #tpu.memory_space<vmem>>, vector<16xf32>,
        %parallel_loop3A_325 = arith.constant 16 : i32
        %parallel_loop3A_326 = arith.muli %parallel_loop3A_304, %parallel_loop3A_325 : i32
        %parallel_loop3A_327 = arith.constant 1 : i32
        %parallel_loop3A_328 = arith.index_cast %parallel_loop3A_327 : i32 to index
        %parallel_loop3A_329 = arith.index_cast %parallel_loop3A_326 : i32 to index
        %parallel_loop3A_330 = tpu.vector_load %arg8[%parallel_loop3A_328, %parallel_loop3A_329] {strides = array<i32>} : memref<8x2048xf32, #tpu.memory_space<vmem>>, vector<16xf32>,
        tpu.vector_store %arg8[%parallel_loop3A_328, %parallel_loop3A_329], %parallel_loop3A_312 {strides = array<i32>} : memref<8x2048xf32, #tpu.memory_space<vmem>>, vector<16xf32>,
        %parallel_loop3A_331 = arith.constant 16 : i32
        %parallel_loop3A_332 = arith.muli %parallel_loop3A_304, %parallel_loop3A_331 : i32
        %parallel_loop3A_333 = arith.constant 2 : i32
        %parallel_loop3A_334 = arith.index_cast %parallel_loop3A_333 : i32 to index
        %parallel_loop3A_335 = arith.index_cast %parallel_loop3A_332 : i32 to index
        %parallel_loop3A_336 = tpu.vector_load %arg8[%parallel_loop3A_334, %parallel_loop3A_335] {strides = array<i32>} : memref<8x2048xf32, #tpu.memory_space<vmem>>, vector<16xf32>,
        tpu.vector_store %arg8[%parallel_loop3A_334, %parallel_loop3A_335], %parallel_loop3A_313 {strides = array<i32>} : memref<8x2048xf32, #tpu.memory_space<vmem>>, vector<16xf32>,
        %parallel_loop3A_337 = arith.constant 16 : i32
        %parallel_loop3A_338 = arith.muli %parallel_loop3A_304, %parallel_loop3A_337 : i32
        %parallel_loop3A_339 = arith.constant 3 : i32
        %parallel_loop3A_340 = arith.index_cast %parallel_loop3A_339 : i32 to index
        %parallel_loop3A_341 = arith.index_cast %parallel_loop3A_338 : i32 to index
        %parallel_loop3A_342 = tpu.vector_load %arg8[%parallel_loop3A_340, %parallel_loop3A_341] {strides = array<i32>} : memref<8x2048xf32, #tpu.memory_space<vmem>>, vector<16xf32>,
        tpu.vector_store %arg8[%parallel_loop3A_340, %parallel_loop3A_341], %parallel_loop3A_314 {strides = array<i32>} : memref<8x2048xf32, #tpu.memory_space<vmem>>, vector<16xf32>,
        %parallel_loop3A_343 = arith.constant 16 : i32
        %parallel_loop3A_344 = arith.muli %parallel_loop3A_304, %parallel_loop3A_343 : i32
        %parallel_loop3A_345 = arith.constant 4 : i32
        %parallel_loop3A_346 = arith.index_cast %parallel_loop3A_345 : i32 to index
        %parallel_loop3A_347 = arith.index_cast %parallel_loop3A_344 : i32 to index
        %parallel_loop3A_348 = tpu.vector_load %arg8[%parallel_loop3A_346, %parallel_loop3A_347] {strides = array<i32>} : memref<8x2048xf32, #tpu.memory_space<vmem>>, vector<16xf32>,
        tpu.vector_store %arg8[%parallel_loop3A_346, %parallel_loop3A_347], %parallel_loop3A_315 {strides = array<i32>} : memref<8x2048xf32, #tpu.memory_space<vmem>>, vector<16xf32>,
        %parallel_loop3A_349 = arith.constant 16 : i32
        %parallel_loop3A_350 = arith.muli %parallel_loop3A_304, %parallel_loop3A_349 : i32
        %parallel_loop3A_351 = arith.constant 5 : i32
        %parallel_loop3A_352 = arith.index_cast %parallel_loop3A_351 : i32 to index
        %parallel_loop3A_353 = arith.index_cast %parallel_loop3A_350 : i32 to index
        %parallel_loop3A_354 = tpu.vector_load %arg8[%parallel_loop3A_352, %parallel_loop3A_353] {strides = array<i32>} : memref<8x2048xf32, #tpu.memory_space<vmem>>, vector<16xf32>,
        tpu.vector_store %arg8[%parallel_loop3A_352, %parallel_loop3A_353], %parallel_loop3A_316 {strides = array<i32>} : memref<8x2048xf32, #tpu.memory_space<vmem>>, vector<16xf32>,
        %parallel_loop3A_355 = arith.constant 16 : i32
        %parallel_loop3A_356 = arith.muli %parallel_loop3A_304, %parallel_loop3A_355 : i32
        %parallel_loop3A_357 = arith.constant 6 : i32
        %parallel_loop3A_358 = arith.index_cast %parallel_loop3A_357 : i32 to index
        %parallel_loop3A_359 = arith.index_cast %parallel_loop3A_356 : i32 to index
        %parallel_loop3A_360 = tpu.vector_load %arg8[%parallel_loop3A_358, %parallel_loop3A_359] {strides = array<i32>} : memref<8x2048xf32, #tpu.memory_space<vmem>>, vector<16xf32>,
        tpu.vector_store %arg8[%parallel_loop3A_358, %parallel_loop3A_359], %parallel_loop3A_317 {strides = array<i32>} : memref<8x2048xf32, #tpu.memory_space<vmem>>, vector<16xf32>,
        %parallel_loop3A_361 = arith.constant 16 : i32
        %parallel_loop3A_362 = arith.muli %parallel_loop3A_304, %parallel_loop3A_361 : i32
        %parallel_loop3A_363 = arith.constant 7 : i32
        %parallel_loop3A_364 = arith.index_cast %parallel_loop3A_363 : i32 to index
        %parallel_loop3A_365 = arith.index_cast %parallel_loop3A_362 : i32 to index
        %parallel_loop3A_366 = tpu.vector_load %arg8[%parallel_loop3A_364, %parallel_loop3A_365] {strides = array<i32>} : memref<8x2048xf32, #tpu.memory_space<vmem>>, vector<16xf32>,
        tpu.vector_store %arg8[%parallel_loop3A_364, %parallel_loop3A_365], %parallel_loop3A_318 {strides = array<i32>} : memref<8x2048xf32, #tpu.memory_space<vmem>>, vector<16xf32>,
      } {sc.loop_unroll_factor = 2 : i64, sc.parallel_access}
      %mul3A_269 = arith.constant 8 : i32
      %mul3A_270 = arith.muli %add3A_249, %mul3A_269 : i32
      %add3A_271 = arith.addi %mul3A_2, %mul3A_270 : i32
      %dma_start3A_272 = arith.constant 0 : i32
      %dma_start3A_273 = tpu.memref_slice %arg4[%add3A_271, %dma_start3A_272] : memref<8192x4096xf32, #tpu.memory_space<hbm>> -> memref<8x2048xf32, #tpu.memory_space<hbm>>
      %dma_start3A_274 = arith.constant 0 : i32
      %dma_start3A_275 = tpu.memref_slice %arg4[%add3A_271, %dma_start3A_274] : memref<8192x4096xf32, #tpu.memory_space<hbm>> -> memref<8x2048xf32, #tpu.memory_space<hbm>>
      tpu.enqueue_dma source(%arg8 : memref<8x2048xf32, #tpu.memory_space<vmem>>) target(%dma_start3A_275 : memref<8x2048xf32, #tpu.memory_space<hbm>>) target_semaphore(%arg12 : memref<!tpu.dma_semaphore, #tpu.memory_space<semaphore_mem>>)
      %sub3A_276 = arith.constant 1 : i32
      %sub3A_277 = arith.subi %add3A_249, %sub3A_276 : i32
      %mul3A_278 = arith.constant 8 : i32
      %mul3A_279 = arith.muli %sub3A_277, %mul3A_278 : i32
      %add3A_280 = arith.addi %mul3A_2, %mul3A_279 : i32
      %dma_wait3A_281 = arith.constant 2048 : i32
      %dma_wait3A_282 = tpu.memref_slice %arg4[%add3A_280, %dma_wait3A_281] : memref<8192x4096xf32, #tpu.memory_space<hbm>> -> memref<8x2048xf32, #tpu.memory_space<hbm>>
      %dma_wait3A_283 = arith.constant 2048 : i32
      %dma_wait3A_284 = tpu.memref_slice %arg4[%add3A_280, %dma_wait3A_283] : memref<8192x4096xf32, #tpu.memory_space<hbm>> -> memref<8x2048xf32, #tpu.memory_space<hbm>>
      tpu.wait_dma2 semaphore(%arg13 : memref<!tpu.dma_semaphore, #tpu.memory_space<semaphore_mem>>) src(%arg9 : memref<8x2048xf32, #tpu.memory_space<vmem>>) dst(%dma_wait3A_284 : memref<8x2048xf32, #tpu.memory_space<hbm>>)
      %parallel_loop3A_285 = arith.constant 0 : i32
      %parallel_loop3A_286 = arith.constant 128 : i32
      %parallel_loop3A_287 = arith.constant 1 : i32
      scf.for %parallel_loop3A_304 = %parallel_loop3A_285 to %parallel_loop3A_286 step %parallel_loop3A_287  : i32 {
        %parallel_loop3A_305 = arith.constant 128 : i32
        %parallel_loop3A_306 = arith.addi %parallel_loop3A_305, %parallel_loop3A_304 : i32
        %parallel_loop3A_307 = arith.constant 16 : i32
        %parallel_loop3A_308 = arith.muli %parallel_loop3A_306, %parallel_loop3A_307 : i32
        %parallel_loop3A_309 = arith.index_cast %parallel_loop3A_308 : i32 to index
        %parallel_loop3A_310 = tpu.vector_load %arg5[%parallel_loop3A_309] {strides = array<i32>} : memref<4096xi32, #tpu.memory_space<vmem>>, vector<16xi32>,
        %parallel_loop3A_311 = tpu.vector_load_idx %arg6[%broadcast_in_dim3A_3, %parallel_loop3A_310] : memref<8x4096xf32, #tpu.memory_space<vmem>>[vector<16xi32>, vector<16xi32>], vector<16xf32>,
        %parallel_loop3A_312 = tpu.vector_load_idx %arg6[%broadcast_in_dim3A_5, %parallel_loop3A_310] : memref<8x4096xf32, #tpu.memory_space<vmem>>[vector<16xi32>, vector<16xi32>], vector<16xf32>,
        %parallel_loop3A_313 = tpu.vector_load_idx %arg6[%broadcast_in_dim3A_7, %parallel_loop3A_310] : memref<8x4096xf32, #tpu.memory_space<vmem>>[vector<16xi32>, vector<16xi32>], vector<16xf32>,
        %parallel_loop3A_314 = tpu.vector_load_idx %arg6[%broadcast_in_dim3A_9, %parallel_loop3A_310] : memref<8x4096xf32, #tpu.memory_space<vmem>>[vector<16xi32>, vector<16xi32>], vector<16xf32>,
        %parallel_loop3A_315 = tpu.vector_load_idx %arg6[%broadcast_in_dim3A_11, %parallel_loop3A_310] : memref<8x4096xf32, #tpu.memory_space<vmem>>[vector<16xi32>, vector<16xi32>], vector<16xf32>,
        %parallel_loop3A_316 = tpu.vector_load_idx %arg6[%broadcast_in_dim3A_13, %parallel_loop3A_310] : memref<8x4096xf32, #tpu.memory_space<vmem>>[vector<16xi32>, vector<16xi32>], vector<16xf32>,
        %parallel_loop3A_317 = tpu.vector_load_idx %arg6[%broadcast_in_dim3A_15, %parallel_loop3A_310] : memref<8x4096xf32, #tpu.memory_space<vmem>>[vector<16xi32>, vector<16xi32>], vector<16xf32>,
        %parallel_loop3A_318 = tpu.vector_load_idx %arg6[%broadcast_in_dim3A_17, %parallel_loop3A_310] : memref<8x4096xf32, #tpu.memory_space<vmem>>[vector<16xi32>, vector<16xi32>], vector<16xf32>,
        %parallel_loop3A_319 = arith.constant 16 : i32
        %parallel_loop3A_320 = arith.muli %parallel_loop3A_304, %parallel_loop3A_319 : i32
        %parallel_loop3A_321 = arith.constant 0 : i32
        %parallel_loop3A_322 = arith.index_cast %parallel_loop3A_321 : i32 to index
        %parallel_loop3A_323 = arith.index_cast %parallel_loop3A_320 : i32 to index
        %parallel_loop3A_324 = tpu.vector_load %arg9[%parallel_loop3A_322, %parallel_loop3A_323] {strides = array<i32>} : memref<8x2048xf32, #tpu.memory_space<vmem>>, vector<16xf32>,
        tpu.vector_store %arg9[%parallel_loop3A_322, %parallel_loop3A_323], %parallel_loop3A_311 {strides = array<i32>} : memref<8x2048xf32, #tpu.memory_space<vmem>>, vector<16xf32>,
        %parallel_loop3A_325 = arith.constant 16 : i32
        %parallel_loop3A_326 = arith.muli %parallel_loop3A_304, %parallel_loop3A_325 : i32
        %parallel_loop3A_327 = arith.constant 1 : i32
        %parallel_loop3A_328 = arith.index_cast %parallel_loop3A_327 : i32 to index
        %parallel_loop3A_329 = arith.index_cast %parallel_loop3A_326 : i32 to index
        %parallel_loop3A_330 = tpu.vector_load %arg9[%parallel_loop3A_328, %parallel_loop3A_329] {strides = array<i32>} : memref<8x2048xf32, #tpu.memory_space<vmem>>, vector<16xf32>,
        tpu.vector_store %arg9[%parallel_loop3A_328, %parallel_loop3A_329], %parallel_loop3A_312 {strides = array<i32>} : memref<8x2048xf32, #tpu.memory_space<vmem>>, vector<16xf32>,
        %parallel_loop3A_331 = arith.constant 16 : i32
        %parallel_loop3A_332 = arith.muli %parallel_loop3A_304, %parallel_loop3A_331 : i32
        %parallel_loop3A_333 = arith.constant 2 : i32
        %parallel_loop3A_334 = arith.index_cast %parallel_loop3A_333 : i32 to index
        %parallel_loop3A_335 = arith.index_cast %parallel_loop3A_332 : i32 to index
        %parallel_loop3A_336 = tpu.vector_load %arg9[%parallel_loop3A_334, %parallel_loop3A_335] {strides = array<i32>} : memref<8x2048xf32, #tpu.memory_space<vmem>>, vector<16xf32>,
        tpu.vector_store %arg9[%parallel_loop3A_334, %parallel_loop3A_335], %parallel_loop3A_313 {strides = array<i32>} : memref<8x2048xf32, #tpu.memory_space<vmem>>, vector<16xf32>,
        %parallel_loop3A_337 = arith.constant 16 : i32
        %parallel_loop3A_338 = arith.muli %parallel_loop3A_304, %parallel_loop3A_337 : i32
        %parallel_loop3A_339 = arith.constant 3 : i32
        %parallel_loop3A_340 = arith.index_cast %parallel_loop3A_339 : i32 to index
        %parallel_loop3A_341 = arith.index_cast %parallel_loop3A_338 : i32 to index
        %parallel_loop3A_342 = tpu.vector_load %arg9[%parallel_loop3A_340, %parallel_loop3A_341] {strides = array<i32>} : memref<8x2048xf32, #tpu.memory_space<vmem>>, vector<16xf32>,
        tpu.vector_store %arg9[%parallel_loop3A_340, %parallel_loop3A_341], %parallel_loop3A_314 {strides = array<i32>} : memref<8x2048xf32, #tpu.memory_space<vmem>>, vector<16xf32>,
        %parallel_loop3A_343 = arith.constant 16 : i32
        %parallel_loop3A_344 = arith.muli %parallel_loop3A_304, %parallel_loop3A_343 : i32
        %parallel_loop3A_345 = arith.constant 4 : i32
        %parallel_loop3A_346 = arith.index_cast %parallel_loop3A_345 : i32 to index
        %parallel_loop3A_347 = arith.index_cast %parallel_loop3A_344 : i32 to index
        %parallel_loop3A_348 = tpu.vector_load %arg9[%parallel_loop3A_346, %parallel_loop3A_347] {strides = array<i32>} : memref<8x2048xf32, #tpu.memory_space<vmem>>, vector<16xf32>,
        tpu.vector_store %arg9[%parallel_loop3A_346, %parallel_loop3A_347], %parallel_loop3A_315 {strides = array<i32>} : memref<8x2048xf32, #tpu.memory_space<vmem>>, vector<16xf32>,
        %parallel_loop3A_349 = arith.constant 16 : i32
        %parallel_loop3A_350 = arith.muli %parallel_loop3A_304, %parallel_loop3A_349 : i32
        %parallel_loop3A_351 = arith.constant 5 : i32
        %parallel_loop3A_352 = arith.index_cast %parallel_loop3A_351 : i32 to index
        %parallel_loop3A_353 = arith.index_cast %parallel_loop3A_350 : i32 to index
        %parallel_loop3A_354 = tpu.vector_load %arg9[%parallel_loop3A_352, %parallel_loop3A_353] {strides = array<i32>} : memref<8x2048xf32, #tpu.memory_space<vmem>>, vector<16xf32>,
        tpu.vector_store %arg9[%parallel_loop3A_352, %parallel_loop3A_353], %parallel_loop3A_316 {strides = array<i32>} : memref<8x2048xf32, #tpu.memory_space<vmem>>, vector<16xf32>,
        %parallel_loop3A_355 = arith.constant 16 : i32
        %parallel_loop3A_356 = arith.muli %parallel_loop3A_304, %parallel_loop3A_355 : i32
        %parallel_loop3A_357 = arith.constant 6 : i32
        %parallel_loop3A_358 = arith.index_cast %parallel_loop3A_357 : i32 to index
        %parallel_loop3A_359 = arith.index_cast %parallel_loop3A_356 : i32 to index
        %parallel_loop3A_360 = tpu.vector_load %arg9[%parallel_loop3A_358, %parallel_loop3A_359] {strides = array<i32>} : memref<8x2048xf32, #tpu.memory_space<vmem>>, vector<16xf32>,
        tpu.vector_store %arg9[%parallel_loop3A_358, %parallel_loop3A_359], %parallel_loop3A_317 {strides = array<i32>} : memref<8x2048xf32, #tpu.memory_space<vmem>>, vector<16xf32>,
        %parallel_loop3A_361 = arith.constant 16 : i32
        %parallel_loop3A_362 = arith.muli %parallel_loop3A_304, %parallel_loop3A_361 : i32
        %parallel_loop3A_363 = arith.constant 7 : i32
        %parallel_loop3A_364 = arith.index_cast %parallel_loop3A_363 : i32 to index
        %parallel_loop3A_365 = arith.index_cast %parallel_loop3A_362 : i32 to index
        %parallel_loop3A_366 = tpu.vector_load %arg9[%parallel_loop3A_364, %parallel_loop3A_365] {strides = array<i32>} : memref<8x2048xf32, #tpu.memory_space<vmem>>, vector<16xf32>,
        tpu.vector_store %arg9[%parallel_loop3A_364, %parallel_loop3A_365], %parallel_loop3A_318 {strides = array<i32>} : memref<8x2048xf32, #tpu.memory_space<vmem>>, vector<16xf32>,
      } {sc.loop_unroll_factor = 2 : i64, sc.parallel_access}
      %mul3A_288 = arith.constant 8 : i32
      %mul3A_289 = arith.muli %add3A_249, %mul3A_288 : i32
      %add3A_290 = arith.addi %mul3A_2, %mul3A_289 : i32
      %dma_start3A_291 = arith.constant 2048 : i32
      %dma_start3A_292 = tpu.memref_slice %arg4[%add3A_290, %dma_start3A_291] : memref<8192x4096xf32, #tpu.memory_space<hbm>> -> memref<8x2048xf32, #tpu.memory_space<hbm>>
      %dma_start3A_293 = arith.constant 2048 : i32
      %dma_start3A_294 = tpu.memref_slice %arg4[%add3A_290, %dma_start3A_293] : memref<8192x4096xf32, #tpu.memory_space<hbm>> -> memref<8x2048xf32, #tpu.memory_space<hbm>>
      tpu.enqueue_dma source(%arg9 : memref<8x2048xf32, #tpu.memory_space<vmem>>) target(%dma_start3A_294 : memref<8x2048xf32, #tpu.memory_space<hbm>>) target_semaphore(%arg13 : memref<!tpu.dma_semaphore, #tpu.memory_space<semaphore_mem>>)
      %add3A_295 = arith.constant 2 : i32
      %add3A_296 = arith.addi %add3A_249, %add3A_295 : i32
      %mul3A_297 = arith.constant 8 : i32
      %mul3A_298 = arith.muli %add3A_296, %mul3A_297 : i32
      %add3A_299 = arith.addi %mul3A_2, %mul3A_298 : i32
      %dma_start3A_300 = arith.constant 0 : i32
      %dma_start3A_301 = tpu.memref_slice %arg2[%add3A_299, %dma_start3A_300] : memref<8192x4096xf32, #tpu.memory_space<hbm>> -> memref<8x4096xf32, #tpu.memory_space<hbm>>
      %dma_start3A_302 = arith.constant 0 : i32
      %dma_start3A_303 = tpu.memref_slice %arg2[%add3A_299, %dma_start3A_302] : memref<8192x4096xf32, #tpu.memory_space<hbm>> -> memref<8x4096xf32, #tpu.memory_space<hbm>>
      tpu.enqueue_dma source(%dma_start3A_303 : memref<8x4096xf32, #tpu.memory_space<hbm>>) target(%arg6 : memref<8x4096xf32, #tpu.memory_space<vmem>>) target_semaphore(%arg10 : memref<!tpu.dma_semaphore, #tpu.memory_space<semaphore_mem>>)
    }
    %scan3A_61 = arith.constant 14 : i32
    %add3A_62 = arith.constant 232 : i32
    %add3A_63 = arith.addi %mul3A_2, %add3A_62 : i32
    %dma_wait3A_64 = arith.constant 0 : i32
    %dma_wait3A_65 = tpu.memref_slice %arg2[%add3A_63, %dma_wait3A_64] : memref<8192x4096xf32, #tpu.memory_space<hbm>> -> memref<8x4096xf32, #tpu.memory_space<hbm>>
    %dma_wait3A_66 = arith.constant 0 : i32
    %dma_wait3A_67 = tpu.memref_slice %arg2[%add3A_63, %dma_wait3A_66] : memref<8192x4096xf32, #tpu.memory_space<hbm>> -> memref<8x4096xf32, #tpu.memory_space<hbm>>
    tpu.wait_dma2 semaphore(%arg11 : memref<!tpu.dma_semaphore, #tpu.memory_space<semaphore_mem>>) src(%dma_wait3A_67 : memref<8x4096xf32, #tpu.memory_space<hbm>>) dst(%arg7 : memref<8x4096xf32, #tpu.memory_space<vmem>>)
    %add3A_68 = arith.constant 224 : i32
    %add3A_69 = arith.addi %mul3A_2, %add3A_68 : i32
    %dma_wait3A_70 = arith.constant 0 : i32
    %dma_wait3A_71 = tpu.memref_slice %arg4[%add3A_69, %dma_wait3A_70] : memref<8192x4096xf32, #tpu.memory_space<hbm>> -> memref<8x2048xf32, #tpu.memory_space<hbm>>
    %dma_wait3A_72 = arith.constant 0 : i32
    %dma_wait3A_73 = tpu.memref_slice %arg4[%add3A_69, %dma_wait3A_72] : memref<8192x4096xf32, #tpu.memory_space<hbm>> -> memref<8x2048xf32, #tpu.memory_space<hbm>>
    tpu.wait_dma2 semaphore(%arg12 : memref<!tpu.dma_semaphore, #tpu.memory_space<semaphore_mem>>) src(%arg8 : memref<8x2048xf32, #tpu.memory_space<vmem>>) dst(%dma_wait3A_73 : memref<8x2048xf32, #tpu.memory_space<hbm>>)
    %parallel_loop3A_74 = arith.constant 0 : i32
    %parallel_loop3A_75 = arith.constant 128 : i32
    %parallel_loop3A_76 = arith.constant 1 : i32
    scf.for %parallel_loop3A_188 = %parallel_loop3A_74 to %parallel_loop3A_75 step %parallel_loop3A_76  : i32 {
      %parallel_loop3A_189 = arith.constant 0 : i32
      %parallel_loop3A_190 = arith.addi %parallel_loop3A_189, %parallel_loop3A_188 : i32
      %parallel_loop3A_191 = arith.constant 16 : i32
      %parallel_loop3A_192 = arith.muli %parallel_loop3A_190, %parallel_loop3A_191 : i32
      %parallel_loop3A_193 = arith.index_cast %parallel_loop3A_192 : i32 to index
      %parallel_loop3A_194 = tpu.vector_load %arg5[%parallel_loop3A_193] {strides = array<i32>} : memref<4096xi32, #tpu.memory_space<vmem>>, vector<16xi32>,
      %parallel_loop3A_195 = tpu.vector_load_idx %arg7[%broadcast_in_dim3A_3, %parallel_loop3A_194] : memref<8x4096xf32, #tpu.memory_space<vmem>>[vector<16xi32>, vector<16xi32>], vector<16xf32>,
      %parallel_loop3A_196 = tpu.vector_load_idx %arg7[%broadcast_in_dim3A_5, %parallel_loop3A_194] : memref<8x4096xf32, #tpu.memory_space<vmem>>[vector<16xi32>, vector<16xi32>], vector<16xf32>,
      %parallel_loop3A_197 = tpu.vector_load_idx %arg7[%broadcast_in_dim3A_7, %parallel_loop3A_194] : memref<8x4096xf32, #tpu.memory_space<vmem>>[vector<16xi32>, vector<16xi32>], vector<16xf32>,
      %parallel_loop3A_198 = tpu.vector_load_idx %arg7[%broadcast_in_dim3A_9, %parallel_loop3A_194] : memref<8x4096xf32, #tpu.memory_space<vmem>>[vector<16xi32>, vector<16xi32>], vector<16xf32>,
      %parallel_loop3A_199 = tpu.vector_load_idx %arg7[%broadcast_in_dim3A_11, %parallel_loop3A_194] : memref<8x4096xf32, #tpu.memory_space<vmem>>[vector<16xi32>, vector<16xi32>], vector<16xf32>,
      %parallel_loop3A_200 = tpu.vector_load_idx %arg7[%broadcast_in_dim3A_13, %parallel_loop3A_194] : memref<8x4096xf32, #tpu.memory_space<vmem>>[vector<16xi32>, vector<16xi32>], vector<16xf32>,
      %parallel_loop3A_201 = tpu.vector_load_idx %arg7[%broadcast_in_dim3A_15, %parallel_loop3A_194] : memref<8x4096xf32, #tpu.memory_space<vmem>>[vector<16xi32>, vector<16xi32>], vector<16xf32>,
      %parallel_loop3A_202 = tpu.vector_load_idx %arg7[%broadcast_in_dim3A_17, %parallel_loop3A_194] : memref<8x4096xf32, #tpu.memory_space<vmem>>[vector<16xi32>, vector<16xi32>], vector<16xf32>,
      %parallel_loop3A_203 = arith.constant 16 : i32
      %parallel_loop3A_204 = arith.muli %parallel_loop3A_188, %parallel_loop3A_203 : i32
      %parallel_loop3A_205 = arith.constant 0 : i32
      %parallel_loop3A_206 = arith.index_cast %parallel_loop3A_205 : i32 to index
      %parallel_loop3A_207 = arith.index_cast %parallel_loop3A_204 : i32 to index
      %parallel_loop3A_208 = tpu.vector_load %arg8[%parallel_loop3A_206, %parallel_loop3A_207] {strides = array<i32>} : memref<8x2048xf32, #tpu.memory_space<vmem>>, vector<16xf32>,
      tpu.vector_store %arg8[%parallel_loop3A_206, %parallel_loop3A_207], %parallel_loop3A_195 {strides = array<i32>} : memref<8x2048xf32, #tpu.memory_space<vmem>>, vector<16xf32>,
      %parallel_loop3A_209 = arith.constant 16 : i32
      %parallel_loop3A_210 = arith.muli %parallel_loop3A_188, %parallel_loop3A_209 : i32
      %parallel_loop3A_211 = arith.constant 1 : i32
      %parallel_loop3A_212 = arith.index_cast %parallel_loop3A_211 : i32 to index
      %parallel_loop3A_213 = arith.index_cast %parallel_loop3A_210 : i32 to index
      %parallel_loop3A_214 = tpu.vector_load %arg8[%parallel_loop3A_212, %parallel_loop3A_213] {strides = array<i32>} : memref<8x2048xf32, #tpu.memory_space<vmem>>, vector<16xf32>,
      tpu.vector_store %arg8[%parallel_loop3A_212, %parallel_loop3A_213], %parallel_loop3A_196 {strides = array<i32>} : memref<8x2048xf32, #tpu.memory_space<vmem>>, vector<16xf32>,
      %parallel_loop3A_215 = arith.constant 16 : i32
      %parallel_loop3A_216 = arith.muli %parallel_loop3A_188, %parallel_loop3A_215 : i32
      %parallel_loop3A_217 = arith.constant 2 : i32
      %parallel_loop3A_218 = arith.index_cast %parallel_loop3A_217 : i32 to index
      %parallel_loop3A_219 = arith.index_cast %parallel_loop3A_216 : i32 to index
      %parallel_loop3A_220 = tpu.vector_load %arg8[%parallel_loop3A_218, %parallel_loop3A_219] {strides = array<i32>} : memref<8x2048xf32, #tpu.memory_space<vmem>>, vector<16xf32>,
      tpu.vector_store %arg8[%parallel_loop3A_218, %parallel_loop3A_219], %parallel_loop3A_197 {strides = array<i32>} : memref<8x2048xf32, #tpu.memory_space<vmem>>, vector<16xf32>,
      %parallel_loop3A_221 = arith.constant 16 : i32
      %parallel_loop3A_222 = arith.muli %parallel_loop3A_188, %parallel_loop3A_221 : i32
      %parallel_loop3A_223 = arith.constant 3 : i32
      %parallel_loop3A_224 = arith.index_cast %parallel_loop3A_223 : i32 to index
      %parallel_loop3A_225 = arith.index_cast %parallel_loop3A_222 : i32 to index
      %parallel_loop3A_226 = tpu.vector_load %arg8[%parallel_loop3A_224, %parallel_loop3A_225] {strides = array<i32>} : memref<8x2048xf32, #tpu.memory_space<vmem>>, vector<16xf32>,
      tpu.vector_store %arg8[%parallel_loop3A_224, %parallel_loop3A_225], %parallel_loop3A_198 {strides = array<i32>} : memref<8x2048xf32, #tpu.memory_space<vmem>>, vector<16xf32>,
      %parallel_loop3A_227 = arith.constant 16 : i32
      %parallel_loop3A_228 = arith.muli %parallel_loop3A_188, %parallel_loop3A_227 : i32
      %parallel_loop3A_229 = arith.constant 4 : i32
      %parallel_loop3A_230 = arith.index_cast %parallel_loop3A_229 : i32 to index
      %parallel_loop3A_231 = arith.index_cast %parallel_loop3A_228 : i32 to index
      %parallel_loop3A_232 = tpu.vector_load %arg8[%parallel_loop3A_230, %parallel_loop3A_231] {strides = array<i32>} : memref<8x2048xf32, #tpu.memory_space<vmem>>, vector<16xf32>,
      tpu.vector_store %arg8[%parallel_loop3A_230, %parallel_loop3A_231], %parallel_loop3A_199 {strides = array<i32>} : memref<8x2048xf32, #tpu.memory_space<vmem>>, vector<16xf32>,
      %parallel_loop3A_233 = arith.constant 16 : i32
      %parallel_loop3A_234 = arith.muli %parallel_loop3A_188, %parallel_loop3A_233 : i32
      %parallel_loop3A_235 = arith.constant 5 : i32
      %parallel_loop3A_236 = arith.index_cast %parallel_loop3A_235 : i32 to index
      %parallel_loop3A_237 = arith.index_cast %parallel_loop3A_234 : i32 to index
      %parallel_loop3A_238 = tpu.vector_load %arg8[%parallel_loop3A_236, %parallel_loop3A_237] {strides = array<i32>} : memref<8x2048xf32, #tpu.memory_space<vmem>>, vector<16xf32>,
      tpu.vector_store %arg8[%parallel_loop3A_236, %parallel_loop3A_237], %parallel_loop3A_200 {strides = array<i32>} : memref<8x2048xf32, #tpu.memory_space<vmem>>, vector<16xf32>,
      %parallel_loop3A_239 = arith.constant 16 : i32
      %parallel_loop3A_240 = arith.muli %parallel_loop3A_188, %parallel_loop3A_239 : i32
      %parallel_loop3A_241 = arith.constant 6 : i32
      %parallel_loop3A_242 = arith.index_cast %parallel_loop3A_241 : i32 to index
      %parallel_loop3A_243 = arith.index_cast %parallel_loop3A_240 : i32 to index
      %parallel_loop3A_244 = tpu.vector_load %arg8[%parallel_loop3A_242, %parallel_loop3A_243] {strides = array<i32>} : memref<8x2048xf32, #tpu.memory_space<vmem>>, vector<16xf32>,
      tpu.vector_store %arg8[%parallel_loop3A_242, %parallel_loop3A_243], %parallel_loop3A_201 {strides = array<i32>} : memref<8x2048xf32, #tpu.memory_space<vmem>>, vector<16xf32>,
      %parallel_loop3A_245 = arith.constant 16 : i32
      %parallel_loop3A_246 = arith.muli %parallel_loop3A_188, %parallel_loop3A_245 : i32
      %parallel_loop3A_247 = arith.constant 7 : i32
      %parallel_loop3A_248 = arith.index_cast %parallel_loop3A_247 : i32 to index
      %parallel_loop3A_249 = arith.index_cast %parallel_loop3A_246 : i32 to index
      %parallel_loop3A_250 = tpu.vector_load %arg8[%parallel_loop3A_248, %parallel_loop3A_249] {strides = array<i32>} : memref<8x2048xf32, #tpu.memory_space<vmem>>, vector<16xf32>,
      tpu.vector_store %arg8[%parallel_loop3A_248, %parallel_loop3A_249], %parallel_loop3A_202 {strides = array<i32>} : memref<8x2048xf32, #tpu.memory_space<vmem>>, vector<16xf32>,
    } {sc.loop_unroll_factor = 2 : i64, sc.parallel_access}
    %add3A_77 = arith.constant 232 : i32
    %add3A_78 = arith.addi %mul3A_2, %add3A_77 : i32
    %dma_start3A_79 = arith.constant 0 : i32
    %dma_start3A_80 = tpu.memref_slice %arg4[%add3A_78, %dma_start3A_79] : memref<8192x4096xf32, #tpu.memory_space<hbm>> -> memref<8x2048xf32, #tpu.memory_space<hbm>>
    %dma_start3A_81 = arith.constant 0 : i32
    %dma_start3A_82 = tpu.memref_slice %arg4[%add3A_78, %dma_start3A_81] : memref<8192x4096xf32, #tpu.memory_space<hbm>> -> memref<8x2048xf32, #tpu.memory_space<hbm>>
    tpu.enqueue_dma source(%arg8 : memref<8x2048xf32, #tpu.memory_space<vmem>>) target(%dma_start3A_82 : memref<8x2048xf32, #tpu.memory_space<hbm>>) target_semaphore(%arg12 : memref<!tpu.dma_semaphore, #tpu.memory_space<semaphore_mem>>)
    %add3A_83 = arith.constant 224 : i32
    %add3A_84 = arith.addi %mul3A_2, %add3A_83 : i32
    %dma_wait3A_85 = arith.constant 2048 : i32
    %dma_wait3A_86 = tpu.memref_slice %arg4[%add3A_84, %dma_wait3A_85] : memref<8192x4096xf32, #tpu.memory_space<hbm>> -> memref<8x2048xf32, #tpu.memory_space<hbm>>
    %dma_wait3A_87 = arith.constant 2048 : i32
    %dma_wait3A_88 = tpu.memref_slice %arg4[%add3A_84, %dma_wait3A_87] : memref<8192x4096xf32, #tpu.memory_space<hbm>> -> memref<8x2048xf32, #tpu.memory_space<hbm>>
    tpu.wait_dma2 semaphore(%arg13 : memref<!tpu.dma_semaphore, #tpu.memory_space<semaphore_mem>>) src(%arg9 : memref<8x2048xf32, #tpu.memory_space<vmem>>) dst(%dma_wait3A_88 : memref<8x2048xf32, #tpu.memory_space<hbm>>)
    %parallel_loop3A_89 = arith.constant 0 : i32
    %parallel_loop3A_90 = arith.constant 128 : i32
    %parallel_loop3A_91 = arith.constant 1 : i32
    scf.for %parallel_loop3A_188 = %parallel_loop3A_89 to %parallel_loop3A_90 step %parallel_loop3A_91  : i32 {
      %parallel_loop3A_189 = arith.constant 128 : i32
      %parallel_loop3A_190 = arith.addi %parallel_loop3A_189, %parallel_loop3A_188 : i32
      %parallel_loop3A_191 = arith.constant 16 : i32
      %parallel_loop3A_192 = arith.muli %parallel_loop3A_190, %parallel_loop3A_191 : i32
      %parallel_loop3A_193 = arith.index_cast %parallel_loop3A_192 : i32 to index
      %parallel_loop3A_194 = tpu.vector_load %arg5[%parallel_loop3A_193] {strides = array<i32>} : memref<4096xi32, #tpu.memory_space<vmem>>, vector<16xi32>,
      %parallel_loop3A_195 = tpu.vector_load_idx %arg7[%broadcast_in_dim3A_3, %parallel_loop3A_194] : memref<8x4096xf32, #tpu.memory_space<vmem>>[vector<16xi32>, vector<16xi32>], vector<16xf32>,
      %parallel_loop3A_196 = tpu.vector_load_idx %arg7[%broadcast_in_dim3A_5, %parallel_loop3A_194] : memref<8x4096xf32, #tpu.memory_space<vmem>>[vector<16xi32>, vector<16xi32>], vector<16xf32>,
      %parallel_loop3A_197 = tpu.vector_load_idx %arg7[%broadcast_in_dim3A_7, %parallel_loop3A_194] : memref<8x4096xf32, #tpu.memory_space<vmem>>[vector<16xi32>, vector<16xi32>], vector<16xf32>,
      %parallel_loop3A_198 = tpu.vector_load_idx %arg7[%broadcast_in_dim3A_9, %parallel_loop3A_194] : memref<8x4096xf32, #tpu.memory_space<vmem>>[vector<16xi32>, vector<16xi32>], vector<16xf32>,
      %parallel_loop3A_199 = tpu.vector_load_idx %arg7[%broadcast_in_dim3A_11, %parallel_loop3A_194] : memref<8x4096xf32, #tpu.memory_space<vmem>>[vector<16xi32>, vector<16xi32>], vector<16xf32>,
      %parallel_loop3A_200 = tpu.vector_load_idx %arg7[%broadcast_in_dim3A_13, %parallel_loop3A_194] : memref<8x4096xf32, #tpu.memory_space<vmem>>[vector<16xi32>, vector<16xi32>], vector<16xf32>,
      %parallel_loop3A_201 = tpu.vector_load_idx %arg7[%broadcast_in_dim3A_15, %parallel_loop3A_194] : memref<8x4096xf32, #tpu.memory_space<vmem>>[vector<16xi32>, vector<16xi32>], vector<16xf32>,
      %parallel_loop3A_202 = tpu.vector_load_idx %arg7[%broadcast_in_dim3A_17, %parallel_loop3A_194] : memref<8x4096xf32, #tpu.memory_space<vmem>>[vector<16xi32>, vector<16xi32>], vector<16xf32>,
      %parallel_loop3A_203 = arith.constant 16 : i32
      %parallel_loop3A_204 = arith.muli %parallel_loop3A_188, %parallel_loop3A_203 : i32
      %parallel_loop3A_205 = arith.constant 0 : i32
      %parallel_loop3A_206 = arith.index_cast %parallel_loop3A_205 : i32 to index
      %parallel_loop3A_207 = arith.index_cast %parallel_loop3A_204 : i32 to index
      %parallel_loop3A_208 = tpu.vector_load %arg9[%parallel_loop3A_206, %parallel_loop3A_207] {strides = array<i32>} : memref<8x2048xf32, #tpu.memory_space<vmem>>, vector<16xf32>,
      tpu.vector_store %arg9[%parallel_loop3A_206, %parallel_loop3A_207], %parallel_loop3A_195 {strides = array<i32>} : memref<8x2048xf32, #tpu.memory_space<vmem>>, vector<16xf32>,
      %parallel_loop3A_209 = arith.constant 16 : i32
      %parallel_loop3A_210 = arith.muli %parallel_loop3A_188, %parallel_loop3A_209 : i32
      %parallel_loop3A_211 = arith.constant 1 : i32
      %parallel_loop3A_212 = arith.index_cast %parallel_loop3A_211 : i32 to index
      %parallel_loop3A_213 = arith.index_cast %parallel_loop3A_210 : i32 to index
      %parallel_loop3A_214 = tpu.vector_load %arg9[%parallel_loop3A_212, %parallel_loop3A_213] {strides = array<i32>} : memref<8x2048xf32, #tpu.memory_space<vmem>>, vector<16xf32>,
      tpu.vector_store %arg9[%parallel_loop3A_212, %parallel_loop3A_213], %parallel_loop3A_196 {strides = array<i32>} : memref<8x2048xf32, #tpu.memory_space<vmem>>, vector<16xf32>,
      %parallel_loop3A_215 = arith.constant 16 : i32
      %parallel_loop3A_216 = arith.muli %parallel_loop3A_188, %parallel_loop3A_215 : i32
      %parallel_loop3A_217 = arith.constant 2 : i32
      %parallel_loop3A_218 = arith.index_cast %parallel_loop3A_217 : i32 to index
      %parallel_loop3A_219 = arith.index_cast %parallel_loop3A_216 : i32 to index
      %parallel_loop3A_220 = tpu.vector_load %arg9[%parallel_loop3A_218, %parallel_loop3A_219] {strides = array<i32>} : memref<8x2048xf32, #tpu.memory_space<vmem>>, vector<16xf32>,
      tpu.vector_store %arg9[%parallel_loop3A_218, %parallel_loop3A_219], %parallel_loop3A_197 {strides = array<i32>} : memref<8x2048xf32, #tpu.memory_space<vmem>>, vector<16xf32>,
      %parallel_loop3A_221 = arith.constant 16 : i32
      %parallel_loop3A_222 = arith.muli %parallel_loop3A_188, %parallel_loop3A_221 : i32
      %parallel_loop3A_223 = arith.constant 3 : i32
      %parallel_loop3A_224 = arith.index_cast %parallel_loop3A_223 : i32 to index
      %parallel_loop3A_225 = arith.index_cast %parallel_loop3A_222 : i32 to index
      %parallel_loop3A_226 = tpu.vector_load %arg9[%parallel_loop3A_224, %parallel_loop3A_225] {strides = array<i32>} : memref<8x2048xf32, #tpu.memory_space<vmem>>, vector<16xf32>,
      tpu.vector_store %arg9[%parallel_loop3A_224, %parallel_loop3A_225], %parallel_loop3A_198 {strides = array<i32>} : memref<8x2048xf32, #tpu.memory_space<vmem>>, vector<16xf32>,
      %parallel_loop3A_227 = arith.constant 16 : i32
      %parallel_loop3A_228 = arith.muli %parallel_loop3A_188, %parallel_loop3A_227 : i32
      %parallel_loop3A_229 = arith.constant 4 : i32
      %parallel_loop3A_230 = arith.index_cast %parallel_loop3A_229 : i32 to index
      %parallel_loop3A_231 = arith.index_cast %parallel_loop3A_228 : i32 to index
      %parallel_loop3A_232 = tpu.vector_load %arg9[%parallel_loop3A_230, %parallel_loop3A_231] {strides = array<i32>} : memref<8x2048xf32, #tpu.memory_space<vmem>>, vector<16xf32>,
      tpu.vector_store %arg9[%parallel_loop3A_230, %parallel_loop3A_231], %parallel_loop3A_199 {strides = array<i32>} : memref<8x2048xf32, #tpu.memory_space<vmem>>, vector<16xf32>,
      %parallel_loop3A_233 = arith.constant 16 : i32
      %parallel_loop3A_234 = arith.muli %parallel_loop3A_188, %parallel_loop3A_233 : i32
      %parallel_loop3A_235 = arith.constant 5 : i32
      %parallel_loop3A_236 = arith.index_cast %parallel_loop3A_235 : i32 to index
      %parallel_loop3A_237 = arith.index_cast %parallel_loop3A_234 : i32 to index
      %parallel_loop3A_238 = tpu.vector_load %arg9[%parallel_loop3A_236, %parallel_loop3A_237] {strides = array<i32>} : memref<8x2048xf32, #tpu.memory_space<vmem>>, vector<16xf32>,
      tpu.vector_store %arg9[%parallel_loop3A_236, %parallel_loop3A_237], %parallel_loop3A_200 {strides = array<i32>} : memref<8x2048xf32, #tpu.memory_space<vmem>>, vector<16xf32>,
      %parallel_loop3A_239 = arith.constant 16 : i32
      %parallel_loop3A_240 = arith.muli %parallel_loop3A_188, %parallel_loop3A_239 : i32
      %parallel_loop3A_241 = arith.constant 6 : i32
      %parallel_loop3A_242 = arith.index_cast %parallel_loop3A_241 : i32 to index
      %parallel_loop3A_243 = arith.index_cast %parallel_loop3A_240 : i32 to index
      %parallel_loop3A_244 = tpu.vector_load %arg9[%parallel_loop3A_242, %parallel_loop3A_243] {strides = array<i32>} : memref<8x2048xf32, #tpu.memory_space<vmem>>, vector<16xf32>,
      tpu.vector_store %arg9[%parallel_loop3A_242, %parallel_loop3A_243], %parallel_loop3A_201 {strides = array<i32>} : memref<8x2048xf32, #tpu.memory_space<vmem>>, vector<16xf32>,
      %parallel_loop3A_245 = arith.constant 16 : i32
      %parallel_loop3A_246 = arith.muli %parallel_loop3A_188, %parallel_loop3A_245 : i32
      %parallel_loop3A_247 = arith.constant 7 : i32
      %parallel_loop3A_248 = arith.index_cast %parallel_loop3A_247 : i32 to index
      %parallel_loop3A_249 = arith.index_cast %parallel_loop3A_246 : i32 to index
      %parallel_loop3A_250 = tpu.vector_load %arg9[%parallel_loop3A_248, %parallel_loop3A_249] {strides = array<i32>} : memref<8x2048xf32, #tpu.memory_space<vmem>>, vector<16xf32>,
      tpu.vector_store %arg9[%parallel_loop3A_248, %parallel_loop3A_249], %parallel_loop3A_202 {strides = array<i32>} : memref<8x2048xf32, #tpu.memory_space<vmem>>, vector<16xf32>,
    } {sc.loop_unroll_factor = 2 : i64, sc.parallel_access}
    %add3A_92 = arith.constant 232 : i32
    %add3A_93 = arith.addi %mul3A_2, %add3A_92 : i32
    %dma_start3A_94 = arith.constant 2048 : i32
    %dma_start3A_95 = tpu.memref_slice %arg4[%add3A_93, %dma_start3A_94] : memref<8192x4096xf32, #tpu.memory_space<hbm>> -> memref<8x2048xf32, #tpu.memory_space<hbm>>
    %dma_start3A_96 = arith.constant 2048 : i32
    %dma_start3A_97 = tpu.memref_slice %arg4[%add3A_93, %dma_start3A_96] : memref<8192x4096xf32, #tpu.memory_space<hbm>> -> memref<8x2048xf32, #tpu.memory_space<hbm>>
    tpu.enqueue_dma source(%arg9 : memref<8x2048xf32, #tpu.memory_space<vmem>>) target(%dma_start3A_97 : memref<8x2048xf32, #tpu.memory_space<hbm>>) target_semaphore(%arg13 : memref<!tpu.dma_semaphore, #tpu.memory_space<semaphore_mem>>)
    %add3A_98 = arith.constant 248 : i32
    %add3A_99 = arith.addi %mul3A_2, %add3A_98 : i32
    %dma_start3A_100 = arith.constant 0 : i32
    %dma_start3A_101 = tpu.memref_slice %arg2[%add3A_99, %dma_start3A_100] : memref<8192x4096xf32, #tpu.memory_space<hbm>> -> memref<8x4096xf32, #tpu.memory_space<hbm>>
    %dma_start3A_102 = arith.constant 0 : i32
    %dma_start3A_103 = tpu.memref_slice %arg2[%add3A_99, %dma_start3A_102] : memref<8192x4096xf32, #tpu.memory_space<hbm>> -> memref<8x4096xf32, #tpu.memory_space<hbm>>
    tpu.enqueue_dma source(%dma_start3A_103 : memref<8x4096xf32, #tpu.memory_space<hbm>>) target(%arg7 : memref<8x4096xf32, #tpu.memory_space<vmem>>) target_semaphore(%arg11 : memref<!tpu.dma_semaphore, #tpu.memory_space<semaphore_mem>>)
    %add3A_104 = arith.constant 240 : i32
    %add3A_105 = arith.addi %mul3A_2, %add3A_104 : i32
    %dma_wait3A_106 = arith.constant 0 : i32
    %dma_wait3A_107 = tpu.memref_slice %arg2[%add3A_105, %dma_wait3A_106] : memref<8192x4096xf32, #tpu.memory_space<hbm>> -> memref<8x4096xf32, #tpu.memory_space<hbm>>
    %dma_wait3A_108 = arith.constant 0 : i32
    %dma_wait3A_109 = tpu.memref_slice %arg2[%add3A_105, %dma_wait3A_108] : memref<8192x4096xf32, #tpu.memory_space<hbm>> -> memref<8x4096xf32, #tpu.memory_space<hbm>>
    tpu.wait_dma2 semaphore(%arg10 : memref<!tpu.dma_semaphore, #tpu.memory_space<semaphore_mem>>) src(%dma_wait3A_109 : memref<8x4096xf32, #tpu.memory_space<hbm>>) dst(%arg6 : memref<8x4096xf32, #tpu.memory_space<vmem>>)
    %add3A_110 = arith.constant 232 : i32
    %add3A_111 = arith.addi %mul3A_2, %add3A_110 : i32
    %dma_wait3A_112 = arith.constant 0 : i32
    %dma_wait3A_113 = tpu.memref_slice %arg4[%add3A_111, %dma_wait3A_112] : memref<8192x4096xf32, #tpu.memory_space<hbm>> -> memref<8x2048xf32, #tpu.memory_space<hbm>>
    %dma_wait3A_114 = arith.constant 0 : i32
    %dma_wait3A_115 = tpu.memref_slice %arg4[%add3A_111, %dma_wait3A_114] : memref<8192x4096xf32, #tpu.memory_space<hbm>> -> memref<8x2048xf32, #tpu.memory_space<hbm>>
    tpu.wait_dma2 semaphore(%arg12 : memref<!tpu.dma_semaphore, #tpu.memory_space<semaphore_mem>>) src(%arg8 : memref<8x2048xf32, #tpu.memory_space<vmem>>) dst(%dma_wait3A_115 : memref<8x2048xf32, #tpu.memory_space<hbm>>)
    %parallel_loop3A_116 = arith.constant 0 : i32
    %parallel_loop3A_117 = arith.constant 128 : i32
    %parallel_loop3A_118 = arith.constant 1 : i32
    scf.for %parallel_loop3A_188 = %parallel_loop3A_116 to %parallel_loop3A_117 step %parallel_loop3A_118  : i32 {
      %parallel_loop3A_189 = arith.constant 0 : i32
      %parallel_loop3A_190 = arith.addi %parallel_loop3A_189, %parallel_loop3A_188 : i32
      %parallel_loop3A_191 = arith.constant 16 : i32
      %parallel_loop3A_192 = arith.muli %parallel_loop3A_190, %parallel_loop3A_191 : i32
      %parallel_loop3A_193 = arith.index_cast %parallel_loop3A_192 : i32 to index
      %parallel_loop3A_194 = tpu.vector_load %arg5[%parallel_loop3A_193] {strides = array<i32>} : memref<4096xi32, #tpu.memory_space<vmem>>, vector<16xi32>,
      %parallel_loop3A_195 = tpu.vector_load_idx %arg6[%broadcast_in_dim3A_3, %parallel_loop3A_194] : memref<8x4096xf32, #tpu.memory_space<vmem>>[vector<16xi32>, vector<16xi32>], vector<16xf32>,
      %parallel_loop3A_196 = tpu.vector_load_idx %arg6[%broadcast_in_dim3A_5, %parallel_loop3A_194] : memref<8x4096xf32, #tpu.memory_space<vmem>>[vector<16xi32>, vector<16xi32>], vector<16xf32>,
      %parallel_loop3A_197 = tpu.vector_load_idx %arg6[%broadcast_in_dim3A_7, %parallel_loop3A_194] : memref<8x4096xf32, #tpu.memory_space<vmem>>[vector<16xi32>, vector<16xi32>], vector<16xf32>,
      %parallel_loop3A_198 = tpu.vector_load_idx %arg6[%broadcast_in_dim3A_9, %parallel_loop3A_194] : memref<8x4096xf32, #tpu.memory_space<vmem>>[vector<16xi32>, vector<16xi32>], vector<16xf32>,
      %parallel_loop3A_199 = tpu.vector_load_idx %arg6[%broadcast_in_dim3A_11, %parallel_loop3A_194] : memref<8x4096xf32, #tpu.memory_space<vmem>>[vector<16xi32>, vector<16xi32>], vector<16xf32>,
      %parallel_loop3A_200 = tpu.vector_load_idx %arg6[%broadcast_in_dim3A_13, %parallel_loop3A_194] : memref<8x4096xf32, #tpu.memory_space<vmem>>[vector<16xi32>, vector<16xi32>], vector<16xf32>,
      %parallel_loop3A_201 = tpu.vector_load_idx %arg6[%broadcast_in_dim3A_15, %parallel_loop3A_194] : memref<8x4096xf32, #tpu.memory_space<vmem>>[vector<16xi32>, vector<16xi32>], vector<16xf32>,
      %parallel_loop3A_202 = tpu.vector_load_idx %arg6[%broadcast_in_dim3A_17, %parallel_loop3A_194] : memref<8x4096xf32, #tpu.memory_space<vmem>>[vector<16xi32>, vector<16xi32>], vector<16xf32>,
      %parallel_loop3A_203 = arith.constant 16 : i32
      %parallel_loop3A_204 = arith.muli %parallel_loop3A_188, %parallel_loop3A_203 : i32
      %parallel_loop3A_205 = arith.constant 0 : i32
      %parallel_loop3A_206 = arith.index_cast %parallel_loop3A_205 : i32 to index
      %parallel_loop3A_207 = arith.index_cast %parallel_loop3A_204 : i32 to index
      %parallel_loop3A_208 = tpu.vector_load %arg8[%parallel_loop3A_206, %parallel_loop3A_207] {strides = array<i32>} : memref<8x2048xf32, #tpu.memory_space<vmem>>, vector<16xf32>,
      tpu.vector_store %arg8[%parallel_loop3A_206, %parallel_loop3A_207], %parallel_loop3A_195 {strides = array<i32>} : memref<8x2048xf32, #tpu.memory_space<vmem>>, vector<16xf32>,
      %parallel_loop3A_209 = arith.constant 16 : i32
      %parallel_loop3A_210 = arith.muli %parallel_loop3A_188, %parallel_loop3A_209 : i32
      %parallel_loop3A_211 = arith.constant 1 : i32
      %parallel_loop3A_212 = arith.index_cast %parallel_loop3A_211 : i32 to index
      %parallel_loop3A_213 = arith.index_cast %parallel_loop3A_210 : i32 to index
      %parallel_loop3A_214 = tpu.vector_load %arg8[%parallel_loop3A_212, %parallel_loop3A_213] {strides = array<i32>} : memref<8x2048xf32, #tpu.memory_space<vmem>>, vector<16xf32>,
      tpu.vector_store %arg8[%parallel_loop3A_212, %parallel_loop3A_213], %parallel_loop3A_196 {strides = array<i32>} : memref<8x2048xf32, #tpu.memory_space<vmem>>, vector<16xf32>,
      %parallel_loop3A_215 = arith.constant 16 : i32
      %parallel_loop3A_216 = arith.muli %parallel_loop3A_188, %parallel_loop3A_215 : i32
      %parallel_loop3A_217 = arith.constant 2 : i32
      %parallel_loop3A_218 = arith.index_cast %parallel_loop3A_217 : i32 to index
      %parallel_loop3A_219 = arith.index_cast %parallel_loop3A_216 : i32 to index
      %parallel_loop3A_220 = tpu.vector_load %arg8[%parallel_loop3A_218, %parallel_loop3A_219] {strides = array<i32>} : memref<8x2048xf32, #tpu.memory_space<vmem>>, vector<16xf32>,
      tpu.vector_store %arg8[%parallel_loop3A_218, %parallel_loop3A_219], %parallel_loop3A_197 {strides = array<i32>} : memref<8x2048xf32, #tpu.memory_space<vmem>>, vector<16xf32>,
      %parallel_loop3A_221 = arith.constant 16 : i32
      %parallel_loop3A_222 = arith.muli %parallel_loop3A_188, %parallel_loop3A_221 : i32
      %parallel_loop3A_223 = arith.constant 3 : i32
      %parallel_loop3A_224 = arith.index_cast %parallel_loop3A_223 : i32 to index
      %parallel_loop3A_225 = arith.index_cast %parallel_loop3A_222 : i32 to index
      %parallel_loop3A_226 = tpu.vector_load %arg8[%parallel_loop3A_224, %parallel_loop3A_225] {strides = array<i32>} : memref<8x2048xf32, #tpu.memory_space<vmem>>, vector<16xf32>,
      tpu.vector_store %arg8[%parallel_loop3A_224, %parallel_loop3A_225], %parallel_loop3A_198 {strides = array<i32>} : memref<8x2048xf32, #tpu.memory_space<vmem>>, vector<16xf32>,
      %parallel_loop3A_227 = arith.constant 16 : i32
      %parallel_loop3A_228 = arith.muli %parallel_loop3A_188, %parallel_loop3A_227 : i32
      %parallel_loop3A_229 = arith.constant 4 : i32
      %parallel_loop3A_230 = arith.index_cast %parallel_loop3A_229 : i32 to index
      %parallel_loop3A_231 = arith.index_cast %parallel_loop3A_228 : i32 to index
      %parallel_loop3A_232 = tpu.vector_load %arg8[%parallel_loop3A_230, %parallel_loop3A_231] {strides = array<i32>} : memref<8x2048xf32, #tpu.memory_space<vmem>>, vector<16xf32>,
      tpu.vector_store %arg8[%parallel_loop3A_230, %parallel_loop3A_231], %parallel_loop3A_199 {strides = array<i32>} : memref<8x2048xf32, #tpu.memory_space<vmem>>, vector<16xf32>,
      %parallel_loop3A_233 = arith.constant 16 : i32
      %parallel_loop3A_234 = arith.muli %parallel_loop3A_188, %parallel_loop3A_233 : i32
      %parallel_loop3A_235 = arith.constant 5 : i32
      %parallel_loop3A_236 = arith.index_cast %parallel_loop3A_235 : i32 to index
      %parallel_loop3A_237 = arith.index_cast %parallel_loop3A_234 : i32 to index
      %parallel_loop3A_238 = tpu.vector_load %arg8[%parallel_loop3A_236, %parallel_loop3A_237] {strides = array<i32>} : memref<8x2048xf32, #tpu.memory_space<vmem>>, vector<16xf32>,
      tpu.vector_store %arg8[%parallel_loop3A_236, %parallel_loop3A_237], %parallel_loop3A_200 {strides = array<i32>} : memref<8x2048xf32, #tpu.memory_space<vmem>>, vector<16xf32>,
      %parallel_loop3A_239 = arith.constant 16 : i32
      %parallel_loop3A_240 = arith.muli %parallel_loop3A_188, %parallel_loop3A_239 : i32
      %parallel_loop3A_241 = arith.constant 6 : i32
      %parallel_loop3A_242 = arith.index_cast %parallel_loop3A_241 : i32 to index
      %parallel_loop3A_243 = arith.index_cast %parallel_loop3A_240 : i32 to index
      %parallel_loop3A_244 = tpu.vector_load %arg8[%parallel_loop3A_242, %parallel_loop3A_243] {strides = array<i32>} : memref<8x2048xf32, #tpu.memory_space<vmem>>, vector<16xf32>,
      tpu.vector_store %arg8[%parallel_loop3A_242, %parallel_loop3A_243], %parallel_loop3A_201 {strides = array<i32>} : memref<8x2048xf32, #tpu.memory_space<vmem>>, vector<16xf32>,
      %parallel_loop3A_245 = arith.constant 16 : i32
      %parallel_loop3A_246 = arith.muli %parallel_loop3A_188, %parallel_loop3A_245 : i32
      %parallel_loop3A_247 = arith.constant 7 : i32
      %parallel_loop3A_248 = arith.index_cast %parallel_loop3A_247 : i32 to index
      %parallel_loop3A_249 = arith.index_cast %parallel_loop3A_246 : i32 to index
      %parallel_loop3A_250 = tpu.vector_load %arg8[%parallel_loop3A_248, %parallel_loop3A_249] {strides = array<i32>} : memref<8x2048xf32, #tpu.memory_space<vmem>>, vector<16xf32>,
      tpu.vector_store %arg8[%parallel_loop3A_248, %parallel_loop3A_249], %parallel_loop3A_202 {strides = array<i32>} : memref<8x2048xf32, #tpu.memory_space<vmem>>, vector<16xf32>,
    } {sc.loop_unroll_factor = 2 : i64, sc.parallel_access}
    %add3A_119 = arith.constant 240 : i32
    %add3A_120 = arith.addi %mul3A_2, %add3A_119 : i32
    %dma_start3A_121 = arith.constant 0 : i32
    %dma_start3A_122 = tpu.memref_slice %arg4[%add3A_120, %dma_start3A_121] : memref<8192x4096xf32, #tpu.memory_space<hbm>> -> memref<8x2048xf32, #tpu.memory_space<hbm>>
    %dma_start3A_123 = arith.constant 0 : i32
    %dma_start3A_124 = tpu.memref_slice %arg4[%add3A_120, %dma_start3A_123] : memref<8192x4096xf32, #tpu.memory_space<hbm>> -> memref<8x2048xf32, #tpu.memory_space<hbm>>
    tpu.enqueue_dma source(%arg8 : memref<8x2048xf32, #tpu.memory_space<vmem>>) target(%dma_start3A_124 : memref<8x2048xf32, #tpu.memory_space<hbm>>) target_semaphore(%arg12 : memref<!tpu.dma_semaphore, #tpu.memory_space<semaphore_mem>>)
    %add3A_125 = arith.constant 232 : i32
    %add3A_126 = arith.addi %mul3A_2, %add3A_125 : i32
    %dma_wait3A_127 = arith.constant 2048 : i32
    %dma_wait3A_128 = tpu.memref_slice %arg4[%add3A_126, %dma_wait3A_127] : memref<8192x4096xf32, #tpu.memory_space<hbm>> -> memref<8x2048xf32, #tpu.memory_space<hbm>>
    %dma_wait3A_129 = arith.constant 2048 : i32
    %dma_wait3A_130 = tpu.memref_slice %arg4[%add3A_126, %dma_wait3A_129] : memref<8192x4096xf32, #tpu.memory_space<hbm>> -> memref<8x2048xf32, #tpu.memory_space<hbm>>
    tpu.wait_dma2 semaphore(%arg13 : memref<!tpu.dma_semaphore, #tpu.memory_space<semaphore_mem>>) src(%arg9 : memref<8x2048xf32, #tpu.memory_space<vmem>>) dst(%dma_wait3A_130 : memref<8x2048xf32, #tpu.memory_space<hbm>>)
    %parallel_loop3A_131 = arith.constant 0 : i32
    %parallel_loop3A_132 = arith.constant 128 : i32
    %parallel_loop3A_133 = arith.constant 1 : i32
    scf.for %parallel_loop3A_188 = %parallel_loop3A_131 to %parallel_loop3A_132 step %parallel_loop3A_133  : i32 {
      %parallel_loop3A_189 = arith.constant 128 : i32
      %parallel_loop3A_190 = arith.addi %parallel_loop3A_189, %parallel_loop3A_188 : i32
      %parallel_loop3A_191 = arith.constant 16 : i32
      %parallel_loop3A_192 = arith.muli %parallel_loop3A_190, %parallel_loop3A_191 : i32
      %parallel_loop3A_193 = arith.index_cast %parallel_loop3A_192 : i32 to index
      %parallel_loop3A_194 = tpu.vector_load %arg5[%parallel_loop3A_193] {strides = array<i32>} : memref<4096xi32, #tpu.memory_space<vmem>>, vector<16xi32>,
      %parallel_loop3A_195 = tpu.vector_load_idx %arg6[%broadcast_in_dim3A_3, %parallel_loop3A_194] : memref<8x4096xf32, #tpu.memory_space<vmem>>[vector<16xi32>, vector<16xi32>], vector<16xf32>,
      %parallel_loop3A_196 = tpu.vector_load_idx %arg6[%broadcast_in_dim3A_5, %parallel_loop3A_194] : memref<8x4096xf32, #tpu.memory_space<vmem>>[vector<16xi32>, vector<16xi32>], vector<16xf32>,
      %parallel_loop3A_197 = tpu.vector_load_idx %arg6[%broadcast_in_dim3A_7, %parallel_loop3A_194] : memref<8x4096xf32, #tpu.memory_space<vmem>>[vector<16xi32>, vector<16xi32>], vector<16xf32>,
      %parallel_loop3A_198 = tpu.vector_load_idx %arg6[%broadcast_in_dim3A_9, %parallel_loop3A_194] : memref<8x4096xf32, #tpu.memory_space<vmem>>[vector<16xi32>, vector<16xi32>], vector<16xf32>,
      %parallel_loop3A_199 = tpu.vector_load_idx %arg6[%broadcast_in_dim3A_11, %parallel_loop3A_194] : memref<8x4096xf32, #tpu.memory_space<vmem>>[vector<16xi32>, vector<16xi32>], vector<16xf32>,
      %parallel_loop3A_200 = tpu.vector_load_idx %arg6[%broadcast_in_dim3A_13, %parallel_loop3A_194] : memref<8x4096xf32, #tpu.memory_space<vmem>>[vector<16xi32>, vector<16xi32>], vector<16xf32>,
      %parallel_loop3A_201 = tpu.vector_load_idx %arg6[%broadcast_in_dim3A_15, %parallel_loop3A_194] : memref<8x4096xf32, #tpu.memory_space<vmem>>[vector<16xi32>, vector<16xi32>], vector<16xf32>,
      %parallel_loop3A_202 = tpu.vector_load_idx %arg6[%broadcast_in_dim3A_17, %parallel_loop3A_194] : memref<8x4096xf32, #tpu.memory_space<vmem>>[vector<16xi32>, vector<16xi32>], vector<16xf32>,
      %parallel_loop3A_203 = arith.constant 16 : i32
      %parallel_loop3A_204 = arith.muli %parallel_loop3A_188, %parallel_loop3A_203 : i32
      %parallel_loop3A_205 = arith.constant 0 : i32
      %parallel_loop3A_206 = arith.index_cast %parallel_loop3A_205 : i32 to index
      %parallel_loop3A_207 = arith.index_cast %parallel_loop3A_204 : i32 to index
      %parallel_loop3A_208 = tpu.vector_load %arg9[%parallel_loop3A_206, %parallel_loop3A_207] {strides = array<i32>} : memref<8x2048xf32, #tpu.memory_space<vmem>>, vector<16xf32>,
      tpu.vector_store %arg9[%parallel_loop3A_206, %parallel_loop3A_207], %parallel_loop3A_195 {strides = array<i32>} : memref<8x2048xf32, #tpu.memory_space<vmem>>, vector<16xf32>,
      %parallel_loop3A_209 = arith.constant 16 : i32
      %parallel_loop3A_210 = arith.muli %parallel_loop3A_188, %parallel_loop3A_209 : i32
      %parallel_loop3A_211 = arith.constant 1 : i32
      %parallel_loop3A_212 = arith.index_cast %parallel_loop3A_211 : i32 to index
      %parallel_loop3A_213 = arith.index_cast %parallel_loop3A_210 : i32 to index
      %parallel_loop3A_214 = tpu.vector_load %arg9[%parallel_loop3A_212, %parallel_loop3A_213] {strides = array<i32>} : memref<8x2048xf32, #tpu.memory_space<vmem>>, vector<16xf32>,
      tpu.vector_store %arg9[%parallel_loop3A_212, %parallel_loop3A_213], %parallel_loop3A_196 {strides = array<i32>} : memref<8x2048xf32, #tpu.memory_space<vmem>>, vector<16xf32>,
      %parallel_loop3A_215 = arith.constant 16 : i32
      %parallel_loop3A_216 = arith.muli %parallel_loop3A_188, %parallel_loop3A_215 : i32
      %parallel_loop3A_217 = arith.constant 2 : i32
      %parallel_loop3A_218 = arith.index_cast %parallel_loop3A_217 : i32 to index
      %parallel_loop3A_219 = arith.index_cast %parallel_loop3A_216 : i32 to index
      %parallel_loop3A_220 = tpu.vector_load %arg9[%parallel_loop3A_218, %parallel_loop3A_219] {strides = array<i32>} : memref<8x2048xf32, #tpu.memory_space<vmem>>, vector<16xf32>,
      tpu.vector_store %arg9[%parallel_loop3A_218, %parallel_loop3A_219], %parallel_loop3A_197 {strides = array<i32>} : memref<8x2048xf32, #tpu.memory_space<vmem>>, vector<16xf32>,
      %parallel_loop3A_221 = arith.constant 16 : i32
      %parallel_loop3A_222 = arith.muli %parallel_loop3A_188, %parallel_loop3A_221 : i32
      %parallel_loop3A_223 = arith.constant 3 : i32
      %parallel_loop3A_224 = arith.index_cast %parallel_loop3A_223 : i32 to index
      %parallel_loop3A_225 = arith.index_cast %parallel_loop3A_222 : i32 to index
      %parallel_loop3A_226 = tpu.vector_load %arg9[%parallel_loop3A_224, %parallel_loop3A_225] {strides = array<i32>} : memref<8x2048xf32, #tpu.memory_space<vmem>>, vector<16xf32>,
      tpu.vector_store %arg9[%parallel_loop3A_224, %parallel_loop3A_225], %parallel_loop3A_198 {strides = array<i32>} : memref<8x2048xf32, #tpu.memory_space<vmem>>, vector<16xf32>,
      %parallel_loop3A_227 = arith.constant 16 : i32
      %parallel_loop3A_228 = arith.muli %parallel_loop3A_188, %parallel_loop3A_227 : i32
      %parallel_loop3A_229 = arith.constant 4 : i32
      %parallel_loop3A_230 = arith.index_cast %parallel_loop3A_229 : i32 to index
      %parallel_loop3A_231 = arith.index_cast %parallel_loop3A_228 : i32 to index
      %parallel_loop3A_232 = tpu.vector_load %arg9[%parallel_loop3A_230, %parallel_loop3A_231] {strides = array<i32>} : memref<8x2048xf32, #tpu.memory_space<vmem>>, vector<16xf32>,
      tpu.vector_store %arg9[%parallel_loop3A_230, %parallel_loop3A_231], %parallel_loop3A_199 {strides = array<i32>} : memref<8x2048xf32, #tpu.memory_space<vmem>>, vector<16xf32>,
      %parallel_loop3A_233 = arith.constant 16 : i32
      %parallel_loop3A_234 = arith.muli %parallel_loop3A_188, %parallel_loop3A_233 : i32
      %parallel_loop3A_235 = arith.constant 5 : i32
      %parallel_loop3A_236 = arith.index_cast %parallel_loop3A_235 : i32 to index
      %parallel_loop3A_237 = arith.index_cast %parallel_loop3A_234 : i32 to index
      %parallel_loop3A_238 = tpu.vector_load %arg9[%parallel_loop3A_236, %parallel_loop3A_237] {strides = array<i32>} : memref<8x2048xf32, #tpu.memory_space<vmem>>, vector<16xf32>,
      tpu.vector_store %arg9[%parallel_loop3A_236, %parallel_loop3A_237], %parallel_loop3A_200 {strides = array<i32>} : memref<8x2048xf32, #tpu.memory_space<vmem>>, vector<16xf32>,
      %parallel_loop3A_239 = arith.constant 16 : i32
      %parallel_loop3A_240 = arith.muli %parallel_loop3A_188, %parallel_loop3A_239 : i32
      %parallel_loop3A_241 = arith.constant 6 : i32
      %parallel_loop3A_242 = arith.index_cast %parallel_loop3A_241 : i32 to index
      %parallel_loop3A_243 = arith.index_cast %parallel_loop3A_240 : i32 to index
      %parallel_loop3A_244 = tpu.vector_load %arg9[%parallel_loop3A_242, %parallel_loop3A_243] {strides = array<i32>} : memref<8x2048xf32, #tpu.memory_space<vmem>>, vector<16xf32>,
      tpu.vector_store %arg9[%parallel_loop3A_242, %parallel_loop3A_243], %parallel_loop3A_201 {strides = array<i32>} : memref<8x2048xf32, #tpu.memory_space<vmem>>, vector<16xf32>,
      %parallel_loop3A_245 = arith.constant 16 : i32
      %parallel_loop3A_246 = arith.muli %parallel_loop3A_188, %parallel_loop3A_245 : i32
      %parallel_loop3A_247 = arith.constant 7 : i32
      %parallel_loop3A_248 = arith.index_cast %parallel_loop3A_247 : i32 to index
      %parallel_loop3A_249 = arith.index_cast %parallel_loop3A_246 : i32 to index
      %parallel_loop3A_250 = tpu.vector_load %arg9[%parallel_loop3A_248, %parallel_loop3A_249] {strides = array<i32>} : memref<8x2048xf32, #tpu.memory_space<vmem>>, vector<16xf32>,
      tpu.vector_store %arg9[%parallel_loop3A_248, %parallel_loop3A_249], %parallel_loop3A_202 {strides = array<i32>} : memref<8x2048xf32, #tpu.memory_space<vmem>>, vector<16xf32>,
    } {sc.loop_unroll_factor = 2 : i64, sc.parallel_access}
    %add3A_134 = arith.constant 240 : i32
    %add3A_135 = arith.addi %mul3A_2, %add3A_134 : i32
    %dma_start3A_136 = arith.constant 2048 : i32
    %dma_start3A_137 = tpu.memref_slice %arg4[%add3A_135, %dma_start3A_136] : memref<8192x4096xf32, #tpu.memory_space<hbm>> -> memref<8x2048xf32, #tpu.memory_space<hbm>>
    %dma_start3A_138 = arith.constant 2048 : i32
    %dma_start3A_139 = tpu.memref_slice %arg4[%add3A_135, %dma_start3A_138] : memref<8192x4096xf32, #tpu.memory_space<hbm>> -> memref<8x2048xf32, #tpu.memory_space<hbm>>
    tpu.enqueue_dma source(%arg9 : memref<8x2048xf32, #tpu.memory_space<vmem>>) target(%dma_start3A_139 : memref<8x2048xf32, #tpu.memory_space<hbm>>) target_semaphore(%arg13 : memref<!tpu.dma_semaphore, #tpu.memory_space<semaphore_mem>>)
    %add3A_140 = arith.constant 248 : i32
    %add3A_141 = arith.addi %mul3A_2, %add3A_140 : i32
    %dma_wait3A_142 = arith.constant 0 : i32
    %dma_wait3A_143 = tpu.memref_slice %arg2[%add3A_141, %dma_wait3A_142] : memref<8192x4096xf32, #tpu.memory_space<hbm>> -> memref<8x4096xf32, #tpu.memory_space<hbm>>
    %dma_wait3A_144 = arith.constant 0 : i32
    %dma_wait3A_145 = tpu.memref_slice %arg2[%add3A_141, %dma_wait3A_144] : memref<8192x4096xf32, #tpu.memory_space<hbm>> -> memref<8x4096xf32, #tpu.memory_space<hbm>>
    tpu.wait_dma2 semaphore(%arg11 : memref<!tpu.dma_semaphore, #tpu.memory_space<semaphore_mem>>) src(%dma_wait3A_145 : memref<8x4096xf32, #tpu.memory_space<hbm>>) dst(%arg7 : memref<8x4096xf32, #tpu.memory_space<vmem>>)
    %add3A_146 = arith.constant 240 : i32
    %add3A_147 = arith.addi %mul3A_2, %add3A_146 : i32
    %dma_wait3A_148 = arith.constant 0 : i32
    %dma_wait3A_149 = tpu.memref_slice %arg4[%add3A_147, %dma_wait3A_148] : memref<8192x4096xf32, #tpu.memory_space<hbm>> -> memref<8x2048xf32, #tpu.memory_space<hbm>>
    %dma_wait3A_150 = arith.constant 0 : i32
    %dma_wait3A_151 = tpu.memref_slice %arg4[%add3A_147, %dma_wait3A_150] : memref<8192x4096xf32, #tpu.memory_space<hbm>> -> memref<8x2048xf32, #tpu.memory_space<hbm>>
    tpu.wait_dma2 semaphore(%arg12 : memref<!tpu.dma_semaphore, #tpu.memory_space<semaphore_mem>>) src(%arg8 : memref<8x2048xf32, #tpu.memory_space<vmem>>) dst(%dma_wait3A_151 : memref<8x2048xf32, #tpu.memory_space<hbm>>)
    %parallel_loop3A_152 = arith.constant 0 : i32
    %parallel_loop3A_153 = arith.constant 128 : i32
    %parallel_loop3A_154 = arith.constant 1 : i32
    scf.for %parallel_loop3A_188 = %parallel_loop3A_152 to %parallel_loop3A_153 step %parallel_loop3A_154  : i32 {
      %parallel_loop3A_189 = arith.constant 0 : i32
      %parallel_loop3A_190 = arith.addi %parallel_loop3A_189, %parallel_loop3A_188 : i32
      %parallel_loop3A_191 = arith.constant 16 : i32
      %parallel_loop3A_192 = arith.muli %parallel_loop3A_190, %parallel_loop3A_191 : i32
      %parallel_loop3A_193 = arith.index_cast %parallel_loop3A_192 : i32 to index
      %parallel_loop3A_194 = tpu.vector_load %arg5[%parallel_loop3A_193] {strides = array<i32>} : memref<4096xi32, #tpu.memory_space<vmem>>, vector<16xi32>,
      %parallel_loop3A_195 = tpu.vector_load_idx %arg7[%broadcast_in_dim3A_3, %parallel_loop3A_194] : memref<8x4096xf32, #tpu.memory_space<vmem>>[vector<16xi32>, vector<16xi32>], vector<16xf32>,
      %parallel_loop3A_196 = tpu.vector_load_idx %arg7[%broadcast_in_dim3A_5, %parallel_loop3A_194] : memref<8x4096xf32, #tpu.memory_space<vmem>>[vector<16xi32>, vector<16xi32>], vector<16xf32>,
      %parallel_loop3A_197 = tpu.vector_load_idx %arg7[%broadcast_in_dim3A_7, %parallel_loop3A_194] : memref<8x4096xf32, #tpu.memory_space<vmem>>[vector<16xi32>, vector<16xi32>], vector<16xf32>,
      %parallel_loop3A_198 = tpu.vector_load_idx %arg7[%broadcast_in_dim3A_9, %parallel_loop3A_194] : memref<8x4096xf32, #tpu.memory_space<vmem>>[vector<16xi32>, vector<16xi32>], vector<16xf32>,
      %parallel_loop3A_199 = tpu.vector_load_idx %arg7[%broadcast_in_dim3A_11, %parallel_loop3A_194] : memref<8x4096xf32, #tpu.memory_space<vmem>>[vector<16xi32>, vector<16xi32>], vector<16xf32>,
      %parallel_loop3A_200 = tpu.vector_load_idx %arg7[%broadcast_in_dim3A_13, %parallel_loop3A_194] : memref<8x4096xf32, #tpu.memory_space<vmem>>[vector<16xi32>, vector<16xi32>], vector<16xf32>,
      %parallel_loop3A_201 = tpu.vector_load_idx %arg7[%broadcast_in_dim3A_15, %parallel_loop3A_194] : memref<8x4096xf32, #tpu.memory_space<vmem>>[vector<16xi32>, vector<16xi32>], vector<16xf32>,
      %parallel_loop3A_202 = tpu.vector_load_idx %arg7[%broadcast_in_dim3A_17, %parallel_loop3A_194] : memref<8x4096xf32, #tpu.memory_space<vmem>>[vector<16xi32>, vector<16xi32>], vector<16xf32>,
      %parallel_loop3A_203 = arith.constant 16 : i32
      %parallel_loop3A_204 = arith.muli %parallel_loop3A_188, %parallel_loop3A_203 : i32
      %parallel_loop3A_205 = arith.constant 0 : i32
      %parallel_loop3A_206 = arith.index_cast %parallel_loop3A_205 : i32 to index
      %parallel_loop3A_207 = arith.index_cast %parallel_loop3A_204 : i32 to index
      %parallel_loop3A_208 = tpu.vector_load %arg8[%parallel_loop3A_206, %parallel_loop3A_207] {strides = array<i32>} : memref<8x2048xf32, #tpu.memory_space<vmem>>, vector<16xf32>,
      tpu.vector_store %arg8[%parallel_loop3A_206, %parallel_loop3A_207], %parallel_loop3A_195 {strides = array<i32>} : memref<8x2048xf32, #tpu.memory_space<vmem>>, vector<16xf32>,
      %parallel_loop3A_209 = arith.constant 16 : i32
      %parallel_loop3A_210 = arith.muli %parallel_loop3A_188, %parallel_loop3A_209 : i32
      %parallel_loop3A_211 = arith.constant 1 : i32
      %parallel_loop3A_212 = arith.index_cast %parallel_loop3A_211 : i32 to index
      %parallel_loop3A_213 = arith.index_cast %parallel_loop3A_210 : i32 to index
      %parallel_loop3A_214 = tpu.vector_load %arg8[%parallel_loop3A_212, %parallel_loop3A_213] {strides = array<i32>} : memref<8x2048xf32, #tpu.memory_space<vmem>>, vector<16xf32>,
      tpu.vector_store %arg8[%parallel_loop3A_212, %parallel_loop3A_213], %parallel_loop3A_196 {strides = array<i32>} : memref<8x2048xf32, #tpu.memory_space<vmem>>, vector<16xf32>,
      %parallel_loop3A_215 = arith.constant 16 : i32
      %parallel_loop3A_216 = arith.muli %parallel_loop3A_188, %parallel_loop3A_215 : i32
      %parallel_loop3A_217 = arith.constant 2 : i32
      %parallel_loop3A_218 = arith.index_cast %parallel_loop3A_217 : i32 to index
      %parallel_loop3A_219 = arith.index_cast %parallel_loop3A_216 : i32 to index
      %parallel_loop3A_220 = tpu.vector_load %arg8[%parallel_loop3A_218, %parallel_loop3A_219] {strides = array<i32>} : memref<8x2048xf32, #tpu.memory_space<vmem>>, vector<16xf32>,
      tpu.vector_store %arg8[%parallel_loop3A_218, %parallel_loop3A_219], %parallel_loop3A_197 {strides = array<i32>} : memref<8x2048xf32, #tpu.memory_space<vmem>>, vector<16xf32>,
      %parallel_loop3A_221 = arith.constant 16 : i32
      %parallel_loop3A_222 = arith.muli %parallel_loop3A_188, %parallel_loop3A_221 : i32
      %parallel_loop3A_223 = arith.constant 3 : i32
      %parallel_loop3A_224 = arith.index_cast %parallel_loop3A_223 : i32 to index
      %parallel_loop3A_225 = arith.index_cast %parallel_loop3A_222 : i32 to index
      %parallel_loop3A_226 = tpu.vector_load %arg8[%parallel_loop3A_224, %parallel_loop3A_225] {strides = array<i32>} : memref<8x2048xf32, #tpu.memory_space<vmem>>, vector<16xf32>,
      tpu.vector_store %arg8[%parallel_loop3A_224, %parallel_loop3A_225], %parallel_loop3A_198 {strides = array<i32>} : memref<8x2048xf32, #tpu.memory_space<vmem>>, vector<16xf32>,
      %parallel_loop3A_227 = arith.constant 16 : i32
      %parallel_loop3A_228 = arith.muli %parallel_loop3A_188, %parallel_loop3A_227 : i32
      %parallel_loop3A_229 = arith.constant 4 : i32
      %parallel_loop3A_230 = arith.index_cast %parallel_loop3A_229 : i32 to index
      %parallel_loop3A_231 = arith.index_cast %parallel_loop3A_228 : i32 to index
      %parallel_loop3A_232 = tpu.vector_load %arg8[%parallel_loop3A_230, %parallel_loop3A_231] {strides = array<i32>} : memref<8x2048xf32, #tpu.memory_space<vmem>>, vector<16xf32>,
      tpu.vector_store %arg8[%parallel_loop3A_230, %parallel_loop3A_231], %parallel_loop3A_199 {strides = array<i32>} : memref<8x2048xf32, #tpu.memory_space<vmem>>, vector<16xf32>,
      %parallel_loop3A_233 = arith.constant 16 : i32
      %parallel_loop3A_234 = arith.muli %parallel_loop3A_188, %parallel_loop3A_233 : i32
      %parallel_loop3A_235 = arith.constant 5 : i32
      %parallel_loop3A_236 = arith.index_cast %parallel_loop3A_235 : i32 to index
      %parallel_loop3A_237 = arith.index_cast %parallel_loop3A_234 : i32 to index
      %parallel_loop3A_238 = tpu.vector_load %arg8[%parallel_loop3A_236, %parallel_loop3A_237] {strides = array<i32>} : memref<8x2048xf32, #tpu.memory_space<vmem>>, vector<16xf32>,
      tpu.vector_store %arg8[%parallel_loop3A_236, %parallel_loop3A_237], %parallel_loop3A_200 {strides = array<i32>} : memref<8x2048xf32, #tpu.memory_space<vmem>>, vector<16xf32>,
      %parallel_loop3A_239 = arith.constant 16 : i32
      %parallel_loop3A_240 = arith.muli %parallel_loop3A_188, %parallel_loop3A_239 : i32
      %parallel_loop3A_241 = arith.constant 6 : i32
      %parallel_loop3A_242 = arith.index_cast %parallel_loop3A_241 : i32 to index
      %parallel_loop3A_243 = arith.index_cast %parallel_loop3A_240 : i32 to index
      %parallel_loop3A_244 = tpu.vector_load %arg8[%parallel_loop3A_242, %parallel_loop3A_243] {strides = array<i32>} : memref<8x2048xf32, #tpu.memory_space<vmem>>, vector<16xf32>,
      tpu.vector_store %arg8[%parallel_loop3A_242, %parallel_loop3A_243], %parallel_loop3A_201 {strides = array<i32>} : memref<8x2048xf32, #tpu.memory_space<vmem>>, vector<16xf32>,
      %parallel_loop3A_245 = arith.constant 16 : i32
      %parallel_loop3A_246 = arith.muli %parallel_loop3A_188, %parallel_loop3A_245 : i32
      %parallel_loop3A_247 = arith.constant 7 : i32
      %parallel_loop3A_248 = arith.index_cast %parallel_loop3A_247 : i32 to index
      %parallel_loop3A_249 = arith.index_cast %parallel_loop3A_246 : i32 to index
      %parallel_loop3A_250 = tpu.vector_load %arg8[%parallel_loop3A_248, %parallel_loop3A_249] {strides = array<i32>} : memref<8x2048xf32, #tpu.memory_space<vmem>>, vector<16xf32>,
      tpu.vector_store %arg8[%parallel_loop3A_248, %parallel_loop3A_249], %parallel_loop3A_202 {strides = array<i32>} : memref<8x2048xf32, #tpu.memory_space<vmem>>, vector<16xf32>,
    } {sc.loop_unroll_factor = 2 : i64, sc.parallel_access}
    %add3A_155 = arith.constant 248 : i32
    %add3A_156 = arith.addi %mul3A_2, %add3A_155 : i32
    %dma_start3A_157 = arith.constant 0 : i32
    %dma_start3A_158 = tpu.memref_slice %arg4[%add3A_156, %dma_start3A_157] : memref<8192x4096xf32, #tpu.memory_space<hbm>> -> memref<8x2048xf32, #tpu.memory_space<hbm>>
    %dma_start3A_159 = arith.constant 0 : i32
    %dma_start3A_160 = tpu.memref_slice %arg4[%add3A_156, %dma_start3A_159] : memref<8192x4096xf32, #tpu.memory_space<hbm>> -> memref<8x2048xf32, #tpu.memory_space<hbm>>
    tpu.enqueue_dma source(%arg8 : memref<8x2048xf32, #tpu.memory_space<vmem>>) target(%dma_start3A_160 : memref<8x2048xf32, #tpu.memory_space<hbm>>) target_semaphore(%arg12 : memref<!tpu.dma_semaphore, #tpu.memory_space<semaphore_mem>>)
    %add3A_161 = arith.constant 240 : i32
    %add3A_162 = arith.addi %mul3A_2, %add3A_161 : i32
    %dma_wait3A_163 = arith.constant 2048 : i32
    %dma_wait3A_164 = tpu.memref_slice %arg4[%add3A_162, %dma_wait3A_163] : memref<8192x4096xf32, #tpu.memory_space<hbm>> -> memref<8x2048xf32, #tpu.memory_space<hbm>>
    %dma_wait3A_165 = arith.constant 2048 : i32
    %dma_wait3A_166 = tpu.memref_slice %arg4[%add3A_162, %dma_wait3A_165] : memref<8192x4096xf32, #tpu.memory_space<hbm>> -> memref<8x2048xf32, #tpu.memory_space<hbm>>
    tpu.wait_dma2 semaphore(%arg13 : memref<!tpu.dma_semaphore, #tpu.memory_space<semaphore_mem>>) src(%arg9 : memref<8x2048xf32, #tpu.memory_space<vmem>>) dst(%dma_wait3A_166 : memref<8x2048xf32, #tpu.memory_space<hbm>>)
    %parallel_loop3A_167 = arith.constant 0 : i32
    %parallel_loop3A_168 = arith.constant 128 : i32
    %parallel_loop3A_169 = arith.constant 1 : i32
    scf.for %parallel_loop3A_188 = %parallel_loop3A_167 to %parallel_loop3A_168 step %parallel_loop3A_169  : i32 {
      %parallel_loop3A_189 = arith.constant 128 : i32
      %parallel_loop3A_190 = arith.addi %parallel_loop3A_189, %parallel_loop3A_188 : i32
      %parallel_loop3A_191 = arith.constant 16 : i32
      %parallel_loop3A_192 = arith.muli %parallel_loop3A_190, %parallel_loop3A_191 : i32
      %parallel_loop3A_193 = arith.index_cast %parallel_loop3A_192 : i32 to index
      %parallel_loop3A_194 = tpu.vector_load %arg5[%parallel_loop3A_193] {strides = array<i32>} : memref<4096xi32, #tpu.memory_space<vmem>>, vector<16xi32>,
      %parallel_loop3A_195 = tpu.vector_load_idx %arg7[%broadcast_in_dim3A_3, %parallel_loop3A_194] : memref<8x4096xf32, #tpu.memory_space<vmem>>[vector<16xi32>, vector<16xi32>], vector<16xf32>,
      %parallel_loop3A_196 = tpu.vector_load_idx %arg7[%broadcast_in_dim3A_5, %parallel_loop3A_194] : memref<8x4096xf32, #tpu.memory_space<vmem>>[vector<16xi32>, vector<16xi32>], vector<16xf32>,
      %parallel_loop3A_197 = tpu.vector_load_idx %arg7[%broadcast_in_dim3A_7, %parallel_loop3A_194] : memref<8x4096xf32, #tpu.memory_space<vmem>>[vector<16xi32>, vector<16xi32>], vector<16xf32>,
      %parallel_loop3A_198 = tpu.vector_load_idx %arg7[%broadcast_in_dim3A_9, %parallel_loop3A_194] : memref<8x4096xf32, #tpu.memory_space<vmem>>[vector<16xi32>, vector<16xi32>], vector<16xf32>,
      %parallel_loop3A_199 = tpu.vector_load_idx %arg7[%broadcast_in_dim3A_11, %parallel_loop3A_194] : memref<8x4096xf32, #tpu.memory_space<vmem>>[vector<16xi32>, vector<16xi32>], vector<16xf32>,
      %parallel_loop3A_200 = tpu.vector_load_idx %arg7[%broadcast_in_dim3A_13, %parallel_loop3A_194] : memref<8x4096xf32, #tpu.memory_space<vmem>>[vector<16xi32>, vector<16xi32>], vector<16xf32>,
      %parallel_loop3A_201 = tpu.vector_load_idx %arg7[%broadcast_in_dim3A_15, %parallel_loop3A_194] : memref<8x4096xf32, #tpu.memory_space<vmem>>[vector<16xi32>, vector<16xi32>], vector<16xf32>,
      %parallel_loop3A_202 = tpu.vector_load_idx %arg7[%broadcast_in_dim3A_17, %parallel_loop3A_194] : memref<8x4096xf32, #tpu.memory_space<vmem>>[vector<16xi32>, vector<16xi32>], vector<16xf32>,
      %parallel_loop3A_203 = arith.constant 16 : i32
      %parallel_loop3A_204 = arith.muli %parallel_loop3A_188, %parallel_loop3A_203 : i32
      %parallel_loop3A_205 = arith.constant 0 : i32
      %parallel_loop3A_206 = arith.index_cast %parallel_loop3A_205 : i32 to index
      %parallel_loop3A_207 = arith.index_cast %parallel_loop3A_204 : i32 to index
      %parallel_loop3A_208 = tpu.vector_load %arg9[%parallel_loop3A_206, %parallel_loop3A_207] {strides = array<i32>} : memref<8x2048xf32, #tpu.memory_space<vmem>>, vector<16xf32>,
      tpu.vector_store %arg9[%parallel_loop3A_206, %parallel_loop3A_207], %parallel_loop3A_195 {strides = array<i32>} : memref<8x2048xf32, #tpu.memory_space<vmem>>, vector<16xf32>,
      %parallel_loop3A_209 = arith.constant 16 : i32
      %parallel_loop3A_210 = arith.muli %parallel_loop3A_188, %parallel_loop3A_209 : i32
      %parallel_loop3A_211 = arith.constant 1 : i32
      %parallel_loop3A_212 = arith.index_cast %parallel_loop3A_211 : i32 to index
      %parallel_loop3A_213 = arith.index_cast %parallel_loop3A_210 : i32 to index
      %parallel_loop3A_214 = tpu.vector_load %arg9[%parallel_loop3A_212, %parallel_loop3A_213] {strides = array<i32>} : memref<8x2048xf32, #tpu.memory_space<vmem>>, vector<16xf32>,
      tpu.vector_store %arg9[%parallel_loop3A_212, %parallel_loop3A_213], %parallel_loop3A_196 {strides = array<i32>} : memref<8x2048xf32, #tpu.memory_space<vmem>>, vector<16xf32>,
      %parallel_loop3A_215 = arith.constant 16 : i32
      %parallel_loop3A_216 = arith.muli %parallel_loop3A_188, %parallel_loop3A_215 : i32
      %parallel_loop3A_217 = arith.constant 2 : i32
      %parallel_loop3A_218 = arith.index_cast %parallel_loop3A_217 : i32 to index
      %parallel_loop3A_219 = arith.index_cast %parallel_loop3A_216 : i32 to index
      %parallel_loop3A_220 = tpu.vector_load %arg9[%parallel_loop3A_218, %parallel_loop3A_219] {strides = array<i32>} : memref<8x2048xf32, #tpu.memory_space<vmem>>, vector<16xf32>,
      tpu.vector_store %arg9[%parallel_loop3A_218, %parallel_loop3A_219], %parallel_loop3A_197 {strides = array<i32>} : memref<8x2048xf32, #tpu.memory_space<vmem>>, vector<16xf32>,
      %parallel_loop3A_221 = arith.constant 16 : i32
      %parallel_loop3A_222 = arith.muli %parallel_loop3A_188, %parallel_loop3A_221 : i32
      %parallel_loop3A_223 = arith.constant 3 : i32
      %parallel_loop3A_224 = arith.index_cast %parallel_loop3A_223 : i32 to index
      %parallel_loop3A_225 = arith.index_cast %parallel_loop3A_222 : i32 to index
      %parallel_loop3A_226 = tpu.vector_load %arg9[%parallel_loop3A_224, %parallel_loop3A_225] {strides = array<i32>} : memref<8x2048xf32, #tpu.memory_space<vmem>>, vector<16xf32>,
      tpu.vector_store %arg9[%parallel_loop3A_224, %parallel_loop3A_225], %parallel_loop3A_198 {strides = array<i32>} : memref<8x2048xf32, #tpu.memory_space<vmem>>, vector<16xf32>,
      %parallel_loop3A_227 = arith.constant 16 : i32
      %parallel_loop3A_228 = arith.muli %parallel_loop3A_188, %parallel_loop3A_227 : i32
      %parallel_loop3A_229 = arith.constant 4 : i32
      %parallel_loop3A_230 = arith.index_cast %parallel_loop3A_229 : i32 to index
      %parallel_loop3A_231 = arith.index_cast %parallel_loop3A_228 : i32 to index
      %parallel_loop3A_232 = tpu.vector_load %arg9[%parallel_loop3A_230, %parallel_loop3A_231] {strides = array<i32>} : memref<8x2048xf32, #tpu.memory_space<vmem>>, vector<16xf32>,
      tpu.vector_store %arg9[%parallel_loop3A_230, %parallel_loop3A_231], %parallel_loop3A_199 {strides = array<i32>} : memref<8x2048xf32, #tpu.memory_space<vmem>>, vector<16xf32>,
      %parallel_loop3A_233 = arith.constant 16 : i32
      %parallel_loop3A_234 = arith.muli %parallel_loop3A_188, %parallel_loop3A_233 : i32
      %parallel_loop3A_235 = arith.constant 5 : i32
      %parallel_loop3A_236 = arith.index_cast %parallel_loop3A_235 : i32 to index
      %parallel_loop3A_237 = arith.index_cast %parallel_loop3A_234 : i32 to index
      %parallel_loop3A_238 = tpu.vector_load %arg9[%parallel_loop3A_236, %parallel_loop3A_237] {strides = array<i32>} : memref<8x2048xf32, #tpu.memory_space<vmem>>, vector<16xf32>,
      tpu.vector_store %arg9[%parallel_loop3A_236, %parallel_loop3A_237], %parallel_loop3A_200 {strides = array<i32>} : memref<8x2048xf32, #tpu.memory_space<vmem>>, vector<16xf32>,
      %parallel_loop3A_239 = arith.constant 16 : i32
      %parallel_loop3A_240 = arith.muli %parallel_loop3A_188, %parallel_loop3A_239 : i32
      %parallel_loop3A_241 = arith.constant 6 : i32
      %parallel_loop3A_242 = arith.index_cast %parallel_loop3A_241 : i32 to index
      %parallel_loop3A_243 = arith.index_cast %parallel_loop3A_240 : i32 to index
      %parallel_loop3A_244 = tpu.vector_load %arg9[%parallel_loop3A_242, %parallel_loop3A_243] {strides = array<i32>} : memref<8x2048xf32, #tpu.memory_space<vmem>>, vector<16xf32>,
      tpu.vector_store %arg9[%parallel_loop3A_242, %parallel_loop3A_243], %parallel_loop3A_201 {strides = array<i32>} : memref<8x2048xf32, #tpu.memory_space<vmem>>, vector<16xf32>,
      %parallel_loop3A_245 = arith.constant 16 : i32
      %parallel_loop3A_246 = arith.muli %parallel_loop3A_188, %parallel_loop3A_245 : i32
      %parallel_loop3A_247 = arith.constant 7 : i32
      %parallel_loop3A_248 = arith.index_cast %parallel_loop3A_247 : i32 to index
      %parallel_loop3A_249 = arith.index_cast %parallel_loop3A_246 : i32 to index
      %parallel_loop3A_250 = tpu.vector_load %arg9[%parallel_loop3A_248, %parallel_loop3A_249] {strides = array<i32>} : memref<8x2048xf32, #tpu.memory_space<vmem>>, vector<16xf32>,
      tpu.vector_store %arg9[%parallel_loop3A_248, %parallel_loop3A_249], %parallel_loop3A_202 {strides = array<i32>} : memref<8x2048xf32, #tpu.memory_space<vmem>>, vector<16xf32>,
    } {sc.loop_unroll_factor = 2 : i64, sc.parallel_access}
    %add3A_170 = arith.constant 248 : i32
    %add3A_171 = arith.addi %mul3A_2, %add3A_170 : i32
    %dma_start3A_172 = arith.constant 2048 : i32
    %dma_start3A_173 = tpu.memref_slice %arg4[%add3A_171, %dma_start3A_172] : memref<8192x4096xf32, #tpu.memory_space<hbm>> -> memref<8x2048xf32, #tpu.memory_space<hbm>>
    %dma_start3A_174 = arith.constant 2048 : i32
    %dma_start3A_175 = tpu.memref_slice %arg4[%add3A_171, %dma_start3A_174] : memref<8192x4096xf32, #tpu.memory_space<hbm>> -> memref<8x2048xf32, #tpu.memory_space<hbm>>
    tpu.enqueue_dma source(%arg9 : memref<8x2048xf32, #tpu.memory_space<vmem>>) target(%dma_start3A_175 : memref<8x2048xf32, #tpu.memory_space<hbm>>) target_semaphore(%arg13 : memref<!tpu.dma_semaphore, #tpu.memory_space<semaphore_mem>>)
    %add3A_176 = arith.constant 248 : i32
    %add3A_177 = arith.addi %mul3A_2, %add3A_176 : i32
    %dma_wait3A_178 = arith.constant 0 : i32
    %dma_wait3A_179 = tpu.memref_slice %arg4[%add3A_177, %dma_wait3A_178] : memref<8192x4096xf32, #tpu.memory_space<hbm>> -> memref<8x2048xf32, #tpu.memory_space<hbm>>
    %dma_wait3A_180 = arith.constant 0 : i32
    %dma_wait3A_181 = tpu.memref_slice %arg4[%add3A_177, %dma_wait3A_180] : memref<8192x4096xf32, #tpu.memory_space<hbm>> -> memref<8x2048xf32, #tpu.memory_space<hbm>>
    tpu.wait_dma2 semaphore(%arg12 : memref<!tpu.dma_semaphore, #tpu.memory_space<semaphore_mem>>) src(%arg8 : memref<8x2048xf32, #tpu.memory_space<vmem>>) dst(%dma_wait3A_181 : memref<8x2048xf32, #tpu.memory_space<hbm>>)
    %add3A_182 = arith.constant 248 : i32
    %add3A_183 = arith.addi %mul3A_2, %add3A_182 : i32
    %dma_wait3A_184 = arith.constant 2048 : i32
    %dma_wait3A_185 = tpu.memref_slice %arg4[%add3A_183, %dma_wait3A_184] : memref<8192x4096xf32, #tpu.memory_space<hbm>> -> memref<8x2048xf32, #tpu.memory_space<hbm>>
    %dma_wait3A_186 = arith.constant 2048 : i32
    %dma_wait3A_187 = tpu.memref_slice %arg4[%add3A_183, %dma_wait3A_186] : memref<8192x4096xf32, #tpu.memory_space<hbm>> -> memref<8x2048xf32, #tpu.memory_space<hbm>>
    tpu.wait_dma2 semaphore(%arg13 : memref<!tpu.dma_semaphore, #tpu.memory_space<semaphore_mem>>) src(%arg9 : memref<8x2048xf32, #tpu.memory_space<vmem>>) dst(%dma_wait3A_187 : memref<8x2048xf32, #tpu.memory_space<hbm>>)
    return
  }
}

</mosaic_0001>

<sc_bundles>
// kernel: kernel.3.cloned.1.call-start
scs
__scs_entry_jumppad:
0x0: {  	(pc) =	sbr.rel $0x88, $3  }
0x1: {  	(tag) =	ssettag $0x0;
	lr =	simm.s32 $0x1  }
0x2: {  	[smem:$0x3F9F] =	sst lr;
	_ =	strace $0xD0000000  }
0x3: {  	_ = 	snop  }
0x4: {  	_ = 	snop  }
0x5: {  	_ = 	snop  }
0x6: {  	_ = 	snop  }
0x7: {  	_ = 	snop  }
__scs_overlays_trampoline_lowered:
0x8: {  	[smem:$0x3FAE] =	sst s0  }
0x9: {  	[smem:$0x3FAF] =	sst s1  }
0xa: {  	[smem:$0x3FB0] =	sst s2  }
0xb: {  	[smem:$0x3FB1] =	sst s3  }
0xc: {  	[smem:$0x3FB2] =	sst s4  }
0xd: {  	[smem:$0x3FB3] =	sst s5  }
0xe: {  	[smem:$0x3FB4] =	sst s6  }
0xf: {  	[smem:$0x3FB5] =	sst s7  }
0x10: {  	[smem:$0x3FB6] =	sst s8  }
0x11: {  	[smem:$0x3FB7] =	sst s9;
	s0 =	simm.s32 @!p0 $0x0  }
0x12: {  	s1 =	sld [smem:$0x3F9D];
	s0 =	simm.s32 @p0 $0x1  }
0x13: {  	[smem:$0x3FB8] =	sst s0;
	s0 =	simm.s32 @!p1 $0x0  }
0x14: {  	s2 =	sld [smem:$0x3F9C];
	s0 =	simm.s32 @p1 $0x1  }
0x15: {  	[smem:$0x3FB9] =	sst s0;
	s0 =	simm.s32 @!p2 $0x0  }
0x16: {  	s3 =	sld [smem:$0x3FDB];
	s0 =	simm.s32 @p2 $0x1  }
0x17: {  	s4 =	simm.s32 $0x1BF5;
	[smem:$0x3FBB] =	sst s0  }
0x18: {  	s0 =	sld [smem:$0x3F9E];
	_ =	swait.ge [sflag:s4], $0x0  }
0x19: {  	s7 =	sld [smem:$0x3F9F]  }
0x1a: {  	s8 =	sadd.s32 $0xFFFFE003, lr  }
0x1b: {  	s9 =	sadd.s32 $0xFFFFFEF7, lr;
	s5 =	simm.s32 $0xFFFFFFFF;
	p2 =	slt.u32 s8, $0xFFFFF086  }
0x1c: {  	p1 =	slt.u32 s9, $0xF7A;
	s5 =	simm.s32 @!p2 $0x0  }
0x1d: {  	s5 =	simm.s32 @p1 $0x1;
	p0 =	seq.s32 s7, s2  }
0x1e: {  	s7 =	smul.u32 @!p0 $0xF7A, s2;
	p2 =	seq.s32 @!p0 s5, $0x0  }
0x1f: {  	s9 =	smul.u32 $0xF7A, s1;
	s8 =	simm.s32 @!p0 $0x1BF5;
	p2 =	por !p2, p0  }
0x20: {  	[sflag:s8] =	ssyncset.s32 @!p0 $0xFFFFF086;
	s6 =	sadd.s32 @!p0 s3, s7;
	s7 =	simm.s32 @!p0 $0x108  }
0x21: {  	s3 =	sadd.s32 s3, s9;
	s6 =	sadd.s32 @!p0 $0x88, s6;
	s7 =	simm.s32 @p2 $0x1082  }
0x22: {  	[simem:s7], [sflag:s8] =	dma.local @!p0 [hbm:s6], $0xF7A  }
0x23: {  	s9 =	sor.u32 $0xD0000000, s2;
	s6 =	simm.s32 $0x108;
	_ =	swait.ge @!p0 [sflag:s8], $0x0  }
0x24: {  	s3 =	sadd.s32 $0x88, s3;
	s6 =	simm.s32 @!p1 $0x1082;
	[sflag:s4] =	ssyncset.s32 $0xFFFFF086  }
0x25: {  	[simem:s6], [sflag:s4] =	dma.local [hbm:s3], $0xF7A  }
0x26: {  	[smem:$0x3F9F] =	sst s1;
	(tag) =	ssettag s2;
	_ =	strace s9  }
0x27: {  	s1 =	sld [smem:$0x3FAF]  }
0x28: {  	s2 =	sld [smem:$0x3FB0]  }
0x29: {  	s4 =	sld [smem:$0x3FB2]  }
0x2a: {  	p0 =	seq.s32 s5, $0x0;
	s5 =	sld [smem:$0x3FB3]  }
0x2b: {  	s6 =	sld [smem:$0x3FB4]  }
0x2c: {  	s7 =	sld [smem:$0x3FB5]  }
0x2d: {  	s3 =	simm.s32 $0x108;
	s8 =	sld [smem:$0x3FB6]  }
0x2e: {  	s3 =	simm.s32 @!p0 $0x1082;
	s9 =	sld [smem:$0x3FB7]  }
0x2f: {  	lr =	sadd.s32 s0, s3;
	s0 =	sld [smem:$0x3FAE]  }
0x30: {  	s3 =	sld [smem:$0x3FB1]  }
0x31: {  	[smem:$0x3FBA] =	sst s10  }
0x32: {  	s10 =	sld [smem:$0x3FB8];
	_ =	sdelay $0x3  }
0x33: {  	p0 =	seq.s32 s10, $0x1;
	s10 =	sld [smem:$0x3FBA];
	_ =	sdelay $0x3  }
0x34: {  	[smem:$0x3FBA] =	sst s10  }
0x35: {  	s10 =	sld [smem:$0x3FB9];
	_ =	sdelay $0x3  }
0x36: {  	p1 =	seq.s32 s10, $0x1;
	s10 =	sld [smem:$0x3FBA];
	_ =	sdelay $0x3  }
0x37: {  	[smem:$0x3FBA] =	sst s10  }
0x38: {  	s10 =	sld [smem:$0x3FBB]  }
0x39: {  	_ = 	snop;
	(pc) =	sbr.ind lr, $3  }
0x3a: {  	_ = 	snop  }
0x3b: {  	_ = 	snop  }
0x3c: {  	p2 =	seq.s32 s10, $0x1;
	s10 =	sld [smem:$0x3FBA]  }
0x3d: {  	_ =	shalt  }
0x3e: {  	_ =	shalt  }
0x3f: {  	_ =	shalt  }
0x40: {  	_ =	shalt  }
0x41: {  	_ =	shalt  }
0x42: {  	_ =	shalt  }
0x43: {  	_ =	shalt  }
0x44: {  	_ =	shalt  }
0x45: {  	_ =	shalt  }
0x46: {  	_ =	shalt  }
0x47: {  	_ =	shalt  }
0x48: {  	_ =	shalt  }
0x49: {  	_ =	shalt  }
0x4a: {  	_ =	shalt  }
0x4b: {  	_ =	shalt  }
0x4c: {  	_ =	shalt  }
0x4d: {  	_ =	shalt  }
0x4e: {  	_ =	shalt  }
0x4f: {  	_ =	shalt  }
0x50: {  	_ =	shalt  }
0x51: {  	_ =	shalt  }
0x52: {  	_ =	shalt  }
0x53: {  	_ =	shalt  }
0x54: {  	_ =	shalt  }
0x55: {  	_ =	shalt  }
0x56: {  	_ =	shalt  }
0x57: {  	_ =	shalt  }
0x58: {  	_ =	shalt  }
0x59: {  	_ =	shalt  }
0x5a: {  	_ =	shalt  }
0x5b: {  	_ =	shalt  }
0x5c: {  	_ =	shalt  }
0x5d: {  	_ =	shalt  }
0x5e: {  	_ =	shalt  }
0x5f: {  	_ =	shalt  }
0x60: {  	_ =	shalt  }
0x61: {  	_ =	shalt  }
0x62: {  	_ =	shalt  }
0x63: {  	_ =	shalt  }
0x64: {  	_ =	shalt  }
0x65: {  	_ =	shalt  }
0x66: {  	_ =	shalt  }
0x67: {  	_ =	shalt  }
0x68: {  	_ =	shalt  }
0x69: {  	_ =	shalt  }
0x6a: {  	_ =	shalt  }
0x6b: {  	_ =	shalt  }
0x6c: {  	_ =	shalt  }
0x6d: {  	_ =	shalt  }
0x6e: {  	_ =	shalt  }
0x6f: {  	_ =	shalt  }
0x70: {  	_ =	shalt  }
0x71: {  	_ =	shalt  }
0x72: {  	_ =	shalt  }
0x73: {  	_ =	shalt  }
0x74: {  	_ =	shalt  }
0x75: {  	_ =	shalt  }
0x76: {  	_ =	shalt  }
0x77: {  	_ =	shalt  }
0x78: {  	_ =	shalt  }
0x79: {  	_ =	shalt  }
0x7a: {  	_ =	shalt  }
0x7b: {  	_ =	shalt  }
0x7c: {  	_ =	shalt  }
0x7d: {  	_ =	shalt  }
0x7e: {  	_ =	shalt  }
0x7f: {  	_ =	shalt  }
0x80: {  	_ =	shalt  }
0x81: {  	_ =	shalt  }
0x82: {  	_ =	shalt  }
0x83: {  	_ =	shalt  }
0x84: {  	_ =	shalt  }
0x85: {  	_ =	shalt  }
0x86: {  	_ =	shalt  }
0x87: {  	_ =	shalt  }
.Lfunc_end0:
.L_simem_size_0:
called_computation_lowered:
.L_overlay_start_0:
0x88: {  	s2 =	sld [smem:$0x3FD9]  }
0x89: {  	s3 =	sld [smem:$0x3FFE];
	_ =	sdelay $0x1  }
0x8a: {  	s1 =	srdreg.scid  }
0x8b: {  	s0 =	sand.u32 $0x1, s1  }
0x8c: {  	s18 =	sshll.u32 s0, $0xA;
	s2 =	sadd.s32 s3, s2  }
0x8d: {  	s2 =	sadd.s32 s2, s18  }
0x8e: {  	[smem:$0x3FC6] =	sst s2  }
0x8f: {  	_ = 	snop  }
0x90: {  	s2 =	sld [smem:$0x3FC9]  }
0x91: {  	s19 =	sld [smem:$0x3FC8]  }
0x92: {  	s4 =	sld [smem:$0x3FD0];
	(tm) =	ssettm $0x1  }
0x93: {  	s5 =	sld [smem:$0x3FFB];
	_ =	sdelay $0x3  }
0x94: {  	_ =	strace s5  }
0x95: {  	s5 =	sld [smem:$0x3FFC];
	_ =	sdelay $0x3  }
0x96: {  	_ =	strace s5  }
0x97: {  	s5 =	sld [smem:$0x3FFD];
	_ =	sdelay $0x3  }
0x98: {  	_ =	strace s5  }
0x99: {  	_ =	strace $0x8FFFFFFF  }
0x9a: {  	s20 =	sld [smem:$0x3FDB];
	_ =	sdelay $0x1  }
0x9b: {  	s6 =	simm.s32 $_scs_section_size  }
0x9c: {  	s7 =	simm.s32 $_size__tile_overlayer_lowered;
	s8 =	simm.s32 $_tile_overlayer_lowered  }
0x9d: {  	s23 =	simm.s32 $0x1BFF;
	s22 =	sshll.u32 s8, $0x1;
	s5 =	sadd.s32 s6, s20  }
0x9e: {  	s9 =	simm.s32 $0x0;
	s21 =	sshll.u32 s7, $0x1;
	s7 =	sadd.s32 s22, s5  }
0x9f: {  	[timem:s9], [sflag:s23] =	dma.local [hbm:s7], s21  }
0xa0: {  	_ =	swait.ge [sflag:s23], s21  }
0xa1: {  	s6 =	ssub.s32 $0x0, s21;
	[sflag:s23] =	ssyncset.done $0x0  }
0xa2: {  	[sflag:s23] =	ssyncadd.s32 s6;
	_ =	sdelay $0x1  }
0xa3: {  	s24 =	simm.s32 $0x1B8B  }
0xa4: {  	_ =	swait.ge [sflag:s24], $0x1  }
0xa5: {  	[sflag:s24] =	ssyncset.done $0x0  }
0xa6: {  	s25 =	simm.s32 $0x1B8E;
	[sflag:s24] =	ssyncadd.s32 $0xFFFFFFFF  }
0xa7: {  	s26 =	simm.s32 $execute0_lowered;
	[smem:$0x3FD2] =	sst s25  }
0xa8: {  	s6 =	sshll.u32 s26, $0x1;
	_ =	strace $0x80000046;
	[dreg:$0x1] =	wrdreg $0xFFFFFFFF  }
0xa9: {  	s28 =	simm.s32 $_size_execute0_lowered;
	s5 =	sadd.s32 s5, s6;
	[dreg:$0x0] =	wrdreg $0x0  }
0xaa: {  	s6 =	sshll.u32 s28, $0x1;
	[dreg:$0x2] =	wrdreg s5  }
0xab: {  	[dreg:$0x3] =	wrdreg s6  }
0xac: {  	[dreg:$0x4] =	wrdreg $0xC0  }
0xad: {  	_ =	task [dreg:s9], $0x5FFFF  }
0xae: {  	[dreg:$0x1] =	wrdreg $0xFFFFFFFF  }
0xaf: {  	[dreg:$0x0] =	wrdreg $0x60  }
0xb0: {  	[dreg:$0x2] =	wrdreg s2  }
0xb1: {  	[dreg:$0x3] =	wrdreg s19  }
0xb2: {  	[dreg:$0x4] =	wrdreg s4  }
0xb3: {  	[dreg:$0x5] =	wrdreg $0x9  }
0xb4: {  	_ =	task.clear_ibuf [dreg:s9], $0x6FFFF;
	_ =	strace $0x90000046  }
0xb5: {  	s29 =	simm.s32 $0x9;
	_ =	strace $0x80000048  }
0xb6: {  	_ =	swait.ge [sflag:s29], $0x1  }
0xb7: {  	[sflag:s29] =	ssyncadd.s32 $0xFFFFFFFF  }
0xb8: {  	_ =	strace $0x90000048  }
0xb9: {  	_ =	sfence  }
0xba: {  	s30 =	sld [smem:$0x0];
	_ =	sdelay $0x2  }
0xbb: {  	s31 =	sshll.u32 s1, $0xD;
	s1 =	sshrl.u32 s1, $0x2  }
0xbc: {  	s3 =	sand.u32 $0x4000, s31;
	s1 =	sadd.s32 s1, s30  }
0xbd: {  	s0 =	sor.u32 s3, s0;
	s1 =	sshll.u32 s1, $0x11  }
0xbe: {  	s0 =	sor.u32 s1, s0  }
0xbf: {  	s0 =	sadd.s32 $0x8F2B, s0  }
0xc0: {  	[sflag:s0] =	ssyncadd.remote.s32 $0x1  }
0xc1: {  	_ =	sfence.sel $0xFFFF  }
0xc2: {  	[dreg:$0x0] =	wrdreg $0xFFFFFFFF;
	(pc) =	sbr.abs _section_cstart, $3  }
0xc3: {  	[dreg:$0x1] =	wrdreg $0xFFFFFFFF  }
0xc4: {  	_ =	task.clear_ibuf [dreg:s9], $0x2FFFF;
	_ =	strace $0x9FFFFFFF  }
0xc5: {  	(tm) =	ssettm $0x7FFFFFFF  }
tec
execute0_lowered:
.L_overlay_start_1:
0x0: {  	(tag) =	ssettag $0x1  }
0x1: {  	s2 =	rddreg [dreg:$0x0];
	s0 =	srdreg.scid  }
0x2: {  	s7 =	rddreg [dreg:$0x2];
	s1 =	stileid.u32  }
0x3: {  	s5 =	simm.s32 $0x0;
	s28 =	simm.s32 $0x1;
	s0 =	sand.u32 $0x1, s0  }
0x4: {  	s29 =	simm.s32 $0x11000;
	s1 =	sshll.u32 s1, $0x9;
	s3 =	sshll.u32 s0, $0x8  }
0x5: {  	[smem:$0x7FF] =	sst s5;
	s10 =	sadd.s32 $0x800, s7;
	s6 =	sor.u32 s3, s1  }
0x6: {  	s0 =	ssub.s32 $0x2, s0;
	s3 =	sshll.u32 s6, $0x9;
	s20 =	sor.u32 $0x18, s6  }
0x7: {  	_ =	strace $0x80000047;
	s19 =	sadd.s32 s3, s10;
	[dreg:$0x9] =	wrdreg s20  }
0x8: {  	s17 =	sshrl.u32 s0, $0x1;
	s18 =	sadd.s32 s2, s3;
	[dreg:$0x7] =	wrdreg s19  }
0x9: {  	s0 =	ssub.s32 s0, s17;
	s8 =	sadd.s32 s7, s3;
	[dreg:$0x4] =	wrdreg s18  }
0xa: {  	s30 =	simm.s32 $0x15000;
	s0 =	smax.u32 s0, $0x1;
	[dreg:$0x6] =	wrdreg s8  }
0xb: {  	s31 =	simm.s32 $0x2;
	s4 =	sadd.s32 $0x1000, s18;
	[dreg:$0x11] =	wrdreg s0  }
0xc: {  	s13 =	smov.u32 s7;
	s1 =	sadd.s32 $0x2000, s18;
	[dreg:$0x5] =	wrdreg s4  }
0xd: {  	s14 =	sor.u32 $0x10, s6;
	s22 =	sadd.s32 $0x1D000, s8;
	[dreg:$0x8] =	wrdreg s1  }
0xe: {  	s15 =	sor.u32 $0x20, s6;
	s23 =	sadd.s32 $0x1D800, s8;
	[dreg:$0xa] =	wrdreg s22  }
0xf: {  	s21 =	sor.u32 $0x1F000, s3;
	s24 =	sadd.s32 $0x1E000, s8;
	[dreg:$0xb] =	wrdreg s23  }
0x10: {  	s3 =	simm.s32 $0x0;
	s25 =	sadd.s32 $0x1E800, s8;
	[dreg:$0xd] =	wrdreg s24  }
0x11: {  	s26 =	sadd.s32 $0x1F800, s8;
	s0 =	simm.s32 $0x3;
	[dreg:$0xe] =	wrdreg s25  }
0x12: {  	s4 =	smov.u32 s2;
	s2 =	sadd.s32 s2, s21;
	[dreg:$0x10] =	wrdreg s26  }
0x13: {  	s1 =	sadd.s32 s7, s21;
	s25 =	simm.s32 $0x1000;
	[dreg:$0xc] =	wrdreg s2  }
0x14: {  	s26 =	simm.s32 $0x9000;
	[dreg:$0xf] =	wrdreg s1;
	s1 =	simm.s32 $0x4  }
.LBB2_1:
0x15: {  	s2 =	rddreg [dreg:$0x1];
	s18 =	simm.s32 $0x5  }
0x16: {  	[tilespmem:s5], [sflag:$0x5] =	stream.linear.gather [hbm4b:s2+s5], $0x1000, $0x38;
	[tilespmem:$0x19000] =	vst v63  }
0x17: {  	_ =	swait.ge [sflag:s18], $0x1000  }
0x18: {  	[sflag:s18] =	ssyncset.done $0x0  }
0x19: {  	s19 =	rddreg [dreg:$0x4];
	[sflag:s18] =	ssyncadd.s32 $0xFFFFF000  }
0x1a: {  	[tilespmem:s25], [sflag:$0x1] =	stream.linear.gather [hbm4b:s19+s5], $0x8000, $0x38;
	[tilespmem:$0x19000] =	vst v63  }
0x1b: {  	s20 =	rddreg [dreg:$0x5]  }
0x1c: {  	[tilespmem:s26], [sflag:$0x2] =	stream.linear.gather [hbm4b:s20+s5], $0x8000, $0x38;
	[tilespmem:$0x19000] =	vst v63  }
0x1d: {  	s7 =	sand.u32 $0x60, s5;
	_ =	swait.ge [sflag:s28], $0x8000  }
0x1e: {  	s8 =	sand.u32 $0x780, s5;
	s9 =	sor.u32 $0x10, s7;
	[sflag:s28] =	ssyncset.done $0x0  }
0x1f: {  	s8 =	sor.u32 s9, s8;
	[sflag:s28] =	ssyncadd.s32 $0xFFFF8000  }
0x20: {  	v0 =	vld [tilespmem:s8+$0x0];
	_ =	sdelay $0x4  }
0x21: {  	v1 =	vshll.u32 v0, $0x3  }
0x22: {  	v0 =	vand.u32 $0x7F, v0;
	v1 =	vand.u32 $0xFFFFFC00, v1  }
0x23: {  	s12 =	simm.s32 $0x20;
	v0 =	vor.u32 v0, v1  }
0x24: {  	s8 =	sand.u32 $0x60, s12;
	v1 =	vor.u32 $0x80, v0  }
0x25: {  	s16 =	sand.u32 $0x780, s12;
	v2 =	vld [tilespmem:s5+$0x0];
	s11 =	sor.u32 $0x10, s8;
	v3 =	vor.u32 $0x100, v0  }
0x26: {  	s16 =	sor.u32 s11, s16;
	v4 =	vor.u32 $0x180, v0  }
0x27: {  	v6 =	vld [tilespmem:s16+$0x0];
	v5 =	vor.u32 $0x200, v0  }
0x28: {  	v8 =	vor.u32 $0x280, v0;
	v7 =	vld.idx.msk [tilespmem:v0+s25+$0x0], $0xffff  }
0x29: {  	v9 =	vld.idx.msk [tilespmem:v1+s25+$0x0], $0xffff;
	v1 =	vor.u32 $0x300, v0  }
0x2a: {  	v10 =	vshll.u32 v2, $0x3;
	v11 =	vld.idx.msk [tilespmem:v3+s25+$0x0], $0xffff;
	v0 =	vor.u32 $0x380, v0  }
0x2b: {  	v2 =	vand.u32 $0x7F, v2;
	v3 =	vand.u32 $0xFFFFFC00, v10;
	v10 =	vld.idx.msk [tilespmem:v4+s25+$0x0], $0xffff  }
0x2c: {  	v13 =	vld.idx.msk [tilespmem:v5+s25+$0x0], $0xffff;
	v12 =	vor.u32 v2, v3  }
0x2d: {  	s21 =	sand.u32 $0x3C00, s5;
	v8 =	vld.idx.msk [tilespmem:v8+s25+$0x0], $0xffff;
	v3 =	vor.u32 $0x80, v12  }
0x2e: {  	s16 =	sadd.s32 $0x11000, s21;
	v4 =	vor.u32 $0x100, v12;
	v14 =	vld.idx.msk [tilespmem:v1+s25+$0x0], $0xffff  }
0x2f: {  	s9 =	sor.u32 s9, s16;
	v5 =	vor.u32 $0x180, v12;
	v2 =	vld.idx.msk [tilespmem:v0+s25+$0x0], $0xffff  }
0x30: {  	s17 =	sand.u32 $0x3, s5;
	v15 =	vor.u32 $0x200, v12;
	v0 =	vld [tilespmem:s12+$0x0];
	[tilespmem:s9+$0x0] =	vst v7  }
0x31: {  	s18 =	sshll.u32 s17, $0x5;
	v16 =	vor.u32 $0x280, v12;
	[tilespmem:s9+$0x80] =	vst v9;
	v1 =	vld.idx.msk [tilespmem:v12+s25+$0x0], $0xffff  }
0x32: {  	s22 =	sadd.s32 $0x0, s18;
	[tilespmem:s9+$0x180] =	vst v10;
	v10 =	vor.u32 $0x300, v12;
	v3 =	vld.idx.msk [tilespmem:v3+s25+$0x0], $0xffff  }
0x33: {  	s23 =	sadd.s32 $0x10, s22;
	[tilespmem:s9+$0x100] =	vst v11;
	v9 =	vor.u32 $0x380, v12;
	v4 =	vld.idx.msk [tilespmem:v4+s25+$0x0], $0xffff  }
0x34: {  	s19 =	simm.s32 $0x2;
	s18 =	simm.s32 $0x0;
	s24 =	sor.u32 $0x300, s23;
	v7 =	vshll.u32 v6, $0x3;
	[tilespmem:s9+$0x200] =	vst v13;
	v5 =	vld.idx.msk [tilespmem:v5+s25+$0x0], $0xffff  }
0x35: {  	s20 =	simm.s32 $0x40;
	s21 =	sor.u32 $0x300, s22;
	s22 =	sor.u32 $0x380, s22;
	v11 =	vand.u32 $0x7F, v6;
	[tilespmem:s9+$0x280] =	vst v8;
	v7 =	vand.u32 $0xFFFFFC00, v7;
	v6 =	vld.idx.msk [tilespmem:v15+s25+$0x0], $0xffff  }
0x36: {  	s17 =	sor.u32 s7, s16;
	s7 =	sor.u32 $0x380, s23;
	s16 =	simm.s32 $0x0;
	v7 =	vor.u32 v11, v7;
	v8 =	vld.idx.msk [tilespmem:v16+s25+$0x0], $0xffff;
	[tilespmem:s24+$0x11000] =	vst v14  }
.LBB2_2:
0x37: {  	s9 =	sand.u32 $0x60, s20;
	v11 =	vor.u32 $0x80, v7;
	v10 =	vld.idx.msk [tilespmem:v10+s25+$0x0], $0xffff;
	[tilespmem:s7+$0x11000] =	vst v2  }
0x38: {  	s23 =	sand.u32 $0x780, s20;
	v2 =	vor.u32 $0x100, v7;
	s12 =	sadd.s32 $0x20, s12;
	s7 =	sor.u32 $0x10, s9;
	v9 =	vld.idx.msk [tilespmem:v9+s25+$0x0], $0xffff;
	[tilespmem:s17+$0x80] =	vst v3  }
0x39: {  	v12 =	vor.u32 $0x180, v7;
	v3 =	vld [tilespmem:s12+$0x0];
	s23 =	sor.u32 s7, s23;
	[tilespmem:s17+$0x100] =	vst v4  }
0x3a: {  	v4 =	vor.u32 $0x200, v7;
	v13 =	vld [tilespmem:s23+$0x0];
	[tilespmem:s17+$0x180] =	vst v5  }
0x3b: {  	v14 =	vor.u32 $0x280, v7;
	v5 =	vld.idx.msk [tilespmem:v7+s25+$0x0], $0xffff;
	[tilespmem:s17+$0x200] =	vst v6  }
0x3c: {  	v15 =	vor.u32 $0x300, v7;
	v6 =	vshll.u32 v0, $0x3;
	v11 =	vld.idx.msk [tilespmem:v11+s25+$0x0], $0xffff;
	[tilespmem:s17+$0x280] =	vst v8  }
0x3d: {  	v16 =	vand.u32 $0x7F, v0;
	v6 =	vand.u32 $0xFFFFFC00, v6;
	v8 =	vld.idx.msk [tilespmem:v2+s25+$0x0], $0xffff;
	v2 =	vor.u32 $0x380, v7;
	[tilespmem:s17+$0x0] =	vst v1  }
0x3e: {  	s18 =	sadd.s32 $0x100, s18;
	v6 =	vor.u32 v16, v6;
	v7 =	vld.idx.msk [tilespmem:v12+s25+$0x0], $0xffff;
	[tilespmem:s21+$0x11000] =	vst v10;
	v0 =	vmov v3  }
0x3f: {  	s17 =	sand.u32 $0x3C00, s18;
	v3 =	vor.u32 $0x80, v6;
	v12 =	vld.idx.msk [tilespmem:v4+s25+$0x0], $0xffff;
	[tilespmem:s22+$0x11000] =	vst v9  }
0x40: {  	s21 =	sadd.s32 $0x11000, s17;
	v4 =	vor.u32 $0x100, v6;
	v14 =	vld.idx.msk [tilespmem:v14+s25+$0x0], $0xffff  }
0x41: {  	v16 =	vor.u32 $0x180, v6;
	s17 =	sor.u32 s8, s21;
	s23 =	sor.u32 s11, s21;
	s8 =	smov.u32 s9;
	v15 =	vld.idx.msk [tilespmem:v15+s25+$0x0], $0xffff  }
0x42: {  	s16 =	sadd.s32 $0x1, s16;
	s19 =	sadd.s32 $0x2, s19;
	v17 =	vor.u32 $0x200, v6;
	s11 =	smov.u32 s7;
	v2 =	vld.idx.msk [tilespmem:v2+s25+$0x0], $0xffff;
	[tilespmem:s23+$0x0] =	vst v5  }
0x43: {  	p0 =	slt.u32 s19, $0x7E;
	v18 =	vor.u32 $0x280, v6;
	s7 =	sand.u32 $0x3, s16;
	v1 =	vld.idx.msk [tilespmem:v6+s25+$0x0], $0xffff;
	[tilespmem:s23+$0x80] =	vst v11  }
.Ltmp0:
0x44: {  	v10 =	vor.u32 $0x300, v6;
	s7 =	sshll.u32 s7, $0x5;
	v3 =	vld.idx.msk [tilespmem:v3+s25+$0x0], $0xffff;
	[tilespmem:s23+$0x100] =	vst v8;
	(pc) =	sbr.rel @p0 .LBB2_2-.Ltmp0, $4  }
0x45: {  	v9 =	vor.u32 $0x380, v6;
	s7 =	sadd.s32 s7, s18;
	v4 =	vld.idx.msk [tilespmem:v4+s25+$0x0], $0xffff;
	[tilespmem:s23+$0x180] =	vst v7  }
0x46: {  	s21 =	sor.u32 $0x300, s7;
	s9 =	sadd.s32 $0x10, s7;
	v6 =	vshll.u32 v13, $0x3;
	v5 =	vld.idx.msk [tilespmem:v16+s25+$0x0], $0xffff;
	[tilespmem:s23+$0x200] =	vst v12  }
0x47: {  	s22 =	sor.u32 $0x380, s7;
	s7 =	sor.u32 $0x300, s9;
	v8 =	vand.u32 $0xFFFFFC00, v6;
	v7 =	vand.u32 $0x7F, v13;
	v6 =	vld.idx.msk [tilespmem:v17+s25+$0x0], $0xffff;
	[tilespmem:s23+$0x280] =	vst v14  }
0x48: {  	s20 =	sadd.s32 $0x20, s20;
	v7 =	vor.u32 v7, v8;
	v8 =	vld.idx.msk [tilespmem:v18+s25+$0x0], $0xffff;
	[tilespmem:s7+$0x11000] =	vst v15;
	s7 =	sor.u32 $0x380, s9  }
0x49: {  	_ =	sdelay $0x1  }
0x4a: {  	v11 =	vor.u32 $0x80, v7  }
0x4b: {  	v12 =	vor.u32 $0x100, v7  }
0x4c: {  	v10 =	vld.idx.msk [tilespmem:v10+s25+$0x0], $0xffff;
	v13 =	vor.u32 $0x180, v7  }
0x4d: {  	[tilespmem:s7+$0x11000] =	vst v2;
	v2 =	vld.idx.msk [tilespmem:v9+s25+$0x0], $0xffff;
	v9 =	vor.u32 $0x200, v7  }
0x4e: {  	[tilespmem:s17+$0x80] =	vst v3;
	v3 =	vld.idx.msk [tilespmem:v7+s25+$0x0], $0xffff;
	v14 =	vor.u32 $0x280, v7  }
0x4f: {  	v15 =	vor.u32 $0x300, v7;
	[tilespmem:s17+$0x100] =	vst v4;
	v4 =	vshll.u32 v0, $0x3;
	v11 =	vld.idx.msk [tilespmem:v11+s25+$0x0], $0xffff  }
0x50: {  	v7 =	vor.u32 $0x380, v7;
	v0 =	vand.u32 $0x7F, v0;
	[tilespmem:s17+$0x180] =	vst v5;
	v4 =	vand.u32 $0xFFFFFC00, v4;
	v5 =	vld.idx.msk [tilespmem:v12+s25+$0x0], $0xffff  }
0x51: {  	s23 =	sadd.s32 $0x100, s18;
	[tilespmem:s17+$0x0] =	vst v1;
	v0 =	vor.u32 v0, v4;
	v4 =	vld.idx.msk [tilespmem:v13+s25+$0x0], $0xffff  }
0x52: {  	s9 =	sand.u32 $0x3C00, s23;
	[tilespmem:s17+$0x280] =	vst v8;
	v8 =	vld.idx.msk [tilespmem:v9+s25+$0x0], $0xffff  }
0x53: {  	s9 =	sadd.s32 $0x11000, s9;
	[tilespmem:s17+$0x200] =	vst v6;
	v6 =	vor.u32 $0x80, v0;
	v9 =	vld.idx.msk [tilespmem:v14+s25+$0x0], $0xffff  }
0x54: {  	s11 =	sor.u32 s11, s9;
	v1 =	vor.u32 $0x100, v0;
	[tilespmem:s21+$0x11000] =	vst v10;
	v58 =	vld.idx.msk [tilespmem:v15+s25+$0x0], $0xffff  }
0x55: {  	v10 =	vor.u32 $0x180, v0;
	v7 =	vld.idx.msk [tilespmem:v7+s25+$0x0], $0xffff;
	[tilespmem:s11+$0x0] =	vst v3  }
0x56: {  	s12 =	sadd.s32 $0x1, s16;
	v59 =	vor.u32 $0x280, v0;
	[tilespmem:s22+$0x11000] =	vst v2  }
0x57: {  	s12 =	sand.u32 $0x3, s12;
	v2 =	vor.u32 $0x200, v0;
	v3 =	vld.idx.msk [tilespmem:v0+s25+$0x0], $0xffff;
	[tilespmem:s11+$0x80] =	vst v11  }
0x58: {  	s12 =	sshll.u32 s12, $0x5;
	v6 =	vld.idx.msk [tilespmem:v6+s25+$0x0], $0xffff;
	v11 =	vor.u32 $0x300, v0;
	[tilespmem:s11+$0x100] =	vst v5  }
0x59: {  	s7 =	sadd.s32 s12, s23;
	v1 =	vld.idx.msk [tilespmem:v1+s25+$0x0], $0xffff;
	v0 =	vor.u32 $0x380, v0;
	[tilespmem:s11+$0x180] =	vst v4  }
0x5a: {  	s12 =	sadd.s32 $0x10, s7;
	v4 =	vld.idx.msk [tilespmem:v10+s25+$0x0], $0xffff;
	[tilespmem:s11+$0x200] =	vst v8  }
0x5b: {  	s24 =	sor.u32 $0x300, s12;
	[tilespmem:s11+$0x280] =	vst v9;
	v5 =	vld.idx.msk [tilespmem:v59+s25+$0x0], $0xffff  }
0x5c: {  	s2 =	sor.u32 $0x380, s12;
	v2 =	vld.idx.msk [tilespmem:v2+s25+$0x0], $0xffff;
	[tilespmem:s24+$0x11000] =	vst v58  }
0x5d: {  	s8 =	sor.u32 s8, s9;
	[tilespmem:s2+$0x11000] =	vst v7;
	v8 =	vld.idx.msk [tilespmem:v11+s25+$0x0], $0xffff  }
0x5e: {  	v0 =	vld.idx.msk [tilespmem:v0+s25+$0x0], $0xffff;
	[tilespmem:s8+$0x80] =	vst v6  }
0x5f: {  	[tilespmem:s8+$0x100] =	vst v1  }
0x60: {  	[tilespmem:s8+$0x180] =	vst v4  }
0x61: {  	[tilespmem:s8+$0x280] =	vst v5  }
0x62: {  	[tilespmem:s8+$0x0] =	vst v3  }
0x63: {  	s12 =	sor.u32 $0x300, s7;
	[tilespmem:s8+$0x200] =	vst v2  }
0x64: {  	s7 =	sor.u32 $0x380, s7;
	[tilespmem:s12+$0x11000] =	vst v8  }
0x65: {  	s8 =	simm.s32 $0x0;
	[tilespmem:s7+$0x11000] =	vst v0  }
0x66: {  	s16 =	sand.u32 $0x7E0, s8;
	s2 =	rddreg [dreg:$0x6]  }
0x67: {  	[hbm4b:s2+s8] =	stream.linear.scatter [tilespmem:s29], [sflag:$0x3], $0x4000, $0x38;
	[tilespmem:$0x19000] =	vst v63  }
0x68: {  	v0 =	vld [tilespmem:s16+$0x800];
	_ =	sdelay $0x4  }
0x69: {  	v1 =	vshll.u32 v0, $0x3  }
0x6a: {  	v0 =	vand.u32 $0x7F, v0;
	v1 =	vand.u32 $0xFFFFFC00, v1  }
0x6b: {  	s17 =	simm.s32 $0x810;
	v0 =	vor.u32 v0, v1  }
0x6c: {  	v1 =	vld [tilespmem:s17+$0x0];
	v2 =	vor.u32 $0x80, v0  }
0x6d: {  	s11 =	simm.s32 $0x20;
	v3 =	vor.u32 $0x100, v0  }
0x6e: {  	s18 =	sand.u32 $0x7E0, s11;
	v4 =	vor.u32 $0x180, v0  }
0x6f: {  	v6 =	vld [tilespmem:s18+$0x800];
	v5 =	vor.u32 $0x200, v0  }
0x70: {  	v8 =	vor.u32 $0x280, v0;
	v7 =	vld.idx.msk [tilespmem:v0+s25+$0x0], $0xffff  }
0x71: {  	v9 =	vor.u32 $0x300, v0;
	v10 =	vshll.u32 v1, $0x3;
	v2 =	vld.idx.msk [tilespmem:v2+s25+$0x0], $0xffff  }
0x72: {  	v0 =	vor.u32 $0x380, v0;
	v1 =	vand.u32 $0x7F, v1;
	v3 =	vld.idx.msk [tilespmem:v3+s25+$0x0], $0xffff;
	v10 =	vand.u32 $0xFFFFFC00, v10  }
0x73: {  	v4 =	vld.idx.msk [tilespmem:v4+s25+$0x0], $0xffff;
	v1 =	vor.u32 v1, v10  }
0x74: {  	v5 =	vld.idx.msk [tilespmem:v5+s25+$0x0], $0xffff;
	v10 =	vor.u32 $0x80, v1  }
0x75: {  	v8 =	vld.idx.msk [tilespmem:v8+s25+$0x0], $0xffff;
	v11 =	vor.u32 $0x100, v1  }
0x76: {  	s19 =	sand.u32 $0x60, s8;
	s20 =	sand.u32 $0x3C00, s8;
	v9 =	vld.idx.msk [tilespmem:v9+s25+$0x0], $0xffff;
	v60 =	vor.u32 $0x180, v1  }
0x77: {  	s7 =	sor.u32 s19, s20;
	v62 =	vor.u32 $0x200, v1;
	v61 =	vld.idx.msk [tilespmem:v0+s25+$0x0], $0xffff  }
0x78: {  	[tilespmem:s7+$0x15000] =	vst v7;
	v7 =	vor.u32 $0x280, v1;
	v0 =	vld.idx.msk [tilespmem:v1+s25+$0x0], $0xffff  }
0x79: {  	s16 =	sadd.s32 $0x15000, s7;
	v63 =	vld.idx.msk [tilespmem:v10+s25+$0x0], $0xffff;
	v10 =	vor.u32 $0x300, v1  }
0x7a: {  	[tilespmem:s16+$0x80] =	vst v2;
	v2 =	vld.idx.msk [tilespmem:v11+s25+$0x0], $0xffff;
	v1 =	vor.u32 $0x380, v1  }
0x7b: {  	s21 =	sand.u32 $0x3, s8;
	[tilespmem:s16+$0x180] =	vst v4;
	v4 =	vld.idx.msk [tilespmem:v60+s25+$0x0], $0xffff  }
0x7c: {  	s7 =	sshll.u32 s21, $0x5;
	[tilespmem:s16+$0x200] =	vst v5;
	v5 =	vld.idx.msk [tilespmem:v62+s25+$0x0], $0xffff  }
0x7d: {  	[tilespmem:s16+$0x100] =	vst v3;
	s7 =	sadd.s32 $0x0, s7;
	v3 =	vshll.u32 v6, $0x3;
	v7 =	vld.idx.msk [tilespmem:v7+s25+$0x0], $0xffff  }
0x7e: {  	[tilespmem:s16+$0x280] =	vst v8;
	v6 =	vand.u32 $0x7F, v6;
	s22 =	sor.u32 $0x300, s7;
	v8 =	vand.u32 $0xFFFFFC00, v3;
	v3 =	vld.idx.msk [tilespmem:v10+s25+$0x0], $0xffff  }
0x7f: {  	s23 =	simm.s32 $0x830;
	s24 =	sadd.s32 $0x10, s7;
	s7 =	sor.u32 $0x380, s7;
	[tilespmem:s22+$0x15000] =	vst v9;
	v8 =	vor.u32 v6, v8;
	v6 =	vld.idx.msk [tilespmem:v1+s25+$0x0], $0xffff  }
0x80: {  	s9 =	simm.s32 $0x40;
	s12 =	simm.s32 $0x0;
	s17 =	simm.s32 $0x2;
	[tilespmem:s7+$0x15000] =	vst v61;
	v1 =	vld [tilespmem:s23+$0x0];
	v10 =	vor.u32 $0x80, v8  }
0x81: {  	s19 =	sor.u32 $0x300, s24;
	s18 =	sor.u32 $0x380, s24;
	v9 =	vor.u32 $0x100, v8;
	s7 =	simm.s32 $0x850;
	[tilespmem:s16+$0x90] =	vst v63  }
.LBB2_4:
0x82: {  	s20 =	sand.u32 $0x7E0, s9;
	v11 =	vld [tilespmem:s7+$0x0];
	v12 =	vor.u32 $0x180, v8;
	[tilespmem:s16+$0x110] =	vst v2  }
0x83: {  	v2 =	vor.u32 $0x200, v8;
	v13 =	vld [tilespmem:s20+$0x800];
	[tilespmem:s16+$0x190] =	vst v4  }
0x84: {  	v14 =	vor.u32 $0x280, v8;
	v4 =	vld.idx.msk [tilespmem:v8+s25+$0x0], $0xffff;
	[tilespmem:s16+$0x210] =	vst v5  }
0x85: {  	v15 =	vshll.u32 v1, $0x3;
	v5 =	vld.idx.msk [tilespmem:v10+s25+$0x0], $0xffff;
	v10 =	vor.u32 $0x300, v8;
	[tilespmem:s16+$0x290] =	vst v7  }
0x86: {  	v16 =	vand.u32 $0x7F, v1;
	v8 =	vor.u32 $0x380, v8;
	v7 =	vld.idx.msk [tilespmem:v9+s25+$0x0], $0xffff;
	v9 =	vand.u32 $0xFFFFFC00, v15;
	[tilespmem:s16+$0x10] =	vst v0  }
0x87: {  	v12 =	vld.idx.msk [tilespmem:v12+s25+$0x0], $0xffff;
	v9 =	vor.u32 v16, v9;
	[tilespmem:s19+$0x15000] =	vst v3;
	v1 =	vmov v11  }
0x88: {  	s8 =	sadd.s32 $0x100, s8;
	v3 =	vld.idx.msk [tilespmem:v2+s25+$0x0], $0xffff;
	v2 =	vor.u32 $0x80, v9;
	[tilespmem:s18+$0x15000] =	vst v6  }
0x89: {  	s16 =	sand.u32 $0x60, s11;
	s11 =	smov.u32 s9;
	s18 =	sand.u32 $0x3C00, s8;
	v11 =	vor.u32 $0x100, v9;
	v6 =	vld.idx.msk [tilespmem:v14+s25+$0x0], $0xffff  }
0x8a: {  	s18 =	sor.u32 s16, s18;
	v14 =	vor.u32 $0x180, v9;
	v10 =	vld.idx.msk [tilespmem:v10+s25+$0x0], $0xffff  }
0x8b: {  	s16 =	sadd.s32 $0x15000, s18;
	v15 =	vld.idx.msk [tilespmem:v8+s25+$0x0], $0xffff;
	[tilespmem:s18+$0x15000] =	vst v4;
	v8 =	vor.u32 $0x200, v9  }
0x8c: {  	s12 =	sadd.s32 $0x1, s12;
	v16 =	vor.u32 $0x280, v9;
	[tilespmem:s16+$0x80] =	vst v5;
	v0 =	vld.idx.msk [tilespmem:v9+s25+$0x0], $0xffff  }
0x8d: {  	s17 =	sadd.s32 $0x2, s17;
	v18 =	vor.u32 $0x300, v9;
	s18 =	sand.u32 $0x3, s12;
	[tilespmem:s16+$0x100] =	vst v7;
	v17 =	vld.idx.msk [tilespmem:v2+s25+$0x0], $0xffff  }
0x8e: {  	p0 =	slt.u32 s17, $0x7E;
	s18 =	sshll.u32 s18, $0x5;
	[tilespmem:s16+$0x180] =	vst v12;
	v2 =	vld.idx.msk [tilespmem:v11+s25+$0x0], $0xffff;
	v11 =	vor.u32 $0x380, v9  }
.Ltmp1:
0x8f: {  	v5 =	vshll.u32 v13, $0x3;
	s18 =	sadd.s32 s18, s8;
	[tilespmem:s16+$0x200] =	vst v3;
	v4 =	vld.idx.msk [tilespmem:v14+s25+$0x0], $0xffff;
	(pc) =	sbr.rel @p0 .LBB2_4-.Ltmp1, $4  }
0x90: {  	v7 =	vand.u32 $0xFFFFFC00, v5;
	s19 =	sor.u32 $0x300, s18;
	s20 =	sadd.s32 $0x10, s18;
	v3 =	vand.u32 $0x7F, v13;
	[tilespmem:s16+$0x280] =	vst v6;
	v5 =	vld.idx.msk [tilespmem:v8+s25+$0x0], $0xffff  }
0x91: {  	s18 =	sor.u32 $0x380, s18;
	v8 =	vor.u32 v3, v7;
	[tilespmem:s19+$0x15000] =	vst v10;
	v7 =	vld.idx.msk [tilespmem:v16+s25+$0x0], $0xffff;
	s19 =	sor.u32 $0x300, s20  }
0x92: {  	v10 =	vor.u32 $0x80, v8;
	[tilespmem:s18+$0x15000] =	vst v15;
	v3 =	vld.idx.msk [tilespmem:v18+s25+$0x0], $0xffff;
	s18 =	sor.u32 $0x380, s20  }
0x93: {  	s7 =	sadd.s32 $0x20, s7;
	s9 =	sadd.s32 $0x20, s9;
	v9 =	vor.u32 $0x100, v8;
	v6 =	vld.idx.msk [tilespmem:v11+s25+$0x0], $0xffff;
	[tilespmem:s16+$0x90] =	vst v17  }
0x94: {  	_ =	sdelay $0x1  }
0x95: {  	v11 =	vor.u32 $0x180, v8  }
0x96: {  	[dreg:$0x12] =	wrdreg s3;
	v12 =	vor.u32 $0x200, v8  }
0x97: {  	v14 =	vor.u32 $0x280, v8;
	v13 =	vld.idx.msk [tilespmem:v8+s25+$0x0], $0xffff;
	[tilespmem:s16+$0x110] =	vst v2  }
0x98: {  	v42 =	vor.u32 $0x300, v8;
	v15 =	vshll.u32 v1, $0x3;
	v41 =	vld.idx.msk [tilespmem:v10+s25+$0x0], $0xffff;
	[tilespmem:s16+$0x190] =	vst v4  }
0x99: {  	v44 =	vor.u32 $0x380, v8;
	v45 =	vand.u32 $0x7F, v1;
	v43 =	vld.idx.msk [tilespmem:v9+s25+$0x0], $0xffff;
	v46 =	vand.u32 $0xFFFFFC00, v15;
	[tilespmem:s16+$0x210] =	vst v5  }
0x9a: {  	[tilespmem:s16+$0x10] =	vst v0;
	v1 =	vor.u32 v45, v46;
	v47 =	vld.idx.msk [tilespmem:v11+s25+$0x0], $0xffff  }
0x9b: {  	s7 =	sadd.s32 $0x100, s8;
	[tilespmem:s16+$0x290] =	vst v7;
	v9 =	vor.u32 $0x80, v1;
	v48 =	vld.idx.msk [tilespmem:v12+s25+$0x0], $0xffff  }
0x9c: {  	s20 =	sand.u32 $0x60, s11;
	s9 =	sand.u32 $0x3C00, s7;
	v50 =	vor.u32 $0x100, v1;
	[tilespmem:s19+$0x15000] =	vst v3;
	v49 =	vld.idx.msk [tilespmem:v14+s25+$0x0], $0xffff  }
0x9d: {  	s8 =	sor.u32 s20, s9;
	v52 =	vor.u32 $0x180, v1;
	[tilespmem:s18+$0x15000] =	vst v6;
	v51 =	vld.idx.msk [tilespmem:v42+s25+$0x0], $0xffff  }
0x9e: {  	v54 =	vor.u32 $0x200, v1;
	s9 =	sadd.s32 $0x15000, s8;
	v53 =	vld.idx.msk [tilespmem:v44+s25+$0x0], $0xffff;
	[tilespmem:s8+$0x15000] =	vst v13  }
0x9f: {  	s21 =	sadd.s32 $0x1, s12;
	v56 =	vor.u32 $0x280, v1;
	v55 =	vld.idx.msk [tilespmem:v1+s25+$0x0], $0xffff;
	[tilespmem:s9+$0x80] =	vst v41  }
0xa0: {  	v58 =	vor.u32 $0x300, v1;
	s8 =	sand.u32 $0x3, s21;
	[tilespmem:s9+$0x100] =	vst v43;
	v57 =	vld.idx.msk [tilespmem:v9+s25+$0x0], $0xffff  }
0xa1: {  	v1 =	vor.u32 $0x380, v1;
	s8 =	sshll.u32 s8, $0x5;
	v59 =	vld.idx.msk [tilespmem:v50+s25+$0x0], $0xffff;
	[tilespmem:s9+$0x180] =	vst v47  }
0xa2: {  	v60 =	vld.idx.msk [tilespmem:v52+s25+$0x0], $0xffff;
	s7 =	sadd.s32 s8, s7;
	[tilespmem:s9+$0x200] =	vst v48  }
0xa3: {  	v61 =	vld.idx.msk [tilespmem:v54+s25+$0x0], $0xffff;
	s8 =	sor.u32 $0x300, s7;
	[tilespmem:s9+$0x280] =	vst v49  }
0xa4: {  	v62 =	vld.idx.msk [tilespmem:v56+s25+$0x0], $0xffff;
	s22 =	sor.u32 $0x380, s7;
	[tilespmem:s8+$0x15000] =	vst v51  }
0xa5: {  	v63 =	vld.idx.msk [tilespmem:v58+s25+$0x0], $0xffff;
	[tilespmem:s22+$0x15000] =	vst v53  }
0xa6: {  	v1 =	vld.idx.msk [tilespmem:v1+s25+$0x0], $0xffff;
	[tilespmem:s9+$0x10] =	vst v55  }
0xa7: {  	[tilespmem:s9+$0x90] =	vst v57  }
0xa8: {  	[tilespmem:s9+$0x110] =	vst v59  }
0xa9: {  	[tilespmem:s9+$0x190] =	vst v60  }
0xaa: {  	s7 =	sadd.s32 $0x10, s7;
	[tilespmem:s9+$0x210] =	vst v61  }
0xab: {  	s23 =	sor.u32 $0x300, s7;
	[tilespmem:s9+$0x290] =	vst v62  }
0xac: {  	s7 =	sor.u32 $0x380, s7;
	[tilespmem:s23+$0x15000] =	vst v63  }
0xad: {  	[tilespmem:s7+$0x15000] =	vst v1  }
0xae: {  	s8 =	simm.s32 $0x0;
	s2 =	rddreg [dreg:$0x7]  }
0xaf: {  	[hbm4b:s2+s8] =	stream.linear.scatter [tilespmem:s30], [sflag:$0x4], $0x4000, $0x38;
	[tilespmem:$0x19000] =	vst v63  }
0xb0: {  	s11 =	simm.s32 $0x0;
	s24 =	rddreg [dreg:$0x8]  }
0xb1: {  	[tilespmem:s25], [sflag:$0x1] =	stream.linear.gather [hbm4b:s24+s8], $0x8000, $0x38;
	[tilespmem:$0x19000] =	vst v63  }
.LBB2_6:
0xb2: {  	_ =	swait.ge [sflag:s31], $0x8000  }
0xb3: {  	[sflag:s31] =	ssyncset.done $0x0  }
0xb4: {  	[sflag:s31] =	ssyncadd.s32 $0xFFFF8000  }
0xb5: {  	s7 =	sand.u32 $0x60, s8;
	_ =	swait.ge [sflag:s0], $0x4000  }
0xb6: {  	s12 =	sand.u32 $0x780, s8;
	s9 =	sor.u32 $0x10, s7;
	[sflag:s0] =	ssyncset.done $0x0  }
0xb7: {  	s12 =	sor.u32 s9, s12;
	[sflag:s0] =	ssyncadd.s32 $0xFFFFC000  }
0xb8: {  	v0 =	vld [tilespmem:s12+$0x0];
	_ =	sdelay $0x4  }
0xb9: {  	v1 =	vshll.u32 v0, $0x3  }
0xba: {  	v0 =	vand.u32 $0x7F, v0;
	v1 =	vand.u32 $0xFFFFFC00, v1  }
0xbb: {  	s17 =	simm.s32 $0x20;
	v0 =	vor.u32 v0, v1  }
0xbc: {  	s12 =	sand.u32 $0x60, s17;
	v1 =	vor.u32 $0x80, v0  }
0xbd: {  	s18 =	sand.u32 $0x780, s17;
	v2 =	vld [tilespmem:s8+$0x0];
	s16 =	sor.u32 $0x10, s12;
	v3 =	vor.u32 $0x100, v0  }
0xbe: {  	s18 =	sor.u32 s16, s18;
	v4 =	vor.u32 $0x180, v0  }
0xbf: {  	v6 =	vld [tilespmem:s18+$0x0];
	v5 =	vor.u32 $0x200, v0  }
0xc0: {  	v8 =	vor.u32 $0x280, v0;
	v7 =	vld.idx.msk [tilespmem:v0+s26+$0x0], $0xffff  }
0xc1: {  	v9 =	vld.idx.msk [tilespmem:v1+s26+$0x0], $0xffff;
	v1 =	vor.u32 $0x300, v0  }
0xc2: {  	v10 =	vshll.u32 v2, $0x3;
	v11 =	vld.idx.msk [tilespmem:v3+s26+$0x0], $0xffff;
	v0 =	vor.u32 $0x380, v0  }
0xc3: {  	v2 =	vand.u32 $0x7F, v2;
	v3 =	vand.u32 $0xFFFFFC00, v10;
	v10 =	vld.idx.msk [tilespmem:v4+s26+$0x0], $0xffff  }
0xc4: {  	v13 =	vld.idx.msk [tilespmem:v5+s26+$0x0], $0xffff;
	v12 =	vor.u32 v2, v3  }
0xc5: {  	s3 =	sand.u32 $0x3C00, s8;
	v8 =	vld.idx.msk [tilespmem:v8+s26+$0x0], $0xffff;
	v3 =	vor.u32 $0x80, v12  }
0xc6: {  	s18 =	sadd.s32 $0x11000, s3;
	v4 =	vor.u32 $0x100, v12;
	v14 =	vld.idx.msk [tilespmem:v1+s26+$0x0], $0xffff  }
0xc7: {  	s9 =	sor.u32 s9, s18;
	v5 =	vor.u32 $0x180, v12;
	v2 =	vld.idx.msk [tilespmem:v0+s26+$0x0], $0xffff  }
0xc8: {  	v15 =	vor.u32 $0x200, v12;
	v0 =	vld [tilespmem:s17+$0x0];
	[tilespmem:s9+$0x0] =	vst v7  }
0xc9: {  	s19 =	sand.u32 $0x3, s8;
	v16 =	vor.u32 $0x280, v12;
	[tilespmem:s9+$0x80] =	vst v9;
	v1 =	vld.idx.msk [tilespmem:v12+s26+$0x0], $0xffff  }
0xca: {  	s20 =	sshll.u32 s19, $0x5;
	[tilespmem:s9+$0x180] =	vst v10;
	v10 =	vor.u32 $0x300, v12;
	v3 =	vld.idx.msk [tilespmem:v3+s26+$0x0], $0xffff  }
0xcb: {  	s19 =	sor.u32 s7, s18;
	s18 =	sadd.s32 $0x0, s20;
	[tilespmem:s9+$0x100] =	vst v11;
	v9 =	vor.u32 $0x380, v12;
	v4 =	vld.idx.msk [tilespmem:v4+s26+$0x0], $0xffff  }
0xcc: {  	s21 =	simm.s32 $0x2;
	s22 =	simm.s32 $0x40;
	s20 =	sadd.s32 $0x10, s18;
	v7 =	vshll.u32 v6, $0x3;
	[tilespmem:s9+$0x200] =	vst v13;
	v5 =	vld.idx.msk [tilespmem:v5+s26+$0x0], $0xffff  }
0xcd: {  	s23 =	sor.u32 $0x300, s18;
	s7 =	sor.u32 $0x380, s18;
	s24 =	sor.u32 $0x300, s20;
	v11 =	vand.u32 $0x7F, v6;
	[tilespmem:s9+$0x280] =	vst v8;
	v7 =	vand.u32 $0xFFFFFC00, v7;
	v6 =	vld.idx.msk [tilespmem:v15+s26+$0x0], $0xffff  }
0xce: {  	s18 =	simm.s32 $0x0;
	s9 =	sor.u32 $0x380, s20;
	s20 =	simm.s32 $0x0;
	v7 =	vor.u32 v11, v7;
	v8 =	vld.idx.msk [tilespmem:v16+s26+$0x0], $0xffff;
	[tilespmem:s24+$0x11000] =	vst v14  }
.LBB2_7:
0xcf: {  	s24 =	sand.u32 $0x60, s22;
	v11 =	vor.u32 $0x80, v7;
	v10 =	vld.idx.msk [tilespmem:v10+s26+$0x0], $0xffff;
	[tilespmem:s9+$0x11000] =	vst v2  }
0xd0: {  	s3 =	sand.u32 $0x780, s22;
	v2 =	vor.u32 $0x100, v7;
	s17 =	sadd.s32 $0x20, s17;
	s9 =	sor.u32 $0x10, s24;
	v9 =	vld.idx.msk [tilespmem:v9+s26+$0x0], $0xffff;
	[tilespmem:s19+$0x80] =	vst v3  }
0xd1: {  	v12 =	vor.u32 $0x180, v7;
	v3 =	vld [tilespmem:s17+$0x0];
	s3 =	sor.u32 s9, s3;
	[tilespmem:s19+$0x100] =	vst v4  }
0xd2: {  	v4 =	vor.u32 $0x200, v7;
	v13 =	vld [tilespmem:s3+$0x0];
	[tilespmem:s19+$0x180] =	vst v5  }
0xd3: {  	v14 =	vor.u32 $0x280, v7;
	v5 =	vld.idx.msk [tilespmem:v7+s26+$0x0], $0xffff;
	[tilespmem:s19+$0x200] =	vst v6  }
0xd4: {  	v15 =	vor.u32 $0x300, v7;
	v6 =	vshll.u32 v0, $0x3;
	v11 =	vld.idx.msk [tilespmem:v11+s26+$0x0], $0xffff;
	[tilespmem:s19+$0x280] =	vst v8  }
0xd5: {  	v16 =	vand.u32 $0x7F, v0;
	v6 =	vand.u32 $0xFFFFFC00, v6;
	v8 =	vld.idx.msk [tilespmem:v2+s26+$0x0], $0xffff;
	v2 =	vor.u32 $0x380, v7;
	[tilespmem:s19+$0x0] =	vst v1  }
0xd6: {  	s20 =	sadd.s32 $0x100, s20;
	v6 =	vor.u32 v16, v6;
	v7 =	vld.idx.msk [tilespmem:v12+s26+$0x0], $0xffff;
	[tilespmem:s23+$0x11000] =	vst v10;
	v0 =	vmov v3  }
0xd7: {  	s3 =	sand.u32 $0x3C00, s20;
	v3 =	vor.u32 $0x80, v6;
	v12 =	vld.idx.msk [tilespmem:v4+s26+$0x0], $0xffff;
	[tilespmem:s7+$0x11000] =	vst v9  }
0xd8: {  	s3 =	sadd.s32 $0x11000, s3;
	v4 =	vor.u32 $0x100, v6;
	v14 =	vld.idx.msk [tilespmem:v14+s26+$0x0], $0xffff  }
0xd9: {  	s19 =	sor.u32 s12, s3;
	s3 =	sor.u32 s16, s3;
	s12 =	smov.u32 s24;
	v16 =	vor.u32 $0x180, v6;
	v15 =	vld.idx.msk [tilespmem:v15+s26+$0x0], $0xffff  }
0xda: {  	s18 =	sadd.s32 $0x1, s18;
	s21 =	sadd.s32 $0x2, s21;
	s16 =	smov.u32 s9;
	v17 =	vor.u32 $0x200, v6;
	v2 =	vld.idx.msk [tilespmem:v2+s26+$0x0], $0xffff;
	[tilespmem:s3+$0x0] =	vst v5  }
0xdb: {  	p0 =	slt.u32 s21, $0x7E;
	v18 =	vor.u32 $0x280, v6;
	s7 =	sand.u32 $0x3, s18;
	v1 =	vld.idx.msk [tilespmem:v6+s26+$0x0], $0xffff;
	[tilespmem:s3+$0x80] =	vst v11  }
.Ltmp2:
0xdc: {  	v10 =	vor.u32 $0x300, v6;
	s7 =	sshll.u32 s7, $0x5;
	v3 =	vld.idx.msk [tilespmem:v3+s26+$0x0], $0xffff;
	[tilespmem:s3+$0x100] =	vst v8;
	(pc) =	sbr.rel @p0 .LBB2_7-.Ltmp2, $4  }
0xdd: {  	v9 =	vor.u32 $0x380, v6;
	s7 =	sadd.s32 s7, s20;
	v4 =	vld.idx.msk [tilespmem:v4+s26+$0x0], $0xffff;
	[tilespmem:s3+$0x180] =	vst v7  }
0xde: {  	s23 =	sor.u32 $0x300, s7;
	s9 =	sadd.s32 $0x10, s7;
	v6 =	vshll.u32 v13, $0x3;
	v5 =	vld.idx.msk [tilespmem:v16+s26+$0x0], $0xffff;
	[tilespmem:s3+$0x200] =	vst v12  }
0xdf: {  	s7 =	sor.u32 $0x380, s7;
	v8 =	vand.u32 $0xFFFFFC00, v6;
	v7 =	vand.u32 $0x7F, v13;
	v6 =	vld.idx.msk [tilespmem:v17+s26+$0x0], $0xffff;
	[tilespmem:s3+$0x280] =	vst v14;
	s3 =	sor.u32 $0x300, s9  }
0xe0: {  	s22 =	sadd.s32 $0x20, s22;
	v7 =	vor.u32 v7, v8;
	s9 =	sor.u32 $0x380, s9;
	v8 =	vld.idx.msk [tilespmem:v18+s26+$0x0], $0xffff;
	[tilespmem:s3+$0x11000] =	vst v15  }
0xe1: {  	_ =	sdelay $0x1  }
0xe2: {  	v11 =	vor.u32 $0x80, v7  }
0xe3: {  	v12 =	vor.u32 $0x100, v7  }
0xe4: {  	v10 =	vld.idx.msk [tilespmem:v10+s26+$0x0], $0xffff;
	v13 =	vor.u32 $0x180, v7;
	[tilespmem:s9+$0x11000] =	vst v2  }
0xe5: {  	v2 =	vld.idx.msk [tilespmem:v9+s26+$0x0], $0xffff;
	v9 =	vor.u32 $0x200, v7;
	[tilespmem:s19+$0x80] =	vst v3  }
0xe6: {  	v3 =	vld.idx.msk [tilespmem:v7+s26+$0x0], $0xffff;
	v14 =	vor.u32 $0x280, v7;
	[tilespmem:s19+$0x0] =	vst v1  }
0xe7: {  	v15 =	vor.u32 $0x300, v7;
	[tilespmem:s19+$0x100] =	vst v4;
	v4 =	vshll.u32 v0, $0x3;
	v11 =	vld.idx.msk [tilespmem:v11+s26+$0x0], $0xffff  }
0xe8: {  	v7 =	vor.u32 $0x380, v7;
	v0 =	vand.u32 $0x7F, v0;
	[tilespmem:s19+$0x180] =	vst v5;
	v4 =	vand.u32 $0xFFFFFC00, v4;
	v5 =	vld.idx.msk [tilespmem:v12+s26+$0x0], $0xffff  }
0xe9: {  	s3 =	sadd.s32 $0x100, s20;
	[tilespmem:s19+$0x200] =	vst v6;
	v0 =	vor.u32 v0, v4;
	v4 =	vld.idx.msk [tilespmem:v13+s26+$0x0], $0xffff  }
0xea: {  	[tilespmem:s19+$0x280] =	vst v8;
	v6 =	vor.u32 $0x80, v0;
	s19 =	sand.u32 $0x3C00, s3;
	v8 =	vld.idx.msk [tilespmem:v9+s26+$0x0], $0xffff  }
0xeb: {  	v1 =	vor.u32 $0x100, v0;
	v9 =	vld.idx.msk [tilespmem:v14+s26+$0x0], $0xffff;
	[tilespmem:s23+$0x11000] =	vst v10;
	s9 =	sadd.s32 $0x11000, s19  }
0xec: {  	v10 =	vor.u32 $0x180, v0;
	v58 =	vld.idx.msk [tilespmem:v15+s26+$0x0], $0xffff;
	[tilespmem:s7+$0x11000] =	vst v2;
	s20 =	sor.u32 s16, s9  }
0xed: {  	s21 =	sadd.s32 $0x1, s18;
	v59 =	vor.u32 $0x280, v0;
	v7 =	vld.idx.msk [tilespmem:v7+s26+$0x0], $0xffff;
	[tilespmem:s20+$0x0] =	vst v3  }
0xee: {  	v2 =	vor.u32 $0x200, v0;
	s16 =	sand.u32 $0x3, s21;
	v3 =	vld.idx.msk [tilespmem:v0+s26+$0x0], $0xffff;
	[tilespmem:s20+$0x80] =	vst v11  }
0xef: {  	s16 =	sshll.u32 s16, $0x5;
	v6 =	vld.idx.msk [tilespmem:v6+s26+$0x0], $0xffff;
	v11 =	vor.u32 $0x300, v0;
	[tilespmem:s20+$0x100] =	vst v5  }
0xf0: {  	s3 =	sadd.s32 s16, s3;
	v1 =	vld.idx.msk [tilespmem:v1+s26+$0x0], $0xffff;
	v0 =	vor.u32 $0x380, v0;
	[tilespmem:s20+$0x180] =	vst v4  }
0xf1: {  	s16 =	sadd.s32 $0x10, s3;
	v4 =	vld.idx.msk [tilespmem:v10+s26+$0x0], $0xffff;
	[tilespmem:s20+$0x200] =	vst v8  }
0xf2: {  	[tilespmem:s20+$0x280] =	vst v9;
	s22 =	sor.u32 $0x300, s16;
	v5 =	vld.idx.msk [tilespmem:v59+s26+$0x0], $0xffff  }
0xf3: {  	s23 =	sor.u32 $0x380, s16;
	v2 =	vld.idx.msk [tilespmem:v2+s26+$0x0], $0xffff;
	[tilespmem:s22+$0x11000] =	vst v58  }
0xf4: {  	s9 =	sor.u32 s12, s9;
	[tilespmem:s23+$0x11000] =	vst v7;
	v8 =	vld.idx.msk [tilespmem:v11+s26+$0x0], $0xffff  }
0xf5: {  	v0 =	vld.idx.msk [tilespmem:v0+s26+$0x0], $0xffff;
	[tilespmem:s9+$0x80] =	vst v6  }
0xf6: {  	[tilespmem:s9+$0x100] =	vst v1  }
0xf7: {  	[tilespmem:s9+$0x180] =	vst v4  }
0xf8: {  	s12 =	sshll.u32 s11, $0x4;
	[tilespmem:s9+$0x280] =	vst v5  }
0xf9: {  	s24 =	sor.u32 s12, s6;
	[tilespmem:s9+$0x0] =	vst v3  }
0xfa: {  	s7 =	sshll.u32 s24, $0x9;
	s2 =	sor.u32 $0x300, s3;
	[tilespmem:s9+$0x200] =	vst v2  }
0xfb: {  	s3 =	sor.u32 $0x380, s3;
	s16 =	sor.u32 $0x1000, s7;
	[tilespmem:s2+$0x11000] =	vst v8  }
0xfc: {  	s17 =	simm.s32 $0x0;
	s7 =	sadd.s32 s13, s16;
	[tilespmem:s3+$0x11000] =	vst v0  }
0xfd: {  	[hbm4b:s7+s17] =	stream.linear.scatter [tilespmem:s29], [sflag:$0x3], $0x4000, $0x38;
	[tilespmem:$0x19000] =	vst v63  }
0xfe: {  	_ =	swait.ge [sflag:s1], $0x4000  }
0xff: {  	[sflag:s1] =	ssyncset.done $0x0  }
0x100: {  	s9 =	sand.u32 $0x7E0, s17;
	[sflag:s1] =	ssyncadd.s32 $0xFFFFC000  }
0x101: {  	v0 =	vld [tilespmem:s9+$0x800];
	_ =	sdelay $0x4  }
0x102: {  	v1 =	vshll.u32 v0, $0x3  }
0x103: {  	v0 =	vand.u32 $0x7F, v0;
	v1 =	vand.u32 $0xFFFFFC00, v1  }
0x104: {  	s18 =	simm.s32 $0x810;
	v0 =	vor.u32 v0, v1  }
0x105: {  	v1 =	vld [tilespmem:s18+$0x0];
	v2 =	vor.u32 $0x80, v0  }
0x106: {  	s18 =	simm.s32 $0x20;
	v3 =	vor.u32 $0x100, v0  }
0x107: {  	s19 =	sand.u32 $0x7E0, s18;
	v4 =	vor.u32 $0x180, v0  }
0x108: {  	v5 =	vor.u32 $0x200, v0;
	v6 =	vld [tilespmem:s19+$0x800]  }
0x109: {  	v8 =	vor.u32 $0x280, v0;
	v7 =	vld.idx.msk [tilespmem:v0+s26+$0x0], $0xffff  }
0x10a: {  	v9 =	vor.u32 $0x300, v0;
	v10 =	vshll.u32 v1, $0x3;
	v2 =	vld.idx.msk [tilespmem:v2+s26+$0x0], $0xffff  }
0x10b: {  	v0 =	vor.u32 $0x380, v0;
	v1 =	vand.u32 $0x7F, v1;
	v3 =	vld.idx.msk [tilespmem:v3+s26+$0x0], $0xffff;
	v10 =	vand.u32 $0xFFFFFC00, v10  }
0x10c: {  	v4 =	vld.idx.msk [tilespmem:v4+s26+$0x0], $0xffff;
	v1 =	vor.u32 v1, v10  }
0x10d: {  	v5 =	vld.idx.msk [tilespmem:v5+s26+$0x0], $0xffff;
	v10 =	vor.u32 $0x80, v1  }
0x10e: {  	v8 =	vld.idx.msk [tilespmem:v8+s26+$0x0], $0xffff;
	v11 =	vor.u32 $0x100, v1  }
0x10f: {  	s21 =	sand.u32 $0x3C00, s17;
	s20 =	sand.u32 $0x60, s17;
	v9 =	vld.idx.msk [tilespmem:v9+s26+$0x0], $0xffff;
	v60 =	vor.u32 $0x180, v1  }
0x110: {  	s3 =	sor.u32 s20, s21;
	v62 =	vor.u32 $0x200, v1;
	v61 =	vld.idx.msk [tilespmem:v0+s26+$0x0], $0xffff  }
0x111: {  	[tilespmem:s3+$0x15000] =	vst v7;
	v7 =	vor.u32 $0x280, v1;
	v0 =	vld.idx.msk [tilespmem:v1+s26+$0x0], $0xffff  }
0x112: {  	s20 =	sadd.s32 $0x15000, s3;
	v63 =	vld.idx.msk [tilespmem:v10+s26+$0x0], $0xffff;
	v10 =	vor.u32 $0x300, v1  }
0x113: {  	[tilespmem:s20+$0x80] =	vst v2;
	v2 =	vld.idx.msk [tilespmem:v11+s26+$0x0], $0xffff;
	v1 =	vor.u32 $0x380, v1  }
0x114: {  	s22 =	sand.u32 $0x3, s17;
	[tilespmem:s20+$0x180] =	vst v4;
	v4 =	vld.idx.msk [tilespmem:v60+s26+$0x0], $0xffff  }
0x115: {  	s3 =	sshll.u32 s22, $0x5;
	[tilespmem:s20+$0x200] =	vst v5;
	v5 =	vld.idx.msk [tilespmem:v62+s26+$0x0], $0xffff  }
0x116: {  	[tilespmem:s20+$0x100] =	vst v3;
	s3 =	sadd.s32 $0x0, s3;
	v3 =	vshll.u32 v6, $0x3;
	v7 =	vld.idx.msk [tilespmem:v7+s26+$0x0], $0xffff  }
0x117: {  	[tilespmem:s20+$0x280] =	vst v8;
	v6 =	vand.u32 $0x7F, v6;
	s23 =	sor.u32 $0x300, s3;
	v8 =	vand.u32 $0xFFFFFC00, v3;
	v3 =	vld.idx.msk [tilespmem:v10+s26+$0x0], $0xffff  }
0x118: {  	s2 =	simm.s32 $0x830;
	s24 =	sadd.s32 $0x10, s3;
	s3 =	sor.u32 $0x380, s3;
	[tilespmem:s23+$0x15000] =	vst v9;
	v8 =	vor.u32 v6, v8;
	v6 =	vld.idx.msk [tilespmem:v1+s26+$0x0], $0xffff  }
0x119: {  	s21 =	simm.s32 $0x2;
	s7 =	simm.s32 $0x850;
	s9 =	simm.s32 $0x40;
	[tilespmem:s3+$0x15000] =	vst v61;
	v1 =	vld [tilespmem:s2+$0x0];
	v10 =	vor.u32 $0x80, v8  }
0x11a: {  	s19 =	simm.s32 $0x0;
	s23 =	sor.u32 $0x300, s24;
	s22 =	sor.u32 $0x380, s24;
	v9 =	vor.u32 $0x100, v8;
	[tilespmem:s20+$0x90] =	vst v63  }
.LBB2_9:
0x11b: {  	s3 =	sand.u32 $0x7E0, s9;
	v11 =	vld [tilespmem:s7+$0x0];
	v12 =	vor.u32 $0x180, v8;
	[tilespmem:s20+$0x110] =	vst v2  }
0x11c: {  	v2 =	vor.u32 $0x200, v8;
	v13 =	vld [tilespmem:s3+$0x800];
	[tilespmem:s20+$0x190] =	vst v4  }
0x11d: {  	v14 =	vor.u32 $0x280, v8;
	v4 =	vld.idx.msk [tilespmem:v8+s26+$0x0], $0xffff;
	[tilespmem:s20+$0x210] =	vst v5  }
0x11e: {  	v15 =	vshll.u32 v1, $0x3;
	v5 =	vld.idx.msk [tilespmem:v10+s26+$0x0], $0xffff;
	v10 =	vor.u32 $0x300, v8;
	[tilespmem:s20+$0x290] =	vst v7  }
0x11f: {  	v16 =	vand.u32 $0x7F, v1;
	v8 =	vor.u32 $0x380, v8;
	v7 =	vld.idx.msk [tilespmem:v9+s26+$0x0], $0xffff;
	v9 =	vand.u32 $0xFFFFFC00, v15;
	[tilespmem:s20+$0x10] =	vst v0  }
0x120: {  	v12 =	vld.idx.msk [tilespmem:v12+s26+$0x0], $0xffff;
	v9 =	vor.u32 v16, v9;
	[tilespmem:s23+$0x15000] =	vst v3;
	v1 =	vmov v11  }
0x121: {  	s17 =	sadd.s32 $0x100, s17;
	v3 =	vld.idx.msk [tilespmem:v2+s26+$0x0], $0xffff;
	v2 =	vor.u32 $0x80, v9;
	[tilespmem:s22+$0x15000] =	vst v6  }
0x122: {  	s3 =	sand.u32 $0x60, s18;
	s18 =	smov.u32 s9;
	s20 =	sand.u32 $0x3C00, s17;
	v11 =	vor.u32 $0x100, v9;
	v6 =	vld.idx.msk [tilespmem:v14+s26+$0x0], $0xffff  }
0x123: {  	s3 =	sor.u32 s3, s20;
	v14 =	vor.u32 $0x180, v9;
	v10 =	vld.idx.msk [tilespmem:v10+s26+$0x0], $0xffff  }
0x124: {  	s20 =	sadd.s32 $0x15000, s3;
	v15 =	vld.idx.msk [tilespmem:v8+s26+$0x0], $0xffff;
	[tilespmem:s3+$0x15000] =	vst v4;
	v8 =	vor.u32 $0x200, v9  }
0x125: {  	s19 =	sadd.s32 $0x1, s19;
	v16 =	vor.u32 $0x280, v9;
	[tilespmem:s20+$0x80] =	vst v5;
	v0 =	vld.idx.msk [tilespmem:v9+s26+$0x0], $0xffff  }
0x126: {  	s21 =	sadd.s32 $0x2, s21;
	v18 =	vor.u32 $0x300, v9;
	s3 =	sand.u32 $0x3, s19;
	[tilespmem:s20+$0x100] =	vst v7;
	v17 =	vld.idx.msk [tilespmem:v2+s26+$0x0], $0xffff  }
0x127: {  	p0 =	slt.u32 s21, $0x7E;
	s3 =	sshll.u32 s3, $0x5;
	[tilespmem:s20+$0x180] =	vst v12;
	v2 =	vld.idx.msk [tilespmem:v11+s26+$0x0], $0xffff;
	v11 =	vor.u32 $0x380, v9  }
.Ltmp3:
0x128: {  	v5 =	vshll.u32 v13, $0x3;
	s3 =	sadd.s32 s3, s17;
	[tilespmem:s20+$0x200] =	vst v3;
	v4 =	vld.idx.msk [tilespmem:v14+s26+$0x0], $0xffff;
	(pc) =	sbr.rel @p0 .LBB2_9-.Ltmp3, $4  }
0x129: {  	v7 =	vand.u32 $0xFFFFFC00, v5;
	s22 =	sor.u32 $0x300, s3;
	s24 =	sadd.s32 $0x10, s3;
	v3 =	vand.u32 $0x7F, v13;
	[tilespmem:s20+$0x280] =	vst v6;
	v5 =	vld.idx.msk [tilespmem:v8+s26+$0x0], $0xffff  }
0x12a: {  	s3 =	sor.u32 $0x380, s3;
	s23 =	sor.u32 $0x300, s24;
	v8 =	vor.u32 v3, v7;
	[tilespmem:s22+$0x15000] =	vst v10;
	v7 =	vld.idx.msk [tilespmem:v16+s26+$0x0], $0xffff  }
0x12b: {  	v10 =	vor.u32 $0x80, v8;
	s22 =	sor.u32 $0x380, s24;
	[tilespmem:s3+$0x15000] =	vst v15;
	v3 =	vld.idx.msk [tilespmem:v18+s26+$0x0], $0xffff  }
0x12c: {  	s7 =	sadd.s32 $0x20, s7;
	s9 =	sadd.s32 $0x20, s9;
	v9 =	vor.u32 $0x100, v8;
	v6 =	vld.idx.msk [tilespmem:v11+s26+$0x0], $0xffff;
	[tilespmem:s20+$0x90] =	vst v17  }
0x12d: {  	_ =	sdelay $0x1  }
0x12e: {  	v11 =	vor.u32 $0x180, v8  }
0x12f: {  	v12 =	vor.u32 $0x200, v8  }
0x130: {  	v13 =	vld.idx.msk [tilespmem:v8+s26+$0x0], $0xffff;
	v14 =	vor.u32 $0x280, v8;
	[tilespmem:s20+$0x110] =	vst v2  }
0x131: {  	v2 =	vld.idx.msk [tilespmem:v10+s26+$0x0], $0xffff;
	v10 =	vor.u32 $0x300, v8;
	v15 =	vshll.u32 v1, $0x3;
	[tilespmem:s20+$0x190] =	vst v4  }
0x132: {  	v4 =	vld.idx.msk [tilespmem:v9+s26+$0x0], $0xffff;
	v8 =	vor.u32 $0x380, v8;
	v1 =	vand.u32 $0x7F, v1;
	[tilespmem:s20+$0x10] =	vst v0;
	v9 =	vand.u32 $0xFFFFFC00, v15  }
0x133: {  	[tilespmem:s20+$0x210] =	vst v5;
	v1 =	vor.u32 v1, v9;
	v5 =	vld.idx.msk [tilespmem:v11+s26+$0x0], $0xffff  }
0x134: {  	s3 =	sadd.s32 $0x100, s17;
	[tilespmem:s20+$0x290] =	vst v7;
	v9 =	vor.u32 $0x80, v1;
	v7 =	vld.idx.msk [tilespmem:v12+s26+$0x0], $0xffff  }
0x135: {  	s7 =	sand.u32 $0x60, s18;
	s9 =	sand.u32 $0x3C00, s3;
	[tilespmem:s23+$0x15000] =	vst v3;
	v0 =	vld.idx.msk [tilespmem:v14+s26+$0x0], $0xffff;
	v11 =	vor.u32 $0x100, v1  }
0x136: {  	s7 =	sor.u32 s7, s9;
	[tilespmem:s22+$0x15000] =	vst v6;
	v3 =	vld.idx.msk [tilespmem:v10+s26+$0x0], $0xffff;
	v10 =	vor.u32 $0x180, v1  }
0x137: {  	s9 =	sadd.s32 $0x15000, s7;
	v6 =	vld.idx.msk [tilespmem:v8+s26+$0x0], $0xffff;
	v8 =	vor.u32 $0x200, v1;
	[tilespmem:s7+$0x15000] =	vst v13  }
0x138: {  	s20 =	sadd.s32 $0x1, s19;
	v59 =	vor.u32 $0x280, v1;
	[tilespmem:s9+$0x80] =	vst v2;
	v58 =	vld.idx.msk [tilespmem:v1+s26+$0x0], $0xffff  }
0x139: {  	s7 =	sand.u32 $0x3, s20;
	[tilespmem:s9+$0x100] =	vst v4;
	v2 =	vld.idx.msk [tilespmem:v9+s26+$0x0], $0xffff;
	v9 =	vor.u32 $0x300, v1  }
0x13a: {  	s7 =	sshll.u32 s7, $0x5;
	v1 =	vor.u32 $0x380, v1;
	v4 =	vld.idx.msk [tilespmem:v11+s26+$0x0], $0xffff;
	[tilespmem:s9+$0x180] =	vst v5  }
0x13b: {  	s3 =	sadd.s32 s7, s3;
	v5 =	vld.idx.msk [tilespmem:v10+s26+$0x0], $0xffff;
	[tilespmem:s9+$0x200] =	vst v7  }
0x13c: {  	s7 =	sor.u32 $0x300, s3;
	v7 =	vld.idx.msk [tilespmem:v8+s26+$0x0], $0xffff;
	[tilespmem:s9+$0x280] =	vst v0  }
0x13d: {  	s21 =	sor.u32 $0x380, s3;
	v0 =	vld.idx.msk [tilespmem:v59+s26+$0x0], $0xffff;
	[tilespmem:s7+$0x15000] =	vst v3  }
0x13e: {  	[tilespmem:s21+$0x15000] =	vst v6;
	v3 =	vld.idx.msk [tilespmem:v9+s26+$0x0], $0xffff  }
0x13f: {  	v1 =	vld.idx.msk [tilespmem:v1+s26+$0x0], $0xffff;
	[tilespmem:s9+$0x90] =	vst v2  }
0x140: {  	[tilespmem:s9+$0x10] =	vst v58  }
0x141: {  	[tilespmem:s9+$0x110] =	vst v4  }
0x142: {  	[tilespmem:s9+$0x190] =	vst v5  }
0x143: {  	s3 =	sadd.s32 $0x10, s3;
	[tilespmem:s9+$0x210] =	vst v7  }
0x144: {  	s22 =	sor.u32 $0x300, s3;
	[tilespmem:s9+$0x290] =	vst v0  }
0x145: {  	s3 =	sor.u32 $0x380, s3;
	[tilespmem:s22+$0x15000] =	vst v3  }
0x146: {  	s17 =	simm.s32 $0x0;
	s23 =	sadd.s32 s16, s10;
	[tilespmem:s3+$0x15000] =	vst v1  }
0x147: {  	[hbm4b:s23+s17] =	stream.linear.scatter [tilespmem:s30], [sflag:$0x4], $0x4000, $0x38;
	[tilespmem:$0x19000] =	vst v63  }
0x148: {  	s2 =	rddreg [dreg:$0x9]  }
0x149: {  	s24 =	sadd.s32 s12, s2  }
0x14a: {  	s3 =	sshll.u32 s24, $0x9  }
0x14b: {  	s3 =	sadd.s32 s4, s3  }
0x14c: {  	[tilespmem:s26], [sflag:$0x2] =	stream.linear.gather [hbm4b:s3+s17], $0x8000, $0x38;
	[tilespmem:$0x19000] =	vst v63  }
0x14d: {  	_ =	swait.ge [sflag:s28], $0x8000  }
0x14e: {  	[sflag:s28] =	ssyncset.done $0x0  }
0x14f: {  	[sflag:s28] =	ssyncadd.s32 $0xFFFF8000  }
0x150: {  	s3 =	sand.u32 $0x60, s17;
	_ =	swait.ge [sflag:s0], $0x4000  }
0x151: {  	s20 =	sand.u32 $0x780, s17;
	s2 =	sor.u32 $0x10, s3;
	[sflag:s0] =	ssyncset.done $0x0  }
0x152: {  	s9 =	sor.u32 s2, s20;
	[sflag:s0] =	ssyncadd.s32 $0xFFFFC000  }
0x153: {  	v0 =	vld [tilespmem:s9+$0x0];
	_ =	sdelay $0x4  }
0x154: {  	v1 =	vshll.u32 v0, $0x3  }
0x155: {  	v0 =	vand.u32 $0x7F, v0;
	v1 =	vand.u32 $0xFFFFFC00, v1  }
0x156: {  	s19 =	simm.s32 $0x20;
	v0 =	vor.u32 v0, v1  }
0x157: {  	s16 =	sand.u32 $0x60, s19;
	v1 =	vor.u32 $0x80, v0  }
0x158: {  	s18 =	sor.u32 $0x10, s16;
	s21 =	sand.u32 $0x780, s19;
	v2 =	vld [tilespmem:s17+$0x0];
	v3 =	vor.u32 $0x100, v0  }
0x159: {  	s9 =	sor.u32 s18, s21;
	v4 =	vor.u32 $0x180, v0  }
0x15a: {  	v6 =	vld [tilespmem:s9+$0x0];
	v5 =	vor.u32 $0x200, v0  }
0x15b: {  	v8 =	vor.u32 $0x280, v0;
	v7 =	vld.idx.msk [tilespmem:v0+s25+$0x0], $0xffff  }
0x15c: {  	v9 =	vld.idx.msk [tilespmem:v1+s25+$0x0], $0xffff;
	v1 =	vor.u32 $0x300, v0  }
0x15d: {  	v10 =	vshll.u32 v2, $0x3;
	v11 =	vld.idx.msk [tilespmem:v3+s25+$0x0], $0xffff;
	v0 =	vor.u32 $0x380, v0  }
0x15e: {  	v2 =	vand.u32 $0x7F, v2;
	v3 =	vand.u32 $0xFFFFFC00, v10;
	v10 =	vld.idx.msk [tilespmem:v4+s25+$0x0], $0xffff  }
0x15f: {  	v61 =	vld.idx.msk [tilespmem:v5+s25+$0x0], $0xffff;
	v60 =	vor.u32 v2, v3  }
0x160: {  	s22 =	sand.u32 $0x3C00, s17;
	v8 =	vld.idx.msk [tilespmem:v8+s25+$0x0], $0xffff;
	v3 =	vor.u32 $0x80, v60  }
0x161: {  	s9 =	sadd.s32 $0x11000, s22;
	v4 =	vor.u32 $0x100, v60;
	v62 =	vld.idx.msk [tilespmem:v1+s25+$0x0], $0xffff  }
0x162: {  	s20 =	sor.u32 s2, s9;
	v5 =	vor.u32 $0x180, v60;
	v2 =	vld.idx.msk [tilespmem:v0+s25+$0x0], $0xffff  }
0x163: {  	v63 =	vor.u32 $0x200, v60;
	v0 =	vld [tilespmem:s19+$0x0];
	[tilespmem:s20+$0x0] =	vst v7  }
0x164: {  	s23 =	sand.u32 $0x3, s17;
	v16 =	vor.u32 $0x280, v60;
	[tilespmem:s20+$0x80] =	vst v9;
	v1 =	vld.idx.msk [tilespmem:v60+s25+$0x0], $0xffff  }
0x165: {  	s7 =	sshll.u32 s23, $0x5;
	[tilespmem:s20+$0x180] =	vst v10;
	v10 =	vor.u32 $0x300, v60;
	v3 =	vld.idx.msk [tilespmem:v3+s25+$0x0], $0xffff  }
0x166: {  	s24 =	sadd.s32 $0x0, s7;
	[tilespmem:s20+$0x100] =	vst v11;
	v9 =	vor.u32 $0x380, v60;
	v4 =	vld.idx.msk [tilespmem:v4+s25+$0x0], $0xffff  }
0x167: {  	s23 =	simm.s32 $0x40;
	s7 =	sor.u32 $0x300, s24;
	s2 =	sadd.s32 $0x10, s24;
	v7 =	vshll.u32 v6, $0x3;
	[tilespmem:s20+$0x200] =	vst v61;
	v5 =	vld.idx.msk [tilespmem:v5+s25+$0x0], $0xffff  }
0x168: {  	s21 =	sor.u32 s3, s9;
	s9 =	sor.u32 $0x380, s24;
	s24 =	sor.u32 $0x300, s2;
	v11 =	vand.u32 $0x7F, v6;
	[tilespmem:s20+$0x280] =	vst v8;
	v7 =	vand.u32 $0xFFFFFC00, v7;
	v6 =	vld.idx.msk [tilespmem:v63+s25+$0x0], $0xffff  }
0x169: {  	s22 =	simm.s32 $0x2;
	s20 =	simm.s32 $0x0;
	v7 =	vor.u32 v11, v7;
	v8 =	vld.idx.msk [tilespmem:v16+s25+$0x0], $0xffff;
	[tilespmem:s24+$0x11000] =	vst v62;
	s24 =	sor.u32 $0x380, s2  }
.LBB2_11:
0x16a: {  	s3 =	sand.u32 $0x60, s23;
	v11 =	vor.u32 $0x80, v7;
	v10 =	vld.idx.msk [tilespmem:v10+s25+$0x0], $0xffff;
	[tilespmem:s24+$0x11000] =	vst v2  }
0x16b: {  	s2 =	sand.u32 $0x780, s23;
	v2 =	vor.u32 $0x100, v7;
	s19 =	sadd.s32 $0x20, s19;
	s24 =	sor.u32 $0x10, s3;
	v9 =	vld.idx.msk [tilespmem:v9+s25+$0x0], $0xffff;
	[tilespmem:s21+$0x80] =	vst v3  }
0x16c: {  	v12 =	vor.u32 $0x180, v7;
	v3 =	vld [tilespmem:s19+$0x0];
	s2 =	sor.u32 s24, s2;
	[tilespmem:s21+$0x100] =	vst v4  }
0x16d: {  	v4 =	vor.u32 $0x200, v7;
	v13 =	vld [tilespmem:s2+$0x0];
	[tilespmem:s21+$0x180] =	vst v5  }
0x16e: {  	v14 =	vor.u32 $0x280, v7;
	v5 =	vld.idx.msk [tilespmem:v7+s25+$0x0], $0xffff;
	[tilespmem:s21+$0x200] =	vst v6  }
0x16f: {  	v15 =	vor.u32 $0x300, v7;
	v6 =	vshll.u32 v0, $0x3;
	v11 =	vld.idx.msk [tilespmem:v11+s25+$0x0], $0xffff;
	[tilespmem:s21+$0x280] =	vst v8  }
0x170: {  	v16 =	vand.u32 $0x7F, v0;
	v6 =	vand.u32 $0xFFFFFC00, v6;
	v8 =	vld.idx.msk [tilespmem:v2+s25+$0x0], $0xffff;
	v2 =	vor.u32 $0x380, v7;
	[tilespmem:s21+$0x0] =	vst v1  }
0x171: {  	s17 =	sadd.s32 $0x100, s17;
	v6 =	vor.u32 v16, v6;
	v7 =	vld.idx.msk [tilespmem:v12+s25+$0x0], $0xffff;
	[tilespmem:s7+$0x11000] =	vst v10;
	v0 =	vmov v3  }
0x172: {  	s2 =	sand.u32 $0x3C00, s17;
	v3 =	vor.u32 $0x80, v6;
	v12 =	vld.idx.msk [tilespmem:v4+s25+$0x0], $0xffff;
	[tilespmem:s9+$0x11000] =	vst v9  }
0x173: {  	s2 =	sadd.s32 $0x11000, s2;
	v4 =	vor.u32 $0x100, v6;
	v14 =	vld.idx.msk [tilespmem:v14+s25+$0x0], $0xffff  }
0x174: {  	s21 =	sor.u32 s16, s2;
	s2 =	sor.u32 s18, s2;
	s16 =	smov.u32 s3;
	v16 =	vor.u32 $0x180, v6;
	v15 =	vld.idx.msk [tilespmem:v15+s25+$0x0], $0xffff  }
0x175: {  	s20 =	sadd.s32 $0x1, s20;
	s22 =	sadd.s32 $0x2, s22;
	s18 =	smov.u32 s24;
	v17 =	vor.u32 $0x200, v6;
	v2 =	vld.idx.msk [tilespmem:v2+s25+$0x0], $0xffff;
	[tilespmem:s2+$0x0] =	vst v5  }
0x176: {  	p0 =	slt.u32 s22, $0x7E;
	s3 =	sand.u32 $0x3, s20;
	v18 =	vor.u32 $0x280, v6;
	v1 =	vld.idx.msk [tilespmem:v6+s25+$0x0], $0xffff;
	[tilespmem:s2+$0x80] =	vst v11  }
.Ltmp4:
0x177: {  	s3 =	sshll.u32 s3, $0x5;
	v10 =	vor.u32 $0x300, v6;
	v3 =	vld.idx.msk [tilespmem:v3+s25+$0x0], $0xffff;
	[tilespmem:s2+$0x100] =	vst v8;
	(pc) =	sbr.rel @p0 .LBB2_11-.Ltmp4, $4  }
0x178: {  	s3 =	sadd.s32 s3, s17;
	v9 =	vor.u32 $0x380, v6;
	v4 =	vld.idx.msk [tilespmem:v4+s25+$0x0], $0xffff;
	[tilespmem:s2+$0x180] =	vst v7  }
0x179: {  	s7 =	sor.u32 $0x300, s3;
	s24 =	sadd.s32 $0x10, s3;
	v6 =	vshll.u32 v13, $0x3;
	v5 =	vld.idx.msk [tilespmem:v16+s25+$0x0], $0xffff;
	[tilespmem:s2+$0x200] =	vst v12  }
0x17a: {  	s9 =	sor.u32 $0x380, s3;
	v8 =	vand.u32 $0xFFFFFC00, v6;
	v7 =	vand.u32 $0x7F, v13;
	v6 =	vld.idx.msk [tilespmem:v17+s25+$0x0], $0xffff;
	[tilespmem:s2+$0x280] =	vst v14;
	s2 =	sor.u32 $0x300, s24  }
0x17b: {  	s23 =	sadd.s32 $0x20, s23;
	v7 =	vor.u32 v7, v8;
	s24 =	sor.u32 $0x380, s24;
	v8 =	vld.idx.msk [tilespmem:v18+s25+$0x0], $0xffff;
	[tilespmem:s2+$0x11000] =	vst v15  }
0x17c: {  	_ =	sdelay $0x1  }
0x17d: {  	v11 =	vor.u32 $0x80, v7  }
0x17e: {  	v12 =	vor.u32 $0x100, v7  }
0x17f: {  	v10 =	vld.idx.msk [tilespmem:v10+s25+$0x0], $0xffff;
	v13 =	vor.u32 $0x180, v7  }
0x180: {  	[tilespmem:s24+$0x11000] =	vst v2;
	v2 =	vld.idx.msk [tilespmem:v9+s25+$0x0], $0xffff;
	v9 =	vor.u32 $0x200, v7  }
0x181: {  	[tilespmem:s21+$0x80] =	vst v3;
	v3 =	vld.idx.msk [tilespmem:v7+s25+$0x0], $0xffff;
	v14 =	vor.u32 $0x280, v7  }
0x182: {  	v15 =	vor.u32 $0x300, v7;
	[tilespmem:s21+$0x100] =	vst v4;
	v4 =	vshll.u32 v0, $0x3;
	v11 =	vld.idx.msk [tilespmem:v11+s25+$0x0], $0xffff  }
0x183: {  	v7 =	vor.u32 $0x380, v7;
	v0 =	vand.u32 $0x7F, v0;
	[tilespmem:s21+$0x180] =	vst v5;
	v4 =	vand.u32 $0xFFFFFC00, v4;
	v5 =	vld.idx.msk [tilespmem:v12+s25+$0x0], $0xffff  }
0x184: {  	s2 =	sadd.s32 $0x100, s17;
	[tilespmem:s21+$0x0] =	vst v1;
	v0 =	vor.u32 v0, v4;
	v4 =	vld.idx.msk [tilespmem:v13+s25+$0x0], $0xffff  }
0x185: {  	s3 =	sand.u32 $0x3C00, s2;
	[tilespmem:s21+$0x280] =	vst v8;
	v8 =	vld.idx.msk [tilespmem:v9+s25+$0x0], $0xffff  }
0x186: {  	s3 =	sadd.s32 $0x11000, s3;
	[tilespmem:s21+$0x200] =	vst v6;
	v6 =	vor.u32 $0x80, v0;
	v9 =	vld.idx.msk [tilespmem:v14+s25+$0x0], $0xffff  }
0x187: {  	s22 =	sor.u32 s18, s3;
	v1 =	vor.u32 $0x100, v0;
	[tilespmem:s7+$0x11000] =	vst v10;
	v58 =	vld.idx.msk [tilespmem:v15+s25+$0x0], $0xffff  }
0x188: {  	v10 =	vor.u32 $0x180, v0;
	v7 =	vld.idx.msk [tilespmem:v7+s25+$0x0], $0xffff;
	[tilespmem:s22+$0x0] =	vst v3  }
0x189: {  	s23 =	sadd.s32 $0x1, s20;
	v59 =	vor.u32 $0x280, v0;
	[tilespmem:s9+$0x11000] =	vst v2  }
0x18a: {  	v2 =	vor.u32 $0x200, v0;
	s9 =	sand.u32 $0x3, s23;
	v3 =	vld.idx.msk [tilespmem:v0+s25+$0x0], $0xffff;
	[tilespmem:s22+$0x80] =	vst v11  }
0x18b: {  	s9 =	sshll.u32 s9, $0x5;
	v6 =	vld.idx.msk [tilespmem:v6+s25+$0x0], $0xffff;
	v11 =	vor.u32 $0x300, v0;
	[tilespmem:s22+$0x100] =	vst v5  }
0x18c: {  	s2 =	sadd.s32 s9, s2;
	v1 =	vld.idx.msk [tilespmem:v1+s25+$0x0], $0xffff;
	v0 =	vor.u32 $0x380, v0;
	[tilespmem:s22+$0x180] =	vst v4  }
0x18d: {  	s9 =	sadd.s32 $0x10, s2;
	v4 =	vld.idx.msk [tilespmem:v10+s25+$0x0], $0xffff;
	[tilespmem:s22+$0x200] =	vst v8  }
0x18e: {  	[tilespmem:s22+$0x280] =	vst v9;
	s24 =	sor.u32 $0x300, s9;
	v5 =	vld.idx.msk [tilespmem:v59+s25+$0x0], $0xffff  }
0x18f: {  	s9 =	sor.u32 $0x380, s9;
	v2 =	vld.idx.msk [tilespmem:v2+s25+$0x0], $0xffff;
	[tilespmem:s24+$0x11000] =	vst v58  }
0x190: {  	s3 =	sor.u32 s16, s3;
	[tilespmem:s9+$0x11000] =	vst v7;
	v8 =	vld.idx.msk [tilespmem:v11+s25+$0x0], $0xffff  }
0x191: {  	v0 =	vld.idx.msk [tilespmem:v0+s25+$0x0], $0xffff;
	[tilespmem:s3+$0x80] =	vst v6  }
0x192: {  	[tilespmem:s3+$0x100] =	vst v1  }
0x193: {  	[tilespmem:s3+$0x180] =	vst v4  }
0x194: {  	[tilespmem:s3+$0x280] =	vst v5  }
0x195: {  	[tilespmem:s3+$0x0] =	vst v3  }
0x196: {  	s18 =	sadd.s32 s12, s14;
	s17 =	sor.u32 $0x300, s2;
	[tilespmem:s3+$0x200] =	vst v2  }
0x197: {  	s16 =	sshll.u32 s18, $0x9;
	s2 =	sor.u32 $0x380, s2;
	[tilespmem:s17+$0x11000] =	vst v8  }
0x198: {  	s19 =	sadd.s32 s13, s16;
	s17 =	simm.s32 $0x0;
	[tilespmem:s2+$0x11000] =	vst v0  }
0x199: {  	[hbm4b:s19+s17] =	stream.linear.scatter [tilespmem:s29], [sflag:$0x3], $0x4000, $0x38;
	[tilespmem:$0x19000] =	vst v63  }
0x19a: {  	_ =	swait.ge [sflag:s1], $0x4000  }
0x19b: {  	[sflag:s1] =	ssyncset.done $0x0  }
0x19c: {  	s20 =	sand.u32 $0x7E0, s17;
	[sflag:s1] =	ssyncadd.s32 $0xFFFFC000  }
0x19d: {  	v0 =	vld [tilespmem:s20+$0x800];
	_ =	sdelay $0x4  }
0x19e: {  	v1 =	vshll.u32 v0, $0x3  }
0x19f: {  	v0 =	vand.u32 $0x7F, v0;
	v1 =	vand.u32 $0xFFFFFC00, v1  }
0x1a0: {  	s21 =	simm.s32 $0x810;
	v0 =	vor.u32 v0, v1  }
0x1a1: {  	v1 =	vld [tilespmem:s21+$0x0];
	v2 =	vor.u32 $0x80, v0  }
0x1a2: {  	s18 =	simm.s32 $0x20;
	v3 =	vor.u32 $0x100, v0  }
0x1a3: {  	s22 =	sand.u32 $0x7E0, s18;
	v4 =	vor.u32 $0x180, v0  }
0x1a4: {  	v6 =	vld [tilespmem:s22+$0x800];
	v5 =	vor.u32 $0x200, v0  }
0x1a5: {  	v8 =	vor.u32 $0x280, v0;
	v7 =	vld.idx.msk [tilespmem:v0+s25+$0x0], $0xffff  }
0x1a6: {  	v9 =	vor.u32 $0x300, v0;
	v10 =	vshll.u32 v1, $0x3;
	v2 =	vld.idx.msk [tilespmem:v2+s25+$0x0], $0xffff  }
0x1a7: {  	v0 =	vor.u32 $0x380, v0;
	v1 =	vand.u32 $0x7F, v1;
	v3 =	vld.idx.msk [tilespmem:v3+s25+$0x0], $0xffff;
	v10 =	vand.u32 $0xFFFFFC00, v10  }
0x1a8: {  	v4 =	vld.idx.msk [tilespmem:v4+s25+$0x0], $0xffff;
	v1 =	vor.u32 v1, v10  }
0x1a9: {  	v5 =	vld.idx.msk [tilespmem:v5+s25+$0x0], $0xffff;
	v10 =	vor.u32 $0x80, v1  }
0x1aa: {  	v8 =	vld.idx.msk [tilespmem:v8+s25+$0x0], $0xffff;
	v11 =	vor.u32 $0x100, v1  }
0x1ab: {  	s23 =	sand.u32 $0x60, s17;
	s24 =	sand.u32 $0x3C00, s17;
	v9 =	vld.idx.msk [tilespmem:v9+s25+$0x0], $0xffff;
	v60 =	vor.u32 $0x180, v1  }
0x1ac: {  	s2 =	sor.u32 s23, s24;
	v62 =	vor.u32 $0x200, v1;
	v61 =	vld.idx.msk [tilespmem:v0+s25+$0x0], $0xffff  }
0x1ad: {  	[tilespmem:s2+$0x15000] =	vst v7;
	v7 =	vor.u32 $0x280, v1;
	v0 =	vld.idx.msk [tilespmem:v1+s25+$0x0], $0xffff  }
0x1ae: {  	s20 =	sadd.s32 $0x15000, s2;
	v63 =	vld.idx.msk [tilespmem:v10+s25+$0x0], $0xffff;
	v10 =	vor.u32 $0x300, v1  }
0x1af: {  	[tilespmem:s20+$0x80] =	vst v2;
	v2 =	vld.idx.msk [tilespmem:v11+s25+$0x0], $0xffff;
	v1 =	vor.u32 $0x380, v1  }
0x1b0: {  	s7 =	sand.u32 $0x3, s17;
	[tilespmem:s20+$0x180] =	vst v4;
	v4 =	vld.idx.msk [tilespmem:v60+s25+$0x0], $0xffff  }
0x1b1: {  	s2 =	sshll.u32 s7, $0x5;
	[tilespmem:s20+$0x200] =	vst v5;
	v5 =	vld.idx.msk [tilespmem:v62+s25+$0x0], $0xffff  }
0x1b2: {  	[tilespmem:s20+$0x100] =	vst v3;
	s2 =	sadd.s32 $0x0, s2;
	v3 =	vshll.u32 v6, $0x3;
	v7 =	vld.idx.msk [tilespmem:v7+s25+$0x0], $0xffff  }
0x1b3: {  	[tilespmem:s20+$0x280] =	vst v8;
	v6 =	vand.u32 $0x7F, v6;
	s9 =	sor.u32 $0x300, s2;
	v8 =	vand.u32 $0xFFFFFC00, v3;
	v3 =	vld.idx.msk [tilespmem:v10+s25+$0x0], $0xffff  }
0x1b4: {  	s19 =	simm.s32 $0x830;
	s24 =	sadd.s32 $0x10, s2;
	s2 =	sor.u32 $0x380, s2;
	[tilespmem:s9+$0x15000] =	vst v9;
	v8 =	vor.u32 v6, v8;
	v6 =	vld.idx.msk [tilespmem:v1+s25+$0x0], $0xffff  }
0x1b5: {  	s21 =	simm.s32 $0x2;
	s7 =	simm.s32 $0x850;
	s23 =	sor.u32 $0x300, s24;
	[tilespmem:s2+$0x15000] =	vst v61;
	v1 =	vld [tilespmem:s19+$0x0];
	v10 =	vor.u32 $0x80, v8  }
0x1b6: {  	s22 =	sor.u32 $0x380, s24;
	s9 =	simm.s32 $0x40;
	v9 =	vor.u32 $0x100, v8;
	[tilespmem:s20+$0x90] =	vst v63;
	s19 =	simm.s32 $0x0  }
.LBB2_13:
0x1b7: {  	s2 =	sand.u32 $0x7E0, s9;
	v11 =	vld [tilespmem:s7+$0x0];
	v12 =	vor.u32 $0x180, v8;
	[tilespmem:s20+$0x110] =	vst v2  }
0x1b8: {  	v2 =	vor.u32 $0x200, v8;
	v13 =	vld [tilespmem:s2+$0x800];
	[tilespmem:s20+$0x190] =	vst v4  }
0x1b9: {  	v14 =	vor.u32 $0x280, v8;
	v4 =	vld.idx.msk [tilespmem:v8+s25+$0x0], $0xffff;
	[tilespmem:s20+$0x210] =	vst v5  }
0x1ba: {  	v15 =	vshll.u32 v1, $0x3;
	v5 =	vld.idx.msk [tilespmem:v10+s25+$0x0], $0xffff;
	v10 =	vor.u32 $0x300, v8;
	[tilespmem:s20+$0x290] =	vst v7  }
0x1bb: {  	v16 =	vand.u32 $0x7F, v1;
	v8 =	vor.u32 $0x380, v8;
	v7 =	vld.idx.msk [tilespmem:v9+s25+$0x0], $0xffff;
	v9 =	vand.u32 $0xFFFFFC00, v15;
	[tilespmem:s20+$0x10] =	vst v0  }
0x1bc: {  	v12 =	vld.idx.msk [tilespmem:v12+s25+$0x0], $0xffff;
	v9 =	vor.u32 v16, v9;
	[tilespmem:s23+$0x15000] =	vst v3;
	v1 =	vmov v11  }
0x1bd: {  	s17 =	sadd.s32 $0x100, s17;
	v3 =	vld.idx.msk [tilespmem:v2+s25+$0x0], $0xffff;
	v2 =	vor.u32 $0x80, v9;
	[tilespmem:s22+$0x15000] =	vst v6  }
0x1be: {  	s2 =	sand.u32 $0x60, s18;
	s3 =	sand.u32 $0x3C00, s17;
	s18 =	smov.u32 s9;
	v11 =	vor.u32 $0x100, v9;
	v6 =	vld.idx.msk [tilespmem:v14+s25+$0x0], $0xffff  }
0x1bf: {  	s2 =	sor.u32 s2, s3;
	v14 =	vor.u32 $0x180, v9;
	v10 =	vld.idx.msk [tilespmem:v10+s25+$0x0], $0xffff  }
0x1c0: {  	s20 =	sadd.s32 $0x15000, s2;
	v15 =	vld.idx.msk [tilespmem:v8+s25+$0x0], $0xffff;
	[tilespmem:s2+$0x15000] =	vst v4;
	v8 =	vor.u32 $0x200, v9  }
0x1c1: {  	s19 =	sadd.s32 $0x1, s19;
	v16 =	vor.u32 $0x280, v9;
	[tilespmem:s20+$0x80] =	vst v5;
	v0 =	vld.idx.msk [tilespmem:v9+s25+$0x0], $0xffff  }
0x1c2: {  	s21 =	sadd.s32 $0x2, s21;
	v18 =	vor.u32 $0x300, v9;
	s2 =	sand.u32 $0x3, s19;
	[tilespmem:s20+$0x100] =	vst v7;
	v17 =	vld.idx.msk [tilespmem:v2+s25+$0x0], $0xffff  }
0x1c3: {  	p0 =	slt.u32 s21, $0x7E;
	s2 =	sshll.u32 s2, $0x5;
	[tilespmem:s20+$0x180] =	vst v12;
	v2 =	vld.idx.msk [tilespmem:v11+s25+$0x0], $0xffff;
	v11 =	vor.u32 $0x380, v9  }
.Ltmp5:
0x1c4: {  	v5 =	vshll.u32 v13, $0x3;
	s2 =	sadd.s32 s2, s17;
	[tilespmem:s20+$0x200] =	vst v3;
	v4 =	vld.idx.msk [tilespmem:v14+s25+$0x0], $0xffff;
	(pc) =	sbr.rel @p0 .LBB2_13-.Ltmp5, $4  }
0x1c5: {  	v7 =	vand.u32 $0xFFFFFC00, v5;
	s3 =	sor.u32 $0x300, s2;
	s22 =	sadd.s32 $0x10, s2;
	v3 =	vand.u32 $0x7F, v13;
	[tilespmem:s20+$0x280] =	vst v6;
	v5 =	vld.idx.msk [tilespmem:v8+s25+$0x0], $0xffff  }
0x1c6: {  	s2 =	sor.u32 $0x380, s2;
	s23 =	sor.u32 $0x300, s22;
	v8 =	vor.u32 v3, v7;
	[tilespmem:s3+$0x15000] =	vst v10;
	v7 =	vld.idx.msk [tilespmem:v16+s25+$0x0], $0xffff  }
0x1c7: {  	s22 =	sor.u32 $0x380, s22;
	v10 =	vor.u32 $0x80, v8;
	[tilespmem:s2+$0x15000] =	vst v15;
	v3 =	vld.idx.msk [tilespmem:v18+s25+$0x0], $0xffff  }
0x1c8: {  	s7 =	sadd.s32 $0x20, s7;
	s9 =	sadd.s32 $0x20, s9;
	v9 =	vor.u32 $0x100, v8;
	v6 =	vld.idx.msk [tilespmem:v11+s25+$0x0], $0xffff;
	[tilespmem:s20+$0x90] =	vst v17  }
0x1c9: {  	_ =	sdelay $0x1  }
0x1ca: {  	v11 =	vor.u32 $0x180, v8  }
0x1cb: {  	v12 =	vor.u32 $0x200, v8  }
0x1cc: {  	v13 =	vld.idx.msk [tilespmem:v8+s25+$0x0], $0xffff;
	v14 =	vor.u32 $0x280, v8;
	[tilespmem:s20+$0x110] =	vst v2  }
0x1cd: {  	v41 =	vld.idx.msk [tilespmem:v10+s25+$0x0], $0xffff;
	v42 =	vor.u32 $0x300, v8;
	v15 =	vshll.u32 v1, $0x3;
	[tilespmem:s20+$0x190] =	vst v4  }
0x1ce: {  	v43 =	vld.idx.msk [tilespmem:v9+s25+$0x0], $0xffff;
	v44 =	vor.u32 $0x380, v8;
	v45 =	vand.u32 $0x7F, v1;
	[tilespmem:s20+$0x10] =	vst v0;
	v46 =	vand.u32 $0xFFFFFC00, v15  }
0x1cf: {  	[tilespmem:s20+$0x210] =	vst v5;
	v1 =	vor.u32 v45, v46;
	v47 =	vld.idx.msk [tilespmem:v11+s25+$0x0], $0xffff  }
0x1d0: {  	s2 =	sadd.s32 $0x100, s17;
	[tilespmem:s20+$0x290] =	vst v7;
	v9 =	vor.u32 $0x80, v1;
	v48 =	vld.idx.msk [tilespmem:v12+s25+$0x0], $0xffff  }
0x1d1: {  	s3 =	sand.u32 $0x60, s18;
	s7 =	sand.u32 $0x3C00, s2;
	v50 =	vor.u32 $0x100, v1;
	[tilespmem:s23+$0x15000] =	vst v3;
	v49 =	vld.idx.msk [tilespmem:v14+s25+$0x0], $0xffff  }
0x1d2: {  	s3 =	sor.u32 s3, s7;
	v52 =	vor.u32 $0x180, v1;
	[tilespmem:s22+$0x15000] =	vst v6;
	v51 =	vld.idx.msk [tilespmem:v42+s25+$0x0], $0xffff  }
0x1d3: {  	v54 =	vor.u32 $0x200, v1;
	s7 =	sadd.s32 $0x15000, s3;
	v53 =	vld.idx.msk [tilespmem:v44+s25+$0x0], $0xffff;
	[tilespmem:s3+$0x15000] =	vst v13  }
0x1d4: {  	s20 =	sadd.s32 $0x1, s19;
	v56 =	vor.u32 $0x280, v1;
	[tilespmem:s7+$0x80] =	vst v41;
	v55 =	vld.idx.msk [tilespmem:v1+s25+$0x0], $0xffff  }
0x1d5: {  	v58 =	vor.u32 $0x300, v1;
	s3 =	sand.u32 $0x3, s20;
	[tilespmem:s7+$0x100] =	vst v43;
	v57 =	vld.idx.msk [tilespmem:v9+s25+$0x0], $0xffff  }
0x1d6: {  	s3 =	sshll.u32 s3, $0x5;
	v1 =	vor.u32 $0x380, v1;
	v59 =	vld.idx.msk [tilespmem:v50+s25+$0x0], $0xffff;
	[tilespmem:s7+$0x180] =	vst v47  }
0x1d7: {  	s2 =	sadd.s32 s3, s2;
	v60 =	vld.idx.msk [tilespmem:v52+s25+$0x0], $0xffff;
	[tilespmem:s7+$0x200] =	vst v48  }
0x1d8: {  	v61 =	vld.idx.msk [tilespmem:v54+s25+$0x0], $0xffff;
	s3 =	sor.u32 $0x300, s2;
	[tilespmem:s7+$0x280] =	vst v49  }
0x1d9: {  	v62 =	vld.idx.msk [tilespmem:v56+s25+$0x0], $0xffff;
	s21 =	sor.u32 $0x380, s2;
	[tilespmem:s3+$0x15000] =	vst v51  }
0x1da: {  	v63 =	vld.idx.msk [tilespmem:v58+s25+$0x0], $0xffff;
	[tilespmem:s21+$0x15000] =	vst v53  }
0x1db: {  	v1 =	vld.idx.msk [tilespmem:v1+s25+$0x0], $0xffff;
	[tilespmem:s7+$0x10] =	vst v55  }
0x1dc: {  	[tilespmem:s7+$0x90] =	vst v57  }
0x1dd: {  	[tilespmem:s7+$0x110] =	vst v59  }
0x1de: {  	[tilespmem:s7+$0x190] =	vst v60  }
0x1df: {  	s11 =	sadd.s32 $0x1, s11;
	s2 =	sadd.s32 $0x10, s2;
	[tilespmem:s7+$0x210] =	vst v61  }
0x1e0: {  	p0 =	sne.s32 s11, $0xE;
	s22 =	sor.u32 $0x300, s2;
	[tilespmem:s7+$0x290] =	vst v62  }
.Ltmp6:
0x1e1: {  	s24 =	sadd.s32 s12, s15;
	s2 =	sor.u32 $0x380, s2;
	[tilespmem:s22+$0x15000] =	vst v63;
	(pc) =	sbr.rel @p0 .LBB2_6-.Ltmp6, $4  }
0x1e2: {  	s23 =	sadd.s32 s16, s10;
	[tilespmem:s2+$0x15000] =	vst v1;
	s2 =	sshll.u32 s24, $0x9  }
0x1e3: {  	[hbm4b:s23+s5] =	stream.linear.scatter [tilespmem:s30], [sflag:$0x4], $0x4000, $0x38;
	[tilespmem:$0x19000] =	vst v63  }
0x1e4: {  	s2 =	sadd.s32 s4, s2  }
0x1e5: {  	[tilespmem:s25], [sflag:$0x1] =	stream.linear.gather [hbm4b:s2+s5], $0x8000, $0x38;
	[tilespmem:$0x19000] =	vst v63  }
0x1e6: {  	_ =	swait.ge [sflag:s31], $0x8000  }
0x1e7: {  	[sflag:s31] =	ssyncset.done $0x0  }
0x1e8: {  	s11 =	simm.s32 $0x0;
	[sflag:s31] =	ssyncadd.s32 $0xFFFF8000  }
0x1e9: {  	s2 =	sand.u32 $0x60, s11;
	_ =	swait.ge [sflag:s0], $0x4000  }
0x1ea: {  	s7 =	sand.u32 $0x780, s11;
	s3 =	sor.u32 $0x10, s2;
	[sflag:s0] =	ssyncset.done $0x0  }
0x1eb: {  	s7 =	sor.u32 s3, s7;
	[sflag:s0] =	ssyncadd.s32 $0xFFFFC000  }
0x1ec: {  	v0 =	vld [tilespmem:s7+$0x0];
	_ =	sdelay $0x4  }
0x1ed: {  	v1 =	vshll.u32 v0, $0x3  }
0x1ee: {  	v0 =	vand.u32 $0x7F, v0;
	v1 =	vand.u32 $0xFFFFFC00, v1  }
0x1ef: {  	s16 =	simm.s32 $0x20;
	v0 =	vor.u32 v0, v1  }
0x1f0: {  	s8 =	sand.u32 $0x60, s16;
	v1 =	vor.u32 $0x80, v0  }
0x1f1: {  	s21 =	sand.u32 $0x780, s16;
	s12 =	sor.u32 $0x10, s8;
	v2 =	vld [tilespmem:s11+$0x0];
	v3 =	vor.u32 $0x100, v0  }
0x1f2: {  	s7 =	sor.u32 s12, s21;
	v4 =	vor.u32 $0x180, v0  }
0x1f3: {  	v6 =	vld [tilespmem:s7+$0x0];
	v5 =	vor.u32 $0x200, v0  }
0x1f4: {  	v8 =	vor.u32 $0x280, v0;
	v7 =	vld.idx.msk [tilespmem:v0+s26+$0x0], $0xffff  }
0x1f5: {  	v9 =	vld.idx.msk [tilespmem:v1+s26+$0x0], $0xffff;
	v1 =	vor.u32 $0x300, v0  }
0x1f6: {  	v10 =	vshll.u32 v2, $0x3;
	v11 =	vld.idx.msk [tilespmem:v3+s26+$0x0], $0xffff;
	v0 =	vor.u32 $0x380, v0  }
0x1f7: {  	v2 =	vand.u32 $0x7F, v2;
	v3 =	vand.u32 $0xFFFFFC00, v10;
	v10 =	vld.idx.msk [tilespmem:v4+s26+$0x0], $0xffff  }
0x1f8: {  	v13 =	vld.idx.msk [tilespmem:v5+s26+$0x0], $0xffff;
	v12 =	vor.u32 v2, v3  }
0x1f9: {  	s22 =	sand.u32 $0x3C00, s11;
	v8 =	vld.idx.msk [tilespmem:v8+s26+$0x0], $0xffff;
	v3 =	vor.u32 $0x80, v12  }
0x1fa: {  	s7 =	sadd.s32 $0x11000, s22;
	v4 =	vor.u32 $0x100, v12;
	v14 =	vld.idx.msk [tilespmem:v1+s26+$0x0], $0xffff  }
0x1fb: {  	s3 =	sor.u32 s3, s7;
	v5 =	vor.u32 $0x180, v12;
	v2 =	vld.idx.msk [tilespmem:v0+s26+$0x0], $0xffff  }
0x1fc: {  	v15 =	vor.u32 $0x200, v12;
	v0 =	vld [tilespmem:s16+$0x0];
	[tilespmem:s3+$0x0] =	vst v7  }
0x1fd: {  	s9 =	sand.u32 $0x3, s11;
	v16 =	vor.u32 $0x280, v12;
	[tilespmem:s3+$0x80] =	vst v9;
	v1 =	vld.idx.msk [tilespmem:v12+s26+$0x0], $0xffff  }
0x1fe: {  	s9 =	sshll.u32 s9, $0x5;
	[tilespmem:s3+$0x180] =	vst v10;
	v10 =	vor.u32 $0x300, v12;
	v3 =	vld.idx.msk [tilespmem:v3+s26+$0x0], $0xffff  }
0x1ff: {  	s9 =	sadd.s32 $0x0, s9;
	[tilespmem:s3+$0x100] =	vst v11;
	v9 =	vor.u32 $0x380, v12;
	v4 =	vld.idx.msk [tilespmem:v4+s26+$0x0], $0xffff  }
0x200: {  	s19 =	simm.s32 $0x2;
	s20 =	simm.s32 $0x40;
	s23 =	sadd.s32 $0x10, s9;
	v7 =	vshll.u32 v6, $0x3;
	[tilespmem:s3+$0x200] =	vst v13;
	v5 =	vld.idx.msk [tilespmem:v5+s26+$0x0], $0xffff  }
0x201: {  	s17 =	simm.s32 $0x0;
	s24 =	sor.u32 $0x300, s23;
	s21 =	sor.u32 $0x380, s23;
	v11 =	vand.u32 $0x7F, v6;
	[tilespmem:s3+$0x280] =	vst v8;
	v7 =	vand.u32 $0xFFFFFC00, v7;
	v6 =	vld.idx.msk [tilespmem:v15+s26+$0x0], $0xffff  }
0x202: {  	s18 =	sor.u32 s2, s7;
	s7 =	sor.u32 $0x300, s9;
	s9 =	sor.u32 $0x380, s9;
	v7 =	vor.u32 v11, v7;
	v8 =	vld.idx.msk [tilespmem:v16+s26+$0x0], $0xffff;
	[tilespmem:s24+$0x11000] =	vst v14  }
.LBB2_16:
0x203: {  	s2 =	sand.u32 $0x60, s20;
	v11 =	vor.u32 $0x80, v7;
	v10 =	vld.idx.msk [tilespmem:v10+s26+$0x0], $0xffff;
	[tilespmem:s21+$0x11000] =	vst v2  }
0x204: {  	s21 =	sand.u32 $0x780, s20;
	v2 =	vor.u32 $0x100, v7;
	s16 =	sadd.s32 $0x20, s16;
	s3 =	sor.u32 $0x10, s2;
	v9 =	vld.idx.msk [tilespmem:v9+s26+$0x0], $0xffff;
	[tilespmem:s18+$0x80] =	vst v3  }
0x205: {  	v12 =	vor.u32 $0x180, v7;
	v3 =	vld [tilespmem:s16+$0x0];
	s21 =	sor.u32 s3, s21;
	[tilespmem:s18+$0x100] =	vst v4  }
0x206: {  	v4 =	vor.u32 $0x200, v7;
	v13 =	vld [tilespmem:s21+$0x0];
	[tilespmem:s18+$0x180] =	vst v5  }
0x207: {  	v14 =	vor.u32 $0x280, v7;
	v5 =	vld.idx.msk [tilespmem:v7+s26+$0x0], $0xffff;
	[tilespmem:s18+$0x200] =	vst v6  }
0x208: {  	v15 =	vor.u32 $0x300, v7;
	v6 =	vshll.u32 v0, $0x3;
	v11 =	vld.idx.msk [tilespmem:v11+s26+$0x0], $0xffff;
	[tilespmem:s18+$0x280] =	vst v8  }
0x209: {  	v16 =	vand.u32 $0x7F, v0;
	v6 =	vand.u32 $0xFFFFFC00, v6;
	v8 =	vld.idx.msk [tilespmem:v2+s26+$0x0], $0xffff;
	v2 =	vor.u32 $0x380, v7;
	[tilespmem:s18+$0x0] =	vst v1  }
0x20a: {  	s11 =	sadd.s32 $0x100, s11;
	v6 =	vor.u32 v16, v6;
	v7 =	vld.idx.msk [tilespmem:v12+s26+$0x0], $0xffff;
	[tilespmem:s7+$0x11000] =	vst v10;
	v0 =	vmov v3  }
0x20b: {  	v3 =	vor.u32 $0x80, v6;
	s7 =	sand.u32 $0x3C00, s11;
	v12 =	vld.idx.msk [tilespmem:v4+s26+$0x0], $0xffff;
	[tilespmem:s9+$0x11000] =	vst v9  }
0x20c: {  	v4 =	vor.u32 $0x100, v6;
	s7 =	sadd.s32 $0x11000, s7;
	v14 =	vld.idx.msk [tilespmem:v14+s26+$0x0], $0xffff  }
0x20d: {  	v16 =	vor.u32 $0x180, v6;
	s18 =	sor.u32 s8, s7;
	s21 =	sor.u32 s12, s7;
	s8 =	smov.u32 s2;
	v15 =	vld.idx.msk [tilespmem:v15+s26+$0x0], $0xffff  }
0x20e: {  	s17 =	sadd.s32 $0x1, s17;
	s19 =	sadd.s32 $0x2, s19;
	v17 =	vor.u32 $0x200, v6;
	s12 =	smov.u32 s3;
	v2 =	vld.idx.msk [tilespmem:v2+s26+$0x0], $0xffff;
	[tilespmem:s21+$0x0] =	vst v5  }
0x20f: {  	p0 =	slt.u32 s19, $0x7E;
	v18 =	vor.u32 $0x280, v6;
	s2 =	sand.u32 $0x3, s17;
	v1 =	vld.idx.msk [tilespmem:v6+s26+$0x0], $0xffff;
	[tilespmem:s21+$0x80] =	vst v11  }
.Ltmp7:
0x210: {  	v10 =	vor.u32 $0x300, v6;
	s2 =	sshll.u32 s2, $0x5;
	v3 =	vld.idx.msk [tilespmem:v3+s26+$0x0], $0xffff;
	[tilespmem:s21+$0x100] =	vst v8;
	(pc) =	sbr.rel @p0 .LBB2_16-.Ltmp7, $4  }
0x211: {  	v9 =	vor.u32 $0x380, v6;
	s2 =	sadd.s32 s2, s11;
	v4 =	vld.idx.msk [tilespmem:v4+s26+$0x0], $0xffff;
	[tilespmem:s21+$0x180] =	vst v7  }
0x212: {  	v6 =	vshll.u32 v13, $0x3;
	s7 =	sor.u32 $0x300, s2;
	s3 =	sadd.s32 $0x10, s2;
	v5 =	vld.idx.msk [tilespmem:v16+s26+$0x0], $0xffff;
	[tilespmem:s21+$0x200] =	vst v12  }
0x213: {  	s9 =	sor.u32 $0x380, s2;
	v8 =	vand.u32 $0xFFFFFC00, v6;
	s2 =	sor.u32 $0x300, s3;
	v7 =	vand.u32 $0x7F, v13;
	v6 =	vld.idx.msk [tilespmem:v17+s26+$0x0], $0xffff;
	[tilespmem:s21+$0x280] =	vst v14  }
0x214: {  	s20 =	sadd.s32 $0x20, s20;
	v7 =	vor.u32 v7, v8;
	s21 =	sor.u32 $0x380, s3;
	v8 =	vld.idx.msk [tilespmem:v18+s26+$0x0], $0xffff;
	[tilespmem:s2+$0x11000] =	vst v15  }
0x215: {  	_ =	sdelay $0x1  }
0x216: {  	v11 =	vor.u32 $0x80, v7  }
0x217: {  	v12 =	vor.u32 $0x100, v7  }
0x218: {  	v10 =	vld.idx.msk [tilespmem:v10+s26+$0x0], $0xffff;
	v13 =	vor.u32 $0x180, v7  }
0x219: {  	[tilespmem:s21+$0x11000] =	vst v2;
	v2 =	vld.idx.msk [tilespmem:v9+s26+$0x0], $0xffff;
	v9 =	vor.u32 $0x200, v7  }
0x21a: {  	[tilespmem:s18+$0x80] =	vst v3;
	v3 =	vld.idx.msk [tilespmem:v7+s26+$0x0], $0xffff;
	v14 =	vor.u32 $0x280, v7  }
0x21b: {  	v15 =	vor.u32 $0x300, v7;
	[tilespmem:s18+$0x100] =	vst v4;
	v4 =	vshll.u32 v0, $0x3;
	v11 =	vld.idx.msk [tilespmem:v11+s26+$0x0], $0xffff  }
0x21c: {  	v7 =	vor.u32 $0x380, v7;
	v0 =	vand.u32 $0x7F, v0;
	[tilespmem:s18+$0x180] =	vst v5;
	v4 =	vand.u32 $0xFFFFFC00, v4;
	v5 =	vld.idx.msk [tilespmem:v12+s26+$0x0], $0xffff  }
0x21d: {  	s2 =	sadd.s32 $0x100, s11;
	[tilespmem:s18+$0x0] =	vst v1;
	v0 =	vor.u32 v0, v4;
	v4 =	vld.idx.msk [tilespmem:v13+s26+$0x0], $0xffff  }
0x21e: {  	s3 =	sand.u32 $0x3C00, s2;
	[tilespmem:s18+$0x280] =	vst v8;
	v8 =	vld.idx.msk [tilespmem:v9+s26+$0x0], $0xffff  }
0x21f: {  	s3 =	sadd.s32 $0x11000, s3;
	[tilespmem:s18+$0x200] =	vst v6;
	v6 =	vor.u32 $0x80, v0;
	v9 =	vld.idx.msk [tilespmem:v14+s26+$0x0], $0xffff  }
0x220: {  	s22 =	sor.u32 s12, s3;
	v1 =	vor.u32 $0x100, v0;
	[tilespmem:s7+$0x11000] =	vst v10;
	v58 =	vld.idx.msk [tilespmem:v15+s26+$0x0], $0xffff  }
0x221: {  	v10 =	vor.u32 $0x180, v0;
	v7 =	vld.idx.msk [tilespmem:v7+s26+$0x0], $0xffff;
	[tilespmem:s22+$0x0] =	vst v3  }
0x222: {  	s23 =	sadd.s32 $0x1, s17;
	v59 =	vor.u32 $0x280, v0;
	[tilespmem:s9+$0x11000] =	vst v2  }
0x223: {  	v2 =	vor.u32 $0x200, v0;
	s9 =	sand.u32 $0x3, s23;
	v3 =	vld.idx.msk [tilespmem:v0+s26+$0x0], $0xffff;
	[tilespmem:s22+$0x80] =	vst v11  }
0x224: {  	s9 =	sshll.u32 s9, $0x5;
	v6 =	vld.idx.msk [tilespmem:v6+s26+$0x0], $0xffff;
	v11 =	vor.u32 $0x300, v0;
	[tilespmem:s22+$0x100] =	vst v5  }
0x225: {  	s2 =	sadd.s32 s9, s2;
	v1 =	vld.idx.msk [tilespmem:v1+s26+$0x0], $0xffff;
	v0 =	vor.u32 $0x380, v0;
	[tilespmem:s22+$0x180] =	vst v4  }
0x226: {  	s9 =	sadd.s32 $0x10, s2;
	v4 =	vld.idx.msk [tilespmem:v10+s26+$0x0], $0xffff;
	[tilespmem:s22+$0x200] =	vst v8  }
0x227: {  	[tilespmem:s22+$0x280] =	vst v9;
	s24 =	sor.u32 $0x300, s9;
	v5 =	vld.idx.msk [tilespmem:v59+s26+$0x0], $0xffff  }
0x228: {  	s11 =	sor.u32 $0x380, s9;
	v2 =	vld.idx.msk [tilespmem:v2+s26+$0x0], $0xffff;
	[tilespmem:s24+$0x11000] =	vst v58  }
0x229: {  	s3 =	sor.u32 s8, s3;
	[tilespmem:s11+$0x11000] =	vst v7;
	v8 =	vld.idx.msk [tilespmem:v11+s26+$0x0], $0xffff  }
0x22a: {  	v0 =	vld.idx.msk [tilespmem:v0+s26+$0x0], $0xffff;
	[tilespmem:s3+$0x80] =	vst v6  }
0x22b: {  	[tilespmem:s3+$0x100] =	vst v1  }
0x22c: {  	[tilespmem:s3+$0x180] =	vst v4  }
0x22d: {  	[tilespmem:s3+$0x280] =	vst v5  }
0x22e: {  	[tilespmem:s3+$0x0] =	vst v3  }
0x22f: {  	s12 =	sor.u32 $0x300, s2;
	[tilespmem:s3+$0x200] =	vst v2  }
0x230: {  	s2 =	sor.u32 $0x380, s2;
	[tilespmem:s12+$0x11000] =	vst v8  }
0x231: {  	[tilespmem:s2+$0x11000] =	vst v0  }
0x232: {  	s8 =	simm.s32 $0x0;
	s2 =	rddreg [dreg:$0xa]  }
0x233: {  	[hbm4b:s2+s8] =	stream.linear.scatter [tilespmem:s29], [sflag:$0x3], $0x4000, $0x38;
	[tilespmem:$0x19000] =	vst v63  }
0x234: {  	_ =	swait.ge [sflag:s1], $0x4000  }
0x235: {  	[sflag:s1] =	ssyncset.done $0x0  }
0x236: {  	s16 =	sand.u32 $0x7E0, s8;
	[sflag:s1] =	ssyncadd.s32 $0xFFFFC000  }
0x237: {  	v0 =	vld [tilespmem:s16+$0x800];
	_ =	sdelay $0x4  }
0x238: {  	v1 =	vshll.u32 v0, $0x3  }
0x239: {  	v0 =	vand.u32 $0x7F, v0;
	v1 =	vand.u32 $0xFFFFFC00, v1  }
0x23a: {  	s17 =	simm.s32 $0x810;
	v0 =	vor.u32 v0, v1  }
0x23b: {  	v1 =	vld [tilespmem:s17+$0x0];
	v2 =	vor.u32 $0x80, v0  }
0x23c: {  	s11 =	simm.s32 $0x20;
	v3 =	vor.u32 $0x100, v0  }
0x23d: {  	s18 =	sand.u32 $0x7E0, s11;
	v4 =	vor.u32 $0x180, v0  }
0x23e: {  	v6 =	vld [tilespmem:s18+$0x800];
	v5 =	vor.u32 $0x200, v0  }
0x23f: {  	v8 =	vor.u32 $0x280, v0;
	v7 =	vld.idx.msk [tilespmem:v0+s26+$0x0], $0xffff  }
0x240: {  	v9 =	vor.u32 $0x300, v0;
	v10 =	vshll.u32 v1, $0x3;
	v2 =	vld.idx.msk [tilespmem:v2+s26+$0x0], $0xffff  }
0x241: {  	v0 =	vor.u32 $0x380, v0;
	v1 =	vand.u32 $0x7F, v1;
	v3 =	vld.idx.msk [tilespmem:v3+s26+$0x0], $0xffff;
	v10 =	vand.u32 $0xFFFFFC00, v10  }
0x242: {  	v4 =	vld.idx.msk [tilespmem:v4+s26+$0x0], $0xffff;
	v1 =	vor.u32 v1, v10  }
0x243: {  	v5 =	vld.idx.msk [tilespmem:v5+s26+$0x0], $0xffff;
	v10 =	vor.u32 $0x80, v1  }
0x244: {  	v8 =	vld.idx.msk [tilespmem:v8+s26+$0x0], $0xffff;
	v11 =	vor.u32 $0x100, v1  }
0x245: {  	s19 =	sand.u32 $0x60, s8;
	s20 =	sand.u32 $0x3C00, s8;
	v9 =	vld.idx.msk [tilespmem:v9+s26+$0x0], $0xffff;
	v60 =	vor.u32 $0x180, v1  }
0x246: {  	s2 =	sor.u32 s19, s20;
	v62 =	vor.u32 $0x200, v1;
	v61 =	vld.idx.msk [tilespmem:v0+s26+$0x0], $0xffff  }
0x247: {  	[tilespmem:s2+$0x15000] =	vst v7;
	v7 =	vor.u32 $0x280, v1;
	v0 =	vld.idx.msk [tilespmem:v1+s26+$0x0], $0xffff  }
0x248: {  	s16 =	sadd.s32 $0x15000, s2;
	v63 =	vld.idx.msk [tilespmem:v10+s26+$0x0], $0xffff;
	v10 =	vor.u32 $0x300, v1  }
0x249: {  	[tilespmem:s16+$0x80] =	vst v2;
	v2 =	vld.idx.msk [tilespmem:v11+s26+$0x0], $0xffff;
	v1 =	vor.u32 $0x380, v1  }
0x24a: {  	s21 =	sand.u32 $0x3, s8;
	[tilespmem:s16+$0x180] =	vst v4;
	v4 =	vld.idx.msk [tilespmem:v60+s26+$0x0], $0xffff  }
0x24b: {  	s2 =	sshll.u32 s21, $0x5;
	[tilespmem:s16+$0x200] =	vst v5;
	v5 =	vld.idx.msk [tilespmem:v62+s26+$0x0], $0xffff  }
0x24c: {  	[tilespmem:s16+$0x100] =	vst v3;
	s2 =	sadd.s32 $0x0, s2;
	v3 =	vshll.u32 v6, $0x3;
	v7 =	vld.idx.msk [tilespmem:v7+s26+$0x0], $0xffff  }
0x24d: {  	[tilespmem:s16+$0x280] =	vst v8;
	v6 =	vand.u32 $0x7F, v6;
	s22 =	sor.u32 $0x300, s2;
	v8 =	vand.u32 $0xFFFFFC00, v3;
	v3 =	vld.idx.msk [tilespmem:v10+s26+$0x0], $0xffff  }
0x24e: {  	s23 =	simm.s32 $0x830;
	s24 =	sadd.s32 $0x10, s2;
	s2 =	sor.u32 $0x380, s2;
	[tilespmem:s22+$0x15000] =	vst v9;
	v8 =	vor.u32 v6, v8;
	v6 =	vld.idx.msk [tilespmem:v1+s26+$0x0], $0xffff  }
0x24f: {  	s7 =	simm.s32 $0x850;
	s9 =	simm.s32 $0x40;
	s12 =	simm.s32 $0x0;
	[tilespmem:s2+$0x15000] =	vst v61;
	v1 =	vld [tilespmem:s23+$0x0];
	v10 =	vor.u32 $0x80, v8  }
0x250: {  	s17 =	simm.s32 $0x2;
	s19 =	sor.u32 $0x300, s24;
	s18 =	sor.u32 $0x380, s24;
	v9 =	vor.u32 $0x100, v8;
	[tilespmem:s16+$0x90] =	vst v63  }
.LBB2_18:
0x251: {  	s2 =	sand.u32 $0x7E0, s9;
	v11 =	vld [tilespmem:s7+$0x0];
	v12 =	vor.u32 $0x180, v8;
	[tilespmem:s16+$0x110] =	vst v2  }
0x252: {  	v2 =	vor.u32 $0x200, v8;
	v13 =	vld [tilespmem:s2+$0x800];
	[tilespmem:s16+$0x190] =	vst v4  }
0x253: {  	v14 =	vor.u32 $0x280, v8;
	v4 =	vld.idx.msk [tilespmem:v8+s26+$0x0], $0xffff;
	[tilespmem:s16+$0x210] =	vst v5  }
0x254: {  	v15 =	vshll.u32 v1, $0x3;
	v5 =	vld.idx.msk [tilespmem:v10+s26+$0x0], $0xffff;
	v10 =	vor.u32 $0x300, v8;
	[tilespmem:s16+$0x290] =	vst v7  }
0x255: {  	v16 =	vand.u32 $0x7F, v1;
	v8 =	vor.u32 $0x380, v8;
	v7 =	vld.idx.msk [tilespmem:v9+s26+$0x0], $0xffff;
	v9 =	vand.u32 $0xFFFFFC00, v15;
	[tilespmem:s16+$0x10] =	vst v0  }
0x256: {  	v12 =	vld.idx.msk [tilespmem:v12+s26+$0x0], $0xffff;
	v9 =	vor.u32 v16, v9;
	[tilespmem:s19+$0x15000] =	vst v3;
	v1 =	vmov v11  }
0x257: {  	s8 =	sadd.s32 $0x100, s8;
	v3 =	vld.idx.msk [tilespmem:v2+s26+$0x0], $0xffff;
	v2 =	vor.u32 $0x80, v9;
	[tilespmem:s18+$0x15000] =	vst v6  }
0x258: {  	s2 =	sand.u32 $0x60, s11;
	s3 =	sand.u32 $0x3C00, s8;
	s11 =	smov.u32 s9;
	v11 =	vor.u32 $0x100, v9;
	v6 =	vld.idx.msk [tilespmem:v14+s26+$0x0], $0xffff  }
0x259: {  	s2 =	sor.u32 s2, s3;
	v14 =	vor.u32 $0x180, v9;
	v10 =	vld.idx.msk [tilespmem:v10+s26+$0x0], $0xffff  }
0x25a: {  	s16 =	sadd.s32 $0x15000, s2;
	v15 =	vld.idx.msk [tilespmem:v8+s26+$0x0], $0xffff;
	[tilespmem:s2+$0x15000] =	vst v4;
	v8 =	vor.u32 $0x200, v9  }
0x25b: {  	s12 =	sadd.s32 $0x1, s12;
	v16 =	vor.u32 $0x280, v9;
	[tilespmem:s16+$0x80] =	vst v5;
	v0 =	vld.idx.msk [tilespmem:v9+s26+$0x0], $0xffff  }
0x25c: {  	s17 =	sadd.s32 $0x2, s17;
	v18 =	vor.u32 $0x300, v9;
	s2 =	sand.u32 $0x3, s12;
	[tilespmem:s16+$0x100] =	vst v7;
	v17 =	vld.idx.msk [tilespmem:v2+s26+$0x0], $0xffff  }
0x25d: {  	p0 =	slt.u32 s17, $0x7E;
	s2 =	sshll.u32 s2, $0x5;
	[tilespmem:s16+$0x180] =	vst v12;
	v2 =	vld.idx.msk [tilespmem:v11+s26+$0x0], $0xffff;
	v11 =	vor.u32 $0x380, v9  }
.Ltmp8:
0x25e: {  	v5 =	vshll.u32 v13, $0x3;
	s2 =	sadd.s32 s2, s8;
	[tilespmem:s16+$0x200] =	vst v3;
	v4 =	vld.idx.msk [tilespmem:v14+s26+$0x0], $0xffff;
	(pc) =	sbr.rel @p0 .LBB2_18-.Ltmp8, $4  }
0x25f: {  	v7 =	vand.u32 $0xFFFFFC00, v5;
	s3 =	sor.u32 $0x300, s2;
	s18 =	sadd.s32 $0x10, s2;
	v3 =	vand.u32 $0x7F, v13;
	[tilespmem:s16+$0x280] =	vst v6;
	v5 =	vld.idx.msk [tilespmem:v8+s26+$0x0], $0xffff  }
0x260: {  	s2 =	sor.u32 $0x380, s2;
	s19 =	sor.u32 $0x300, s18;
	v8 =	vor.u32 v3, v7;
	[tilespmem:s3+$0x15000] =	vst v10;
	v7 =	vld.idx.msk [tilespmem:v16+s26+$0x0], $0xffff  }
0x261: {  	s18 =	sor.u32 $0x380, s18;
	v10 =	vor.u32 $0x80, v8;
	[tilespmem:s2+$0x15000] =	vst v15;
	v3 =	vld.idx.msk [tilespmem:v18+s26+$0x0], $0xffff  }
0x262: {  	s7 =	sadd.s32 $0x20, s7;
	s9 =	sadd.s32 $0x20, s9;
	v9 =	vor.u32 $0x100, v8;
	v6 =	vld.idx.msk [tilespmem:v11+s26+$0x0], $0xffff;
	[tilespmem:s16+$0x90] =	vst v17  }
0x263: {  	_ =	sdelay $0x1  }
0x264: {  	v11 =	vor.u32 $0x180, v8  }
0x265: {  	v12 =	vor.u32 $0x200, v8  }
0x266: {  	v13 =	vld.idx.msk [tilespmem:v8+s26+$0x0], $0xffff;
	v14 =	vor.u32 $0x280, v8;
	[tilespmem:s16+$0x110] =	vst v2  }
0x267: {  	v2 =	vld.idx.msk [tilespmem:v10+s26+$0x0], $0xffff;
	v10 =	vor.u32 $0x300, v8;
	v15 =	vshll.u32 v1, $0x3;
	[tilespmem:s16+$0x190] =	vst v4  }
0x268: {  	v4 =	vld.idx.msk [tilespmem:v9+s26+$0x0], $0xffff;
	v8 =	vor.u32 $0x380, v8;
	v1 =	vand.u32 $0x7F, v1;
	[tilespmem:s16+$0x10] =	vst v0;
	v9 =	vand.u32 $0xFFFFFC00, v15  }
0x269: {  	[tilespmem:s16+$0x210] =	vst v5;
	v1 =	vor.u32 v1, v9;
	v5 =	vld.idx.msk [tilespmem:v11+s26+$0x0], $0xffff  }
0x26a: {  	s2 =	sadd.s32 $0x100, s8;
	[tilespmem:s16+$0x290] =	vst v7;
	v9 =	vor.u32 $0x80, v1;
	v7 =	vld.idx.msk [tilespmem:v12+s26+$0x0], $0xffff  }
0x26b: {  	s3 =	sand.u32 $0x60, s11;
	s7 =	sand.u32 $0x3C00, s2;
	[tilespmem:s19+$0x15000] =	vst v3;
	v0 =	vld.idx.msk [tilespmem:v14+s26+$0x0], $0xffff;
	v11 =	vor.u32 $0x100, v1  }
0x26c: {  	s3 =	sor.u32 s3, s7;
	[tilespmem:s18+$0x15000] =	vst v6;
	v3 =	vld.idx.msk [tilespmem:v10+s26+$0x0], $0xffff;
	v10 =	vor.u32 $0x180, v1  }
0x26d: {  	s7 =	sadd.s32 $0x15000, s3;
	v6 =	vld.idx.msk [tilespmem:v8+s26+$0x0], $0xffff;
	v8 =	vor.u32 $0x200, v1;
	[tilespmem:s3+$0x15000] =	vst v13  }
0x26e: {  	s11 =	sadd.s32 $0x1, s12;
	v59 =	vor.u32 $0x280, v1;
	[tilespmem:s7+$0x80] =	vst v2;
	v58 =	vld.idx.msk [tilespmem:v1+s26+$0x0], $0xffff  }
0x26f: {  	s3 =	sand.u32 $0x3, s11;
	[tilespmem:s7+$0x100] =	vst v4;
	v2 =	vld.idx.msk [tilespmem:v9+s26+$0x0], $0xffff;
	v9 =	vor.u32 $0x300, v1  }
0x270: {  	s3 =	sshll.u32 s3, $0x5;
	v1 =	vor.u32 $0x380, v1;
	v4 =	vld.idx.msk [tilespmem:v11+s26+$0x0], $0xffff;
	[tilespmem:s7+$0x180] =	vst v5  }
0x271: {  	s2 =	sadd.s32 s3, s2;
	v5 =	vld.idx.msk [tilespmem:v10+s26+$0x0], $0xffff;
	[tilespmem:s7+$0x200] =	vst v7  }
0x272: {  	s3 =	sor.u32 $0x300, s2;
	v7 =	vld.idx.msk [tilespmem:v8+s26+$0x0], $0xffff;
	[tilespmem:s7+$0x280] =	vst v0  }
0x273: {  	s12 =	sor.u32 $0x380, s2;
	v0 =	vld.idx.msk [tilespmem:v59+s26+$0x0], $0xffff;
	[tilespmem:s3+$0x15000] =	vst v3  }
0x274: {  	[tilespmem:s12+$0x15000] =	vst v6;
	v3 =	vld.idx.msk [tilespmem:v9+s26+$0x0], $0xffff  }
0x275: {  	v1 =	vld.idx.msk [tilespmem:v1+s26+$0x0], $0xffff;
	[tilespmem:s7+$0x90] =	vst v2  }
0x276: {  	[tilespmem:s7+$0x10] =	vst v58  }
0x277: {  	[tilespmem:s7+$0x110] =	vst v4  }
0x278: {  	[tilespmem:s7+$0x190] =	vst v5  }
0x279: {  	s2 =	sadd.s32 $0x10, s2;
	[tilespmem:s7+$0x210] =	vst v7  }
0x27a: {  	s16 =	sor.u32 $0x300, s2;
	[tilespmem:s7+$0x290] =	vst v0  }
0x27b: {  	s2 =	sor.u32 $0x380, s2;
	[tilespmem:s16+$0x15000] =	vst v3  }
0x27c: {  	[tilespmem:s2+$0x15000] =	vst v1  }
0x27d: {  	s11 =	simm.s32 $0x0;
	s2 =	rddreg [dreg:$0xb]  }
0x27e: {  	[hbm4b:s2+s11] =	stream.linear.scatter [tilespmem:s30], [sflag:$0x4], $0x4000, $0x38;
	[tilespmem:$0x19000] =	vst v63  }
0x27f: {  	s17 =	rddreg [dreg:$0xc]  }
0x280: {  	[tilespmem:s26], [sflag:$0x2] =	stream.linear.gather [hbm4b:s17+s11], $0x8000, $0x38;
	[tilespmem:$0x19000] =	vst v63  }
0x281: {  	_ =	swait.ge [sflag:s28], $0x8000  }
0x282: {  	[sflag:s28] =	ssyncset.done $0x0  }
0x283: {  	[sflag:s28] =	ssyncadd.s32 $0xFFFF8000  }
0x284: {  	s18 =	sand.u32 $0x60, s11;
	_ =	swait.ge [sflag:s0], $0x4000  }
0x285: {  	s20 =	sand.u32 $0x780, s11;
	s19 =	sor.u32 $0x10, s18;
	[sflag:s0] =	ssyncset.done $0x0  }
0x286: {  	s7 =	sor.u32 s19, s20;
	[sflag:s0] =	ssyncadd.s32 $0xFFFFC000  }
0x287: {  	v0 =	vld [tilespmem:s7+$0x0];
	_ =	sdelay $0x4  }
0x288: {  	v1 =	vshll.u32 v0, $0x3  }
0x289: {  	v0 =	vand.u32 $0x7F, v0;
	v1 =	vand.u32 $0xFFFFFC00, v1  }
0x28a: {  	s16 =	simm.s32 $0x20;
	v0 =	vor.u32 v0, v1  }
0x28b: {  	s8 =	sand.u32 $0x60, s16;
	v1 =	vor.u32 $0x80, v0  }
0x28c: {  	s21 =	sand.u32 $0x780, s16;
	s12 =	sor.u32 $0x10, s8;
	v2 =	vld [tilespmem:s11+$0x0];
	v3 =	vor.u32 $0x100, v0  }
0x28d: {  	s7 =	sor.u32 s12, s21;
	v4 =	vor.u32 $0x180, v0  }
0x28e: {  	v6 =	vld [tilespmem:s7+$0x0];
	v5 =	vor.u32 $0x200, v0  }
0x28f: {  	v8 =	vor.u32 $0x280, v0;
	v7 =	vld.idx.msk [tilespmem:v0+s25+$0x0], $0xffff  }
0x290: {  	v9 =	vld.idx.msk [tilespmem:v1+s25+$0x0], $0xffff;
	v1 =	vor.u32 $0x300, v0  }
0x291: {  	v10 =	vshll.u32 v2, $0x3;
	v11 =	vld.idx.msk [tilespmem:v3+s25+$0x0], $0xffff;
	v0 =	vor.u32 $0x380, v0  }
0x292: {  	v2 =	vand.u32 $0x7F, v2;
	v3 =	vand.u32 $0xFFFFFC00, v10;
	v10 =	vld.idx.msk [tilespmem:v4+s25+$0x0], $0xffff  }
0x293: {  	v61 =	vld.idx.msk [tilespmem:v5+s25+$0x0], $0xffff;
	v60 =	vor.u32 v2, v3  }
0x294: {  	s22 =	sand.u32 $0x3C00, s11;
	v8 =	vld.idx.msk [tilespmem:v8+s25+$0x0], $0xffff;
	v3 =	vor.u32 $0x80, v60  }
0x295: {  	s7 =	sadd.s32 $0x11000, s22;
	v4 =	vor.u32 $0x100, v60;
	v62 =	vld.idx.msk [tilespmem:v1+s25+$0x0], $0xffff  }
0x296: {  	s3 =	sor.u32 s19, s7;
	v5 =	vor.u32 $0x180, v60;
	v2 =	vld.idx.msk [tilespmem:v0+s25+$0x0], $0xffff  }
0x297: {  	s9 =	sand.u32 $0x3, s11;
	v63 =	vor.u32 $0x200, v60;
	v0 =	vld [tilespmem:s16+$0x0];
	[tilespmem:s3+$0x0] =	vst v7  }
0x298: {  	s9 =	sshll.u32 s9, $0x5;
	v16 =	vor.u32 $0x280, v60;
	[tilespmem:s3+$0x80] =	vst v9;
	v1 =	vld.idx.msk [tilespmem:v60+s25+$0x0], $0xffff  }
0x299: {  	s9 =	sadd.s32 $0x0, s9;
	[tilespmem:s3+$0x180] =	vst v10;
	v10 =	vor.u32 $0x300, v60;
	v3 =	vld.idx.msk [tilespmem:v3+s25+$0x0], $0xffff  }
0x29a: {  	s23 =	sadd.s32 $0x10, s9;
	[tilespmem:s3+$0x100] =	vst v11;
	v9 =	vor.u32 $0x380, v60;
	v4 =	vld.idx.msk [tilespmem:v4+s25+$0x0], $0xffff  }
0x29b: {  	s24 =	sor.u32 $0x300, s23;
	s20 =	simm.s32 $0x40;
	v7 =	vshll.u32 v6, $0x3;
	[tilespmem:s3+$0x200] =	vst v61;
	v5 =	vld.idx.msk [tilespmem:v5+s25+$0x0], $0xffff  }
0x29c: {  	s17 =	simm.s32 $0x0;
	s21 =	sor.u32 $0x380, s23;
	s18 =	sor.u32 s18, s7;
	v11 =	vand.u32 $0x7F, v6;
	[tilespmem:s3+$0x280] =	vst v8;
	v7 =	vand.u32 $0xFFFFFC00, v7;
	v6 =	vld.idx.msk [tilespmem:v63+s25+$0x0], $0xffff  }
0x29d: {  	s19 =	simm.s32 $0x2;
	s7 =	sor.u32 $0x300, s9;
	s9 =	sor.u32 $0x380, s9;
	v7 =	vor.u32 v11, v7;
	v8 =	vld.idx.msk [tilespmem:v16+s25+$0x0], $0xffff;
	[tilespmem:s24+$0x11000] =	vst v62  }
.LBB2_20:
0x29e: {  	s2 =	sand.u32 $0x60, s20;
	v11 =	vor.u32 $0x80, v7;
	v10 =	vld.idx.msk [tilespmem:v10+s25+$0x0], $0xffff;
	[tilespmem:s21+$0x11000] =	vst v2  }
0x29f: {  	s21 =	sand.u32 $0x780, s20;
	v2 =	vor.u32 $0x100, v7;
	s16 =	sadd.s32 $0x20, s16;
	s3 =	sor.u32 $0x10, s2;
	v9 =	vld.idx.msk [tilespmem:v9+s25+$0x0], $0xffff;
	[tilespmem:s18+$0x80] =	vst v3  }
0x2a0: {  	v12 =	vor.u32 $0x180, v7;
	v3 =	vld [tilespmem:s16+$0x0];
	s21 =	sor.u32 s3, s21;
	[tilespmem:s18+$0x100] =	vst v4  }
0x2a1: {  	v4 =	vor.u32 $0x200, v7;
	v13 =	vld [tilespmem:s21+$0x0];
	[tilespmem:s18+$0x180] =	vst v5  }
0x2a2: {  	v14 =	vor.u32 $0x280, v7;
	v5 =	vld.idx.msk [tilespmem:v7+s25+$0x0], $0xffff;
	[tilespmem:s18+$0x200] =	vst v6  }
0x2a3: {  	v15 =	vor.u32 $0x300, v7;
	v6 =	vshll.u32 v0, $0x3;
	v11 =	vld.idx.msk [tilespmem:v11+s25+$0x0], $0xffff;
	[tilespmem:s18+$0x280] =	vst v8  }
0x2a4: {  	v16 =	vand.u32 $0x7F, v0;
	v6 =	vand.u32 $0xFFFFFC00, v6;
	v8 =	vld.idx.msk [tilespmem:v2+s25+$0x0], $0xffff;
	v2 =	vor.u32 $0x380, v7;
	[tilespmem:s18+$0x0] =	vst v1  }
0x2a5: {  	s11 =	sadd.s32 $0x100, s11;
	v6 =	vor.u32 v16, v6;
	v7 =	vld.idx.msk [tilespmem:v12+s25+$0x0], $0xffff;
	[tilespmem:s7+$0x11000] =	vst v10;
	v0 =	vmov v3  }
0x2a6: {  	v3 =	vor.u32 $0x80, v6;
	s7 =	sand.u32 $0x3C00, s11;
	v12 =	vld.idx.msk [tilespmem:v4+s25+$0x0], $0xffff;
	[tilespmem:s9+$0x11000] =	vst v9  }
0x2a7: {  	v4 =	vor.u32 $0x100, v6;
	s7 =	sadd.s32 $0x11000, s7;
	v14 =	vld.idx.msk [tilespmem:v14+s25+$0x0], $0xffff  }
0x2a8: {  	v16 =	vor.u32 $0x180, v6;
	s18 =	sor.u32 s8, s7;
	s21 =	sor.u32 s12, s7;
	s8 =	smov.u32 s2;
	v15 =	vld.idx.msk [tilespmem:v15+s25+$0x0], $0xffff  }
0x2a9: {  	s17 =	sadd.s32 $0x1, s17;
	s19 =	sadd.s32 $0x2, s19;
	v17 =	vor.u32 $0x200, v6;
	s12 =	smov.u32 s3;
	v2 =	vld.idx.msk [tilespmem:v2+s25+$0x0], $0xffff;
	[tilespmem:s21+$0x0] =	vst v5  }
0x2aa: {  	p0 =	slt.u32 s19, $0x7E;
	v18 =	vor.u32 $0x280, v6;
	s2 =	sand.u32 $0x3, s17;
	v1 =	vld.idx.msk [tilespmem:v6+s25+$0x0], $0xffff;
	[tilespmem:s21+$0x80] =	vst v11  }
.Ltmp9:
0x2ab: {  	v10 =	vor.u32 $0x300, v6;
	s2 =	sshll.u32 s2, $0x5;
	v3 =	vld.idx.msk [tilespmem:v3+s25+$0x0], $0xffff;
	[tilespmem:s21+$0x100] =	vst v8;
	(pc) =	sbr.rel @p0 .LBB2_20-.Ltmp9, $4  }
0x2ac: {  	v9 =	vor.u32 $0x380, v6;
	s2 =	sadd.s32 s2, s11;
	v4 =	vld.idx.msk [tilespmem:v4+s25+$0x0], $0xffff;
	[tilespmem:s21+$0x180] =	vst v7  }
0x2ad: {  	v6 =	vshll.u32 v13, $0x3;
	s7 =	sor.u32 $0x300, s2;
	s3 =	sadd.s32 $0x10, s2;
	v5 =	vld.idx.msk [tilespmem:v16+s25+$0x0], $0xffff;
	[tilespmem:s21+$0x200] =	vst v12  }
0x2ae: {  	s9 =	sor.u32 $0x380, s2;
	v8 =	vand.u32 $0xFFFFFC00, v6;
	s2 =	sor.u32 $0x300, s3;
	v7 =	vand.u32 $0x7F, v13;
	v6 =	vld.idx.msk [tilespmem:v17+s25+$0x0], $0xffff;
	[tilespmem:s21+$0x280] =	vst v14  }
0x2af: {  	s20 =	sadd.s32 $0x20, s20;
	v7 =	vor.u32 v7, v8;
	s21 =	sor.u32 $0x380, s3;
	v8 =	vld.idx.msk [tilespmem:v18+s25+$0x0], $0xffff;
	[tilespmem:s2+$0x11000] =	vst v15  }
0x2b0: {  	_ =	sdelay $0x1  }
0x2b1: {  	v11 =	vor.u32 $0x80, v7  }
0x2b2: {  	v12 =	vor.u32 $0x100, v7  }
0x2b3: {  	v10 =	vld.idx.msk [tilespmem:v10+s25+$0x0], $0xffff;
	v13 =	vor.u32 $0x180, v7  }
0x2b4: {  	[tilespmem:s21+$0x11000] =	vst v2;
	v2 =	vld.idx.msk [tilespmem:v9+s25+$0x0], $0xffff;
	v9 =	vor.u32 $0x200, v7  }
0x2b5: {  	[tilespmem:s18+$0x80] =	vst v3;
	v3 =	vld.idx.msk [tilespmem:v7+s25+$0x0], $0xffff;
	v14 =	vor.u32 $0x280, v7  }
0x2b6: {  	v15 =	vor.u32 $0x300, v7;
	[tilespmem:s18+$0x100] =	vst v4;
	v4 =	vshll.u32 v0, $0x3;
	v11 =	vld.idx.msk [tilespmem:v11+s25+$0x0], $0xffff  }
0x2b7: {  	v7 =	vor.u32 $0x380, v7;
	v0 =	vand.u32 $0x7F, v0;
	[tilespmem:s18+$0x180] =	vst v5;
	v4 =	vand.u32 $0xFFFFFC00, v4;
	v5 =	vld.idx.msk [tilespmem:v12+s25+$0x0], $0xffff  }
0x2b8: {  	s2 =	sadd.s32 $0x100, s11;
	[tilespmem:s18+$0x0] =	vst v1;
	v0 =	vor.u32 v0, v4;
	v4 =	vld.idx.msk [tilespmem:v13+s25+$0x0], $0xffff  }
0x2b9: {  	s3 =	sand.u32 $0x3C00, s2;
	[tilespmem:s18+$0x280] =	vst v8;
	v8 =	vld.idx.msk [tilespmem:v9+s25+$0x0], $0xffff  }
0x2ba: {  	s3 =	sadd.s32 $0x11000, s3;
	[tilespmem:s18+$0x200] =	vst v6;
	v6 =	vor.u32 $0x80, v0;
	v9 =	vld.idx.msk [tilespmem:v14+s25+$0x0], $0xffff  }
0x2bb: {  	s22 =	sor.u32 s12, s3;
	v1 =	vor.u32 $0x100, v0;
	[tilespmem:s7+$0x11000] =	vst v10;
	v58 =	vld.idx.msk [tilespmem:v15+s25+$0x0], $0xffff  }
0x2bc: {  	v10 =	vor.u32 $0x180, v0;
	v7 =	vld.idx.msk [tilespmem:v7+s25+$0x0], $0xffff;
	[tilespmem:s22+$0x0] =	vst v3  }
0x2bd: {  	s23 =	sadd.s32 $0x1, s17;
	v59 =	vor.u32 $0x280, v0;
	[tilespmem:s9+$0x11000] =	vst v2  }
0x2be: {  	v2 =	vor.u32 $0x200, v0;
	s9 =	sand.u32 $0x3, s23;
	v3 =	vld.idx.msk [tilespmem:v0+s25+$0x0], $0xffff;
	[tilespmem:s22+$0x80] =	vst v11  }
0x2bf: {  	s9 =	sshll.u32 s9, $0x5;
	v6 =	vld.idx.msk [tilespmem:v6+s25+$0x0], $0xffff;
	v11 =	vor.u32 $0x300, v0;
	[tilespmem:s22+$0x100] =	vst v5  }
0x2c0: {  	s2 =	sadd.s32 s9, s2;
	v1 =	vld.idx.msk [tilespmem:v1+s25+$0x0], $0xffff;
	v0 =	vor.u32 $0x380, v0;
	[tilespmem:s22+$0x180] =	vst v4  }
0x2c1: {  	s9 =	sadd.s32 $0x10, s2;
	v4 =	vld.idx.msk [tilespmem:v10+s25+$0x0], $0xffff;
	[tilespmem:s22+$0x200] =	vst v8  }
0x2c2: {  	[tilespmem:s22+$0x280] =	vst v9;
	s24 =	sor.u32 $0x300, s9;
	v5 =	vld.idx.msk [tilespmem:v59+s25+$0x0], $0xffff  }
0x2c3: {  	s11 =	sor.u32 $0x380, s9;
	v2 =	vld.idx.msk [tilespmem:v2+s25+$0x0], $0xffff;
	[tilespmem:s24+$0x11000] =	vst v58  }
0x2c4: {  	s3 =	sor.u32 s8, s3;
	[tilespmem:s11+$0x11000] =	vst v7;
	v8 =	vld.idx.msk [tilespmem:v11+s25+$0x0], $0xffff  }
0x2c5: {  	v0 =	vld.idx.msk [tilespmem:v0+s25+$0x0], $0xffff;
	[tilespmem:s3+$0x80] =	vst v6  }
0x2c6: {  	[tilespmem:s3+$0x100] =	vst v1  }
0x2c7: {  	[tilespmem:s3+$0x180] =	vst v4  }
0x2c8: {  	[tilespmem:s3+$0x280] =	vst v5  }
0x2c9: {  	[tilespmem:s3+$0x0] =	vst v3  }
0x2ca: {  	s12 =	sor.u32 $0x300, s2;
	[tilespmem:s3+$0x200] =	vst v2  }
0x2cb: {  	s2 =	sor.u32 $0x380, s2;
	[tilespmem:s12+$0x11000] =	vst v8  }
0x2cc: {  	[tilespmem:s2+$0x11000] =	vst v0  }
0x2cd: {  	s8 =	simm.s32 $0x0;
	s2 =	rddreg [dreg:$0xd]  }
0x2ce: {  	[hbm4b:s2+s8] =	stream.linear.scatter [tilespmem:s29], [sflag:$0x3], $0x4000, $0x38;
	[tilespmem:$0x19000] =	vst v63  }
0x2cf: {  	_ =	swait.ge [sflag:s1], $0x4000  }
0x2d0: {  	[sflag:s1] =	ssyncset.done $0x0  }
0x2d1: {  	s16 =	sand.u32 $0x7E0, s8;
	[sflag:s1] =	ssyncadd.s32 $0xFFFFC000  }
0x2d2: {  	v0 =	vld [tilespmem:s16+$0x800];
	_ =	sdelay $0x4  }
0x2d3: {  	v1 =	vshll.u32 v0, $0x3  }
0x2d4: {  	v0 =	vand.u32 $0x7F, v0;
	v1 =	vand.u32 $0xFFFFFC00, v1  }
0x2d5: {  	s17 =	simm.s32 $0x810;
	v0 =	vor.u32 v0, v1  }
0x2d6: {  	v1 =	vld [tilespmem:s17+$0x0];
	v2 =	vor.u32 $0x80, v0  }
0x2d7: {  	s11 =	simm.s32 $0x20;
	v3 =	vor.u32 $0x100, v0  }
0x2d8: {  	s18 =	sand.u32 $0x7E0, s11;
	v4 =	vor.u32 $0x180, v0  }
0x2d9: {  	v6 =	vld [tilespmem:s18+$0x800];
	v5 =	vor.u32 $0x200, v0  }
0x2da: {  	v8 =	vor.u32 $0x280, v0;
	v7 =	vld.idx.msk [tilespmem:v0+s25+$0x0], $0xffff  }
0x2db: {  	v9 =	vor.u32 $0x300, v0;
	v10 =	vshll.u32 v1, $0x3;
	v2 =	vld.idx.msk [tilespmem:v2+s25+$0x0], $0xffff  }
0x2dc: {  	v0 =	vor.u32 $0x380, v0;
	v1 =	vand.u32 $0x7F, v1;
	v3 =	vld.idx.msk [tilespmem:v3+s25+$0x0], $0xffff;
	v10 =	vand.u32 $0xFFFFFC00, v10  }
0x2dd: {  	v4 =	vld.idx.msk [tilespmem:v4+s25+$0x0], $0xffff;
	v1 =	vor.u32 v1, v10  }
0x2de: {  	v5 =	vld.idx.msk [tilespmem:v5+s25+$0x0], $0xffff;
	v10 =	vor.u32 $0x80, v1  }
0x2df: {  	v8 =	vld.idx.msk [tilespmem:v8+s25+$0x0], $0xffff;
	v11 =	vor.u32 $0x100, v1  }
0x2e0: {  	s19 =	sand.u32 $0x60, s8;
	s20 =	sand.u32 $0x3C00, s8;
	v9 =	vld.idx.msk [tilespmem:v9+s25+$0x0], $0xffff;
	v60 =	vor.u32 $0x180, v1  }
0x2e1: {  	s2 =	sor.u32 s19, s20;
	v62 =	vor.u32 $0x200, v1;
	v61 =	vld.idx.msk [tilespmem:v0+s25+$0x0], $0xffff  }
0x2e2: {  	[tilespmem:s2+$0x15000] =	vst v7;
	v7 =	vor.u32 $0x280, v1;
	v0 =	vld.idx.msk [tilespmem:v1+s25+$0x0], $0xffff  }
0x2e3: {  	s16 =	sadd.s32 $0x15000, s2;
	v63 =	vld.idx.msk [tilespmem:v10+s25+$0x0], $0xffff;
	v10 =	vor.u32 $0x300, v1  }
0x2e4: {  	[tilespmem:s16+$0x80] =	vst v2;
	v2 =	vld.idx.msk [tilespmem:v11+s25+$0x0], $0xffff;
	v1 =	vor.u32 $0x380, v1  }
0x2e5: {  	s21 =	sand.u32 $0x3, s8;
	[tilespmem:s16+$0x180] =	vst v4;
	v4 =	vld.idx.msk [tilespmem:v60+s25+$0x0], $0xffff  }
0x2e6: {  	s2 =	sshll.u32 s21, $0x5;
	[tilespmem:s16+$0x200] =	vst v5;
	v5 =	vld.idx.msk [tilespmem:v62+s25+$0x0], $0xffff  }
0x2e7: {  	[tilespmem:s16+$0x100] =	vst v3;
	s2 =	sadd.s32 $0x0, s2;
	v3 =	vshll.u32 v6, $0x3;
	v7 =	vld.idx.msk [tilespmem:v7+s25+$0x0], $0xffff  }
0x2e8: {  	[tilespmem:s16+$0x280] =	vst v8;
	v6 =	vand.u32 $0x7F, v6;
	s22 =	sor.u32 $0x300, s2;
	v8 =	vand.u32 $0xFFFFFC00, v3;
	v3 =	vld.idx.msk [tilespmem:v10+s25+$0x0], $0xffff  }
0x2e9: {  	s23 =	simm.s32 $0x830;
	s24 =	sadd.s32 $0x10, s2;
	s2 =	sor.u32 $0x380, s2;
	[tilespmem:s22+$0x15000] =	vst v9;
	v8 =	vor.u32 v6, v8;
	v6 =	vld.idx.msk [tilespmem:v1+s25+$0x0], $0xffff  }
0x2ea: {  	s7 =	simm.s32 $0x850;
	s9 =	simm.s32 $0x40;
	s12 =	simm.s32 $0x0;
	[tilespmem:s2+$0x15000] =	vst v61;
	v1 =	vld [tilespmem:s23+$0x0];
	v10 =	vor.u32 $0x80, v8  }
0x2eb: {  	s17 =	simm.s32 $0x2;
	s19 =	sor.u32 $0x300, s24;
	s18 =	sor.u32 $0x380, s24;
	v9 =	vor.u32 $0x100, v8;
	[tilespmem:s16+$0x90] =	vst v63  }
.LBB2_22:
0x2ec: {  	s2 =	sand.u32 $0x7E0, s9;
	v11 =	vld [tilespmem:s7+$0x0];
	v12 =	vor.u32 $0x180, v8;
	[tilespmem:s16+$0x110] =	vst v2  }
0x2ed: {  	v2 =	vor.u32 $0x200, v8;
	v13 =	vld [tilespmem:s2+$0x800];
	[tilespmem:s16+$0x190] =	vst v4  }
0x2ee: {  	v14 =	vor.u32 $0x280, v8;
	v4 =	vld.idx.msk [tilespmem:v8+s25+$0x0], $0xffff;
	[tilespmem:s16+$0x210] =	vst v5  }
0x2ef: {  	v15 =	vshll.u32 v1, $0x3;
	v5 =	vld.idx.msk [tilespmem:v10+s25+$0x0], $0xffff;
	v10 =	vor.u32 $0x300, v8;
	[tilespmem:s16+$0x290] =	vst v7  }
0x2f0: {  	v16 =	vand.u32 $0x7F, v1;
	v8 =	vor.u32 $0x380, v8;
	v7 =	vld.idx.msk [tilespmem:v9+s25+$0x0], $0xffff;
	v9 =	vand.u32 $0xFFFFFC00, v15;
	[tilespmem:s16+$0x10] =	vst v0  }
0x2f1: {  	v12 =	vld.idx.msk [tilespmem:v12+s25+$0x0], $0xffff;
	v9 =	vor.u32 v16, v9;
	[tilespmem:s19+$0x15000] =	vst v3;
	v1 =	vmov v11  }
0x2f2: {  	s8 =	sadd.s32 $0x100, s8;
	v3 =	vld.idx.msk [tilespmem:v2+s25+$0x0], $0xffff;
	v2 =	vor.u32 $0x80, v9;
	[tilespmem:s18+$0x15000] =	vst v6  }
0x2f3: {  	s2 =	sand.u32 $0x60, s11;
	s3 =	sand.u32 $0x3C00, s8;
	s11 =	smov.u32 s9;
	v11 =	vor.u32 $0x100, v9;
	v6 =	vld.idx.msk [tilespmem:v14+s25+$0x0], $0xffff  }
0x2f4: {  	s2 =	sor.u32 s2, s3;
	v14 =	vor.u32 $0x180, v9;
	v10 =	vld.idx.msk [tilespmem:v10+s25+$0x0], $0xffff  }
0x2f5: {  	s16 =	sadd.s32 $0x15000, s2;
	v15 =	vld.idx.msk [tilespmem:v8+s25+$0x0], $0xffff;
	[tilespmem:s2+$0x15000] =	vst v4;
	v8 =	vor.u32 $0x200, v9  }
0x2f6: {  	s12 =	sadd.s32 $0x1, s12;
	v16 =	vor.u32 $0x280, v9;
	[tilespmem:s16+$0x80] =	vst v5;
	v0 =	vld.idx.msk [tilespmem:v9+s25+$0x0], $0xffff  }
0x2f7: {  	s17 =	sadd.s32 $0x2, s17;
	v18 =	vor.u32 $0x300, v9;
	s2 =	sand.u32 $0x3, s12;
	[tilespmem:s16+$0x100] =	vst v7;
	v17 =	vld.idx.msk [tilespmem:v2+s25+$0x0], $0xffff  }
0x2f8: {  	p0 =	slt.u32 s17, $0x7E;
	s2 =	sshll.u32 s2, $0x5;
	[tilespmem:s16+$0x180] =	vst v12;
	v2 =	vld.idx.msk [tilespmem:v11+s25+$0x0], $0xffff;
	v11 =	vor.u32 $0x380, v9  }
.Ltmp10:
0x2f9: {  	v5 =	vshll.u32 v13, $0x3;
	s2 =	sadd.s32 s2, s8;
	[tilespmem:s16+$0x200] =	vst v3;
	v4 =	vld.idx.msk [tilespmem:v14+s25+$0x0], $0xffff;
	(pc) =	sbr.rel @p0 .LBB2_22-.Ltmp10, $4  }
0x2fa: {  	v7 =	vand.u32 $0xFFFFFC00, v5;
	s3 =	sor.u32 $0x300, s2;
	s18 =	sadd.s32 $0x10, s2;
	v3 =	vand.u32 $0x7F, v13;
	[tilespmem:s16+$0x280] =	vst v6;
	v5 =	vld.idx.msk [tilespmem:v8+s25+$0x0], $0xffff  }
0x2fb: {  	s2 =	sor.u32 $0x380, s2;
	s19 =	sor.u32 $0x300, s18;
	v8 =	vor.u32 v3, v7;
	[tilespmem:s3+$0x15000] =	vst v10;
	v7 =	vld.idx.msk [tilespmem:v16+s25+$0x0], $0xffff  }
0x2fc: {  	s18 =	sor.u32 $0x380, s18;
	v10 =	vor.u32 $0x80, v8;
	[tilespmem:s2+$0x15000] =	vst v15;
	v3 =	vld.idx.msk [tilespmem:v18+s25+$0x0], $0xffff  }
0x2fd: {  	s7 =	sadd.s32 $0x20, s7;
	s9 =	sadd.s32 $0x20, s9;
	v9 =	vor.u32 $0x100, v8;
	v6 =	vld.idx.msk [tilespmem:v11+s25+$0x0], $0xffff;
	[tilespmem:s16+$0x90] =	vst v17  }
0x2fe: {  	_ =	sdelay $0x1  }
0x2ff: {  	v11 =	vor.u32 $0x180, v8  }
0x300: {  	v12 =	vor.u32 $0x200, v8  }
0x301: {  	v13 =	vld.idx.msk [tilespmem:v8+s25+$0x0], $0xffff;
	v14 =	vor.u32 $0x280, v8;
	[tilespmem:s16+$0x110] =	vst v2  }
0x302: {  	v2 =	vld.idx.msk [tilespmem:v10+s25+$0x0], $0xffff;
	v10 =	vor.u32 $0x300, v8;
	v15 =	vshll.u32 v1, $0x3;
	[tilespmem:s16+$0x190] =	vst v4  }
0x303: {  	v4 =	vld.idx.msk [tilespmem:v9+s25+$0x0], $0xffff;
	v8 =	vor.u32 $0x380, v8;
	v1 =	vand.u32 $0x7F, v1;
	[tilespmem:s16+$0x10] =	vst v0;
	v9 =	vand.u32 $0xFFFFFC00, v15  }
0x304: {  	[tilespmem:s16+$0x210] =	vst v5;
	v1 =	vor.u32 v1, v9;
	v5 =	vld.idx.msk [tilespmem:v11+s25+$0x0], $0xffff  }
0x305: {  	s2 =	sadd.s32 $0x100, s8;
	[tilespmem:s16+$0x290] =	vst v7;
	v9 =	vor.u32 $0x80, v1;
	v7 =	vld.idx.msk [tilespmem:v12+s25+$0x0], $0xffff  }
0x306: {  	s3 =	sand.u32 $0x60, s11;
	s7 =	sand.u32 $0x3C00, s2;
	[tilespmem:s19+$0x15000] =	vst v3;
	v0 =	vld.idx.msk [tilespmem:v14+s25+$0x0], $0xffff;
	v11 =	vor.u32 $0x100, v1  }
0x307: {  	s3 =	sor.u32 s3, s7;
	[tilespmem:s18+$0x15000] =	vst v6;
	v3 =	vld.idx.msk [tilespmem:v10+s25+$0x0], $0xffff;
	v10 =	vor.u32 $0x180, v1  }
0x308: {  	s7 =	sadd.s32 $0x15000, s3;
	v6 =	vld.idx.msk [tilespmem:v8+s25+$0x0], $0xffff;
	v8 =	vor.u32 $0x200, v1;
	[tilespmem:s3+$0x15000] =	vst v13  }
0x309: {  	s12 =	sadd.s32 $0x1, s12;
	v59 =	vor.u32 $0x280, v1;
	[tilespmem:s7+$0x80] =	vst v2;
	v58 =	vld.idx.msk [tilespmem:v1+s25+$0x0], $0xffff  }
0x30a: {  	s3 =	sand.u32 $0x3, s12;
	[tilespmem:s7+$0x100] =	vst v4;
	v2 =	vld.idx.msk [tilespmem:v9+s25+$0x0], $0xffff;
	v9 =	vor.u32 $0x300, v1  }
0x30b: {  	s3 =	sshll.u32 s3, $0x5;
	v1 =	vor.u32 $0x380, v1;
	v4 =	vld.idx.msk [tilespmem:v11+s25+$0x0], $0xffff;
	[tilespmem:s7+$0x180] =	vst v5  }
0x30c: {  	s2 =	sadd.s32 s3, s2;
	v5 =	vld.idx.msk [tilespmem:v10+s25+$0x0], $0xffff;
	[tilespmem:s7+$0x200] =	vst v7  }
0x30d: {  	s3 =	sor.u32 $0x300, s2;
	v7 =	vld.idx.msk [tilespmem:v8+s25+$0x0], $0xffff;
	[tilespmem:s7+$0x280] =	vst v0  }
0x30e: {  	s16 =	sor.u32 $0x380, s2;
	v0 =	vld.idx.msk [tilespmem:v59+s25+$0x0], $0xffff;
	[tilespmem:s3+$0x15000] =	vst v3  }
0x30f: {  	[tilespmem:s16+$0x15000] =	vst v6;
	v3 =	vld.idx.msk [tilespmem:v9+s25+$0x0], $0xffff  }
0x310: {  	v1 =	vld.idx.msk [tilespmem:v1+s25+$0x0], $0xffff;
	[tilespmem:s7+$0x90] =	vst v2  }
0x311: {  	[tilespmem:s7+$0x10] =	vst v58  }
0x312: {  	[tilespmem:s7+$0x110] =	vst v4  }
0x313: {  	[tilespmem:s7+$0x190] =	vst v5  }
0x314: {  	s2 =	sadd.s32 $0x10, s2;
	[tilespmem:s7+$0x210] =	vst v7  }
0x315: {  	s17 =	sor.u32 $0x300, s2;
	[tilespmem:s7+$0x290] =	vst v0  }
0x316: {  	s2 =	sor.u32 $0x380, s2;
	[tilespmem:s17+$0x15000] =	vst v3  }
0x317: {  	[tilespmem:s2+$0x15000] =	vst v1  }
0x318: {  	s11 =	simm.s32 $0x0;
	s2 =	rddreg [dreg:$0xe]  }
0x319: {  	[hbm4b:s2+s11] =	stream.linear.scatter [tilespmem:s30], [sflag:$0x4], $0x4000, $0x38;
	[tilespmem:$0x19000] =	vst v63  }
0x31a: {  	_ =	swait.ge [sflag:s31], $0x8000  }
0x31b: {  	[sflag:s31] =	ssyncset.done $0x0  }
0x31c: {  	[sflag:s31] =	ssyncadd.s32 $0xFFFF8000  }
0x31d: {  	s18 =	sand.u32 $0x60, s11;
	_ =	swait.ge [sflag:s0], $0x4000  }
0x31e: {  	s20 =	sand.u32 $0x780, s11;
	s19 =	sor.u32 $0x10, s18;
	[sflag:s0] =	ssyncset.done $0x0  }
0x31f: {  	s7 =	sor.u32 s19, s20;
	[sflag:s0] =	ssyncadd.s32 $0xFFFFC000  }
0x320: {  	v0 =	vld [tilespmem:s7+$0x0];
	_ =	sdelay $0x4  }
0x321: {  	v1 =	vshll.u32 v0, $0x3  }
0x322: {  	v0 =	vand.u32 $0x7F, v0;
	v1 =	vand.u32 $0xFFFFFC00, v1  }
0x323: {  	s16 =	simm.s32 $0x20;
	v0 =	vor.u32 v0, v1  }
0x324: {  	s8 =	sand.u32 $0x60, s16;
	v1 =	vor.u32 $0x80, v0  }
0x325: {  	s21 =	sand.u32 $0x780, s16;
	s12 =	sor.u32 $0x10, s8;
	v2 =	vld [tilespmem:s11+$0x0];
	v3 =	vor.u32 $0x100, v0  }
0x326: {  	s7 =	sor.u32 s12, s21;
	v4 =	vor.u32 $0x180, v0  }
0x327: {  	v6 =	vld [tilespmem:s7+$0x0];
	v5 =	vor.u32 $0x200, v0  }
0x328: {  	v8 =	vor.u32 $0x280, v0;
	v7 =	vld.idx.msk [tilespmem:v0+s26+$0x0], $0xffff  }
0x329: {  	v9 =	vld.idx.msk [tilespmem:v1+s26+$0x0], $0xffff;
	v1 =	vor.u32 $0x300, v0  }
0x32a: {  	v10 =	vshll.u32 v2, $0x3;
	v11 =	vld.idx.msk [tilespmem:v3+s26+$0x0], $0xffff;
	v0 =	vor.u32 $0x380, v0  }
0x32b: {  	v2 =	vand.u32 $0x7F, v2;
	v3 =	vand.u32 $0xFFFFFC00, v10;
	v10 =	vld.idx.msk [tilespmem:v4+s26+$0x0], $0xffff  }
0x32c: {  	v61 =	vld.idx.msk [tilespmem:v5+s26+$0x0], $0xffff;
	v60 =	vor.u32 v2, v3  }
0x32d: {  	s22 =	sand.u32 $0x3C00, s11;
	v8 =	vld.idx.msk [tilespmem:v8+s26+$0x0], $0xffff;
	v3 =	vor.u32 $0x80, v60  }
0x32e: {  	s7 =	sadd.s32 $0x11000, s22;
	v4 =	vor.u32 $0x100, v60;
	v62 =	vld.idx.msk [tilespmem:v1+s26+$0x0], $0xffff  }
0x32f: {  	s3 =	sor.u32 s19, s7;
	v5 =	vor.u32 $0x180, v60;
	v2 =	vld.idx.msk [tilespmem:v0+s26+$0x0], $0xffff  }
0x330: {  	s9 =	sand.u32 $0x3, s11;
	v63 =	vor.u32 $0x200, v60;
	v0 =	vld [tilespmem:s16+$0x0];
	[tilespmem:s3+$0x0] =	vst v7  }
0x331: {  	s9 =	sshll.u32 s9, $0x5;
	v16 =	vor.u32 $0x280, v60;
	[tilespmem:s3+$0x80] =	vst v9;
	v1 =	vld.idx.msk [tilespmem:v60+s26+$0x0], $0xffff  }
0x332: {  	s9 =	sadd.s32 $0x0, s9;
	[tilespmem:s3+$0x180] =	vst v10;
	v10 =	vor.u32 $0x300, v60;
	v3 =	vld.idx.msk [tilespmem:v3+s26+$0x0], $0xffff  }
0x333: {  	s23 =	sadd.s32 $0x10, s9;
	[tilespmem:s3+$0x100] =	vst v11;
	v9 =	vor.u32 $0x380, v60;
	v4 =	vld.idx.msk [tilespmem:v4+s26+$0x0], $0xffff  }
0x334: {  	s24 =	sor.u32 $0x300, s23;
	s20 =	simm.s32 $0x40;
	v7 =	vshll.u32 v6, $0x3;
	[tilespmem:s3+$0x200] =	vst v61;
	v5 =	vld.idx.msk [tilespmem:v5+s26+$0x0], $0xffff  }
0x335: {  	s17 =	simm.s32 $0x0;
	s21 =	sor.u32 $0x380, s23;
	s18 =	sor.u32 s18, s7;
	v11 =	vand.u32 $0x7F, v6;
	[tilespmem:s3+$0x280] =	vst v8;
	v7 =	vand.u32 $0xFFFFFC00, v7;
	v6 =	vld.idx.msk [tilespmem:v63+s26+$0x0], $0xffff  }
0x336: {  	s19 =	simm.s32 $0x2;
	s7 =	sor.u32 $0x300, s9;
	s9 =	sor.u32 $0x380, s9;
	v7 =	vor.u32 v11, v7;
	v8 =	vld.idx.msk [tilespmem:v16+s26+$0x0], $0xffff;
	[tilespmem:s24+$0x11000] =	vst v62  }
.LBB2_24:
0x337: {  	s2 =	sand.u32 $0x60, s20;
	v11 =	vor.u32 $0x80, v7;
	v10 =	vld.idx.msk [tilespmem:v10+s26+$0x0], $0xffff;
	[tilespmem:s21+$0x11000] =	vst v2  }
0x338: {  	s21 =	sand.u32 $0x780, s20;
	v2 =	vor.u32 $0x100, v7;
	s16 =	sadd.s32 $0x20, s16;
	s3 =	sor.u32 $0x10, s2;
	v9 =	vld.idx.msk [tilespmem:v9+s26+$0x0], $0xffff;
	[tilespmem:s18+$0x80] =	vst v3  }
0x339: {  	v12 =	vor.u32 $0x180, v7;
	v3 =	vld [tilespmem:s16+$0x0];
	s21 =	sor.u32 s3, s21;
	[tilespmem:s18+$0x100] =	vst v4  }
0x33a: {  	v4 =	vor.u32 $0x200, v7;
	v13 =	vld [tilespmem:s21+$0x0];
	[tilespmem:s18+$0x180] =	vst v5  }
0x33b: {  	v14 =	vor.u32 $0x280, v7;
	v5 =	vld.idx.msk [tilespmem:v7+s26+$0x0], $0xffff;
	[tilespmem:s18+$0x200] =	vst v6  }
0x33c: {  	v15 =	vor.u32 $0x300, v7;
	v6 =	vshll.u32 v0, $0x3;
	v11 =	vld.idx.msk [tilespmem:v11+s26+$0x0], $0xffff;
	[tilespmem:s18+$0x280] =	vst v8  }
0x33d: {  	v16 =	vand.u32 $0x7F, v0;
	v6 =	vand.u32 $0xFFFFFC00, v6;
	v8 =	vld.idx.msk [tilespmem:v2+s26+$0x0], $0xffff;
	v2 =	vor.u32 $0x380, v7;
	[tilespmem:s18+$0x0] =	vst v1  }
0x33e: {  	s11 =	sadd.s32 $0x100, s11;
	v6 =	vor.u32 v16, v6;
	v7 =	vld.idx.msk [tilespmem:v12+s26+$0x0], $0xffff;
	[tilespmem:s7+$0x11000] =	vst v10;
	v0 =	vmov v3  }
0x33f: {  	v3 =	vor.u32 $0x80, v6;
	s7 =	sand.u32 $0x3C00, s11;
	v12 =	vld.idx.msk [tilespmem:v4+s26+$0x0], $0xffff;
	[tilespmem:s9+$0x11000] =	vst v9  }
0x340: {  	v4 =	vor.u32 $0x100, v6;
	s7 =	sadd.s32 $0x11000, s7;
	v14 =	vld.idx.msk [tilespmem:v14+s26+$0x0], $0xffff  }
0x341: {  	v16 =	vor.u32 $0x180, v6;
	s18 =	sor.u32 s8, s7;
	s21 =	sor.u32 s12, s7;
	s8 =	smov.u32 s2;
	v15 =	vld.idx.msk [tilespmem:v15+s26+$0x0], $0xffff  }
0x342: {  	s17 =	sadd.s32 $0x1, s17;
	s19 =	sadd.s32 $0x2, s19;
	v17 =	vor.u32 $0x200, v6;
	s12 =	smov.u32 s3;
	v2 =	vld.idx.msk [tilespmem:v2+s26+$0x0], $0xffff;
	[tilespmem:s21+$0x0] =	vst v5  }
0x343: {  	p0 =	slt.u32 s19, $0x7E;
	v18 =	vor.u32 $0x280, v6;
	s2 =	sand.u32 $0x3, s17;
	v1 =	vld.idx.msk [tilespmem:v6+s26+$0x0], $0xffff;
	[tilespmem:s21+$0x80] =	vst v11  }
.Ltmp11:
0x344: {  	v10 =	vor.u32 $0x300, v6;
	s2 =	sshll.u32 s2, $0x5;
	v3 =	vld.idx.msk [tilespmem:v3+s26+$0x0], $0xffff;
	[tilespmem:s21+$0x100] =	vst v8;
	(pc) =	sbr.rel @p0 .LBB2_24-.Ltmp11, $4  }
0x345: {  	v9 =	vor.u32 $0x380, v6;
	s2 =	sadd.s32 s2, s11;
	v4 =	vld.idx.msk [tilespmem:v4+s26+$0x0], $0xffff;
	[tilespmem:s21+$0x180] =	vst v7  }
0x346: {  	v6 =	vshll.u32 v13, $0x3;
	s7 =	sor.u32 $0x300, s2;
	s3 =	sadd.s32 $0x10, s2;
	v5 =	vld.idx.msk [tilespmem:v16+s26+$0x0], $0xffff;
	[tilespmem:s21+$0x200] =	vst v12  }
0x347: {  	s9 =	sor.u32 $0x380, s2;
	v8 =	vand.u32 $0xFFFFFC00, v6;
	s2 =	sor.u32 $0x300, s3;
	v7 =	vand.u32 $0x7F, v13;
	v6 =	vld.idx.msk [tilespmem:v17+s26+$0x0], $0xffff;
	[tilespmem:s21+$0x280] =	vst v14  }
0x348: {  	s20 =	sadd.s32 $0x20, s20;
	v7 =	vor.u32 v7, v8;
	s21 =	sor.u32 $0x380, s3;
	v8 =	vld.idx.msk [tilespmem:v18+s26+$0x0], $0xffff;
	[tilespmem:s2+$0x11000] =	vst v15  }
0x349: {  	_ =	sdelay $0x1  }
0x34a: {  	v11 =	vor.u32 $0x80, v7  }
0x34b: {  	v12 =	vor.u32 $0x100, v7  }
0x34c: {  	v10 =	vld.idx.msk [tilespmem:v10+s26+$0x0], $0xffff;
	v13 =	vor.u32 $0x180, v7  }
0x34d: {  	[tilespmem:s21+$0x11000] =	vst v2;
	v2 =	vld.idx.msk [tilespmem:v9+s26+$0x0], $0xffff;
	v9 =	vor.u32 $0x200, v7  }
0x34e: {  	[tilespmem:s18+$0x80] =	vst v3;
	v3 =	vld.idx.msk [tilespmem:v7+s26+$0x0], $0xffff;
	v14 =	vor.u32 $0x280, v7  }
0x34f: {  	v15 =	vor.u32 $0x300, v7;
	[tilespmem:s18+$0x100] =	vst v4;
	v4 =	vshll.u32 v0, $0x3;
	v11 =	vld.idx.msk [tilespmem:v11+s26+$0x0], $0xffff  }
0x350: {  	v7 =	vor.u32 $0x380, v7;
	v0 =	vand.u32 $0x7F, v0;
	[tilespmem:s18+$0x180] =	vst v5;
	v4 =	vand.u32 $0xFFFFFC00, v4;
	v5 =	vld.idx.msk [tilespmem:v12+s26+$0x0], $0xffff  }
0x351: {  	s2 =	sadd.s32 $0x100, s11;
	[tilespmem:s18+$0x0] =	vst v1;
	v0 =	vor.u32 v0, v4;
	v4 =	vld.idx.msk [tilespmem:v13+s26+$0x0], $0xffff  }
0x352: {  	s3 =	sand.u32 $0x3C00, s2;
	[tilespmem:s18+$0x280] =	vst v8;
	v8 =	vld.idx.msk [tilespmem:v9+s26+$0x0], $0xffff  }
0x353: {  	s3 =	sadd.s32 $0x11000, s3;
	[tilespmem:s18+$0x200] =	vst v6;
	v6 =	vor.u32 $0x80, v0;
	v9 =	vld.idx.msk [tilespmem:v14+s26+$0x0], $0xffff  }
0x354: {  	s22 =	sor.u32 s12, s3;
	v1 =	vor.u32 $0x100, v0;
	[tilespmem:s7+$0x11000] =	vst v10;
	v58 =	vld.idx.msk [tilespmem:v15+s26+$0x0], $0xffff  }
0x355: {  	v10 =	vor.u32 $0x180, v0;
	v7 =	vld.idx.msk [tilespmem:v7+s26+$0x0], $0xffff;
	[tilespmem:s22+$0x0] =	vst v3  }
0x356: {  	s23 =	sadd.s32 $0x1, s17;
	v59 =	vor.u32 $0x280, v0;
	[tilespmem:s9+$0x11000] =	vst v2  }
0x357: {  	v2 =	vor.u32 $0x200, v0;
	s9 =	sand.u32 $0x3, s23;
	v3 =	vld.idx.msk [tilespmem:v0+s26+$0x0], $0xffff;
	[tilespmem:s22+$0x80] =	vst v11  }
0x358: {  	s9 =	sshll.u32 s9, $0x5;
	v6 =	vld.idx.msk [tilespmem:v6+s26+$0x0], $0xffff;
	v11 =	vor.u32 $0x300, v0;
	[tilespmem:s22+$0x100] =	vst v5  }
0x359: {  	s2 =	sadd.s32 s9, s2;
	v1 =	vld.idx.msk [tilespmem:v1+s26+$0x0], $0xffff;
	v0 =	vor.u32 $0x380, v0;
	[tilespmem:s22+$0x180] =	vst v4  }
0x35a: {  	s9 =	sadd.s32 $0x10, s2;
	v4 =	vld.idx.msk [tilespmem:v10+s26+$0x0], $0xffff;
	[tilespmem:s22+$0x200] =	vst v8  }
0x35b: {  	[tilespmem:s22+$0x280] =	vst v9;
	s24 =	sor.u32 $0x300, s9;
	v5 =	vld.idx.msk [tilespmem:v59+s26+$0x0], $0xffff  }
0x35c: {  	s11 =	sor.u32 $0x380, s9;
	v2 =	vld.idx.msk [tilespmem:v2+s26+$0x0], $0xffff;
	[tilespmem:s24+$0x11000] =	vst v58  }
0x35d: {  	s3 =	sor.u32 s8, s3;
	[tilespmem:s11+$0x11000] =	vst v7;
	v8 =	vld.idx.msk [tilespmem:v11+s26+$0x0], $0xffff  }
0x35e: {  	v0 =	vld.idx.msk [tilespmem:v0+s26+$0x0], $0xffff;
	[tilespmem:s3+$0x80] =	vst v6  }
0x35f: {  	[tilespmem:s3+$0x100] =	vst v1  }
0x360: {  	[tilespmem:s3+$0x180] =	vst v4  }
0x361: {  	[tilespmem:s3+$0x280] =	vst v5  }
0x362: {  	[tilespmem:s3+$0x0] =	vst v3  }
0x363: {  	s12 =	sor.u32 $0x300, s2;
	[tilespmem:s3+$0x200] =	vst v2  }
0x364: {  	s2 =	sor.u32 $0x380, s2;
	[tilespmem:s12+$0x11000] =	vst v8  }
0x365: {  	[tilespmem:s2+$0x11000] =	vst v0  }
0x366: {  	s8 =	simm.s32 $0x0;
	s2 =	rddreg [dreg:$0xf]  }
0x367: {  	[hbm4b:s2+s8] =	stream.linear.scatter [tilespmem:s29], [sflag:$0x3], $0x4000, $0x38;
	[tilespmem:$0x19000] =	vst v63  }
0x368: {  	_ =	swait.ge [sflag:s1], $0x4000  }
0x369: {  	[sflag:s1] =	ssyncset.done $0x0  }
0x36a: {  	s16 =	sand.u32 $0x7E0, s8;
	[sflag:s1] =	ssyncadd.s32 $0xFFFFC000  }
0x36b: {  	v0 =	vld [tilespmem:s16+$0x800];
	_ =	sdelay $0x4  }
0x36c: {  	v1 =	vshll.u32 v0, $0x3  }
0x36d: {  	v0 =	vand.u32 $0x7F, v0;
	v1 =	vand.u32 $0xFFFFFC00, v1  }
0x36e: {  	s17 =	simm.s32 $0x810;
	v0 =	vor.u32 v0, v1  }
0x36f: {  	v1 =	vld [tilespmem:s17+$0x0];
	v2 =	vor.u32 $0x80, v0  }
0x370: {  	s11 =	simm.s32 $0x20;
	v3 =	vor.u32 $0x100, v0  }
0x371: {  	s18 =	sand.u32 $0x7E0, s11;
	v4 =	vor.u32 $0x180, v0  }
0x372: {  	v6 =	vld [tilespmem:s18+$0x800];
	v5 =	vor.u32 $0x200, v0  }
0x373: {  	v8 =	vor.u32 $0x280, v0;
	v7 =	vld.idx.msk [tilespmem:v0+s26+$0x0], $0xffff  }
0x374: {  	v9 =	vor.u32 $0x300, v0;
	v10 =	vshll.u32 v1, $0x3;
	v2 =	vld.idx.msk [tilespmem:v2+s26+$0x0], $0xffff  }
0x375: {  	v0 =	vor.u32 $0x380, v0;
	v1 =	vand.u32 $0x7F, v1;
	v3 =	vld.idx.msk [tilespmem:v3+s26+$0x0], $0xffff;
	v10 =	vand.u32 $0xFFFFFC00, v10  }
0x376: {  	v4 =	vld.idx.msk [tilespmem:v4+s26+$0x0], $0xffff;
	v1 =	vor.u32 v1, v10  }
0x377: {  	v5 =	vld.idx.msk [tilespmem:v5+s26+$0x0], $0xffff;
	v10 =	vor.u32 $0x80, v1  }
0x378: {  	v8 =	vld.idx.msk [tilespmem:v8+s26+$0x0], $0xffff;
	v11 =	vor.u32 $0x100, v1  }
0x379: {  	s19 =	sand.u32 $0x60, s8;
	s20 =	sand.u32 $0x3C00, s8;
	v9 =	vld.idx.msk [tilespmem:v9+s26+$0x0], $0xffff;
	v60 =	vor.u32 $0x180, v1  }
0x37a: {  	s2 =	sor.u32 s19, s20;
	v62 =	vor.u32 $0x200, v1;
	v61 =	vld.idx.msk [tilespmem:v0+s26+$0x0], $0xffff  }
0x37b: {  	[tilespmem:s2+$0x15000] =	vst v7;
	v7 =	vor.u32 $0x280, v1;
	v0 =	vld.idx.msk [tilespmem:v1+s26+$0x0], $0xffff  }
0x37c: {  	s16 =	sadd.s32 $0x15000, s2;
	v63 =	vld.idx.msk [tilespmem:v10+s26+$0x0], $0xffff;
	v10 =	vor.u32 $0x300, v1  }
0x37d: {  	[tilespmem:s16+$0x80] =	vst v2;
	v2 =	vld.idx.msk [tilespmem:v11+s26+$0x0], $0xffff;
	v1 =	vor.u32 $0x380, v1  }
0x37e: {  	s21 =	sand.u32 $0x3, s8;
	[tilespmem:s16+$0x180] =	vst v4;
	v4 =	vld.idx.msk [tilespmem:v60+s26+$0x0], $0xffff  }
0x37f: {  	s2 =	sshll.u32 s21, $0x5;
	[tilespmem:s16+$0x200] =	vst v5;
	v5 =	vld.idx.msk [tilespmem:v62+s26+$0x0], $0xffff  }
0x380: {  	[tilespmem:s16+$0x100] =	vst v3;
	s2 =	sadd.s32 $0x0, s2;
	v3 =	vshll.u32 v6, $0x3;
	v7 =	vld.idx.msk [tilespmem:v7+s26+$0x0], $0xffff  }
0x381: {  	[tilespmem:s16+$0x280] =	vst v8;
	v6 =	vand.u32 $0x7F, v6;
	s22 =	sor.u32 $0x300, s2;
	v8 =	vand.u32 $0xFFFFFC00, v3;
	v3 =	vld.idx.msk [tilespmem:v10+s26+$0x0], $0xffff  }
0x382: {  	s23 =	simm.s32 $0x830;
	s24 =	sadd.s32 $0x10, s2;
	s2 =	sor.u32 $0x380, s2;
	[tilespmem:s22+$0x15000] =	vst v9;
	v8 =	vor.u32 v6, v8;
	v6 =	vld.idx.msk [tilespmem:v1+s26+$0x0], $0xffff  }
0x383: {  	s7 =	simm.s32 $0x850;
	s9 =	simm.s32 $0x40;
	s12 =	simm.s32 $0x0;
	[tilespmem:s2+$0x15000] =	vst v61;
	v1 =	vld [tilespmem:s23+$0x0];
	v10 =	vor.u32 $0x80, v8  }
0x384: {  	s17 =	simm.s32 $0x2;
	s19 =	sor.u32 $0x300, s24;
	s18 =	sor.u32 $0x380, s24;
	v9 =	vor.u32 $0x100, v8;
	[tilespmem:s16+$0x90] =	vst v63  }
.LBB2_26:
0x385: {  	s2 =	sand.u32 $0x7E0, s9;
	v11 =	vld [tilespmem:s7+$0x0];
	v12 =	vor.u32 $0x180, v8;
	[tilespmem:s16+$0x110] =	vst v2  }
0x386: {  	v2 =	vor.u32 $0x200, v8;
	v13 =	vld [tilespmem:s2+$0x800];
	[tilespmem:s16+$0x190] =	vst v4  }
0x387: {  	v14 =	vor.u32 $0x280, v8;
	v4 =	vld.idx.msk [tilespmem:v8+s26+$0x0], $0xffff;
	[tilespmem:s16+$0x210] =	vst v5  }
0x388: {  	v15 =	vshll.u32 v1, $0x3;
	v5 =	vld.idx.msk [tilespmem:v10+s26+$0x0], $0xffff;
	v10 =	vor.u32 $0x300, v8;
	[tilespmem:s16+$0x290] =	vst v7  }
0x389: {  	v16 =	vand.u32 $0x7F, v1;
	v8 =	vor.u32 $0x380, v8;
	v7 =	vld.idx.msk [tilespmem:v9+s26+$0x0], $0xffff;
	v9 =	vand.u32 $0xFFFFFC00, v15;
	[tilespmem:s16+$0x10] =	vst v0  }
0x38a: {  	v12 =	vld.idx.msk [tilespmem:v12+s26+$0x0], $0xffff;
	v9 =	vor.u32 v16, v9;
	[tilespmem:s19+$0x15000] =	vst v3;
	v1 =	vmov v11  }
0x38b: {  	s8 =	sadd.s32 $0x100, s8;
	v3 =	vld.idx.msk [tilespmem:v2+s26+$0x0], $0xffff;
	v2 =	vor.u32 $0x80, v9;
	[tilespmem:s18+$0x15000] =	vst v6  }
0x38c: {  	s2 =	sand.u32 $0x60, s11;
	s3 =	sand.u32 $0x3C00, s8;
	s11 =	smov.u32 s9;
	v11 =	vor.u32 $0x100, v9;
	v6 =	vld.idx.msk [tilespmem:v14+s26+$0x0], $0xffff  }
0x38d: {  	s2 =	sor.u32 s2, s3;
	v14 =	vor.u32 $0x180, v9;
	v10 =	vld.idx.msk [tilespmem:v10+s26+$0x0], $0xffff  }
0x38e: {  	s16 =	sadd.s32 $0x15000, s2;
	v15 =	vld.idx.msk [tilespmem:v8+s26+$0x0], $0xffff;
	[tilespmem:s2+$0x15000] =	vst v4;
	v8 =	vor.u32 $0x200, v9  }
0x38f: {  	s12 =	sadd.s32 $0x1, s12;
	v16 =	vor.u32 $0x280, v9;
	[tilespmem:s16+$0x80] =	vst v5;
	v0 =	vld.idx.msk [tilespmem:v9+s26+$0x0], $0xffff  }
0x390: {  	s17 =	sadd.s32 $0x2, s17;
	v18 =	vor.u32 $0x300, v9;
	s2 =	sand.u32 $0x3, s12;
	[tilespmem:s16+$0x100] =	vst v7;
	v17 =	vld.idx.msk [tilespmem:v2+s26+$0x0], $0xffff  }
0x391: {  	p0 =	slt.u32 s17, $0x7E;
	s2 =	sshll.u32 s2, $0x5;
	[tilespmem:s16+$0x180] =	vst v12;
	v2 =	vld.idx.msk [tilespmem:v11+s26+$0x0], $0xffff;
	v11 =	vor.u32 $0x380, v9  }
.Ltmp12:
0x392: {  	v5 =	vshll.u32 v13, $0x3;
	s2 =	sadd.s32 s2, s8;
	[tilespmem:s16+$0x200] =	vst v3;
	v4 =	vld.idx.msk [tilespmem:v14+s26+$0x0], $0xffff;
	(pc) =	sbr.rel @p0 .LBB2_26-.Ltmp12, $4  }
0x393: {  	v7 =	vand.u32 $0xFFFFFC00, v5;
	s3 =	sor.u32 $0x300, s2;
	s18 =	sadd.s32 $0x10, s2;
	v3 =	vand.u32 $0x7F, v13;
	[tilespmem:s16+$0x280] =	vst v6;
	v5 =	vld.idx.msk [tilespmem:v8+s26+$0x0], $0xffff  }
0x394: {  	s2 =	sor.u32 $0x380, s2;
	s19 =	sor.u32 $0x300, s18;
	v8 =	vor.u32 v3, v7;
	[tilespmem:s3+$0x15000] =	vst v10;
	v7 =	vld.idx.msk [tilespmem:v16+s26+$0x0], $0xffff  }
0x395: {  	s18 =	sor.u32 $0x380, s18;
	v10 =	vor.u32 $0x80, v8;
	[tilespmem:s2+$0x15000] =	vst v15;
	v3 =	vld.idx.msk [tilespmem:v18+s26+$0x0], $0xffff  }
0x396: {  	s7 =	sadd.s32 $0x20, s7;
	s9 =	sadd.s32 $0x20, s9;
	v9 =	vor.u32 $0x100, v8;
	v6 =	vld.idx.msk [tilespmem:v11+s26+$0x0], $0xffff;
	[tilespmem:s16+$0x90] =	vst v17  }
0x397: {  	_ =	sdelay $0x1  }
0x398: {  	v11 =	vor.u32 $0x180, v8  }
0x399: {  	v12 =	vor.u32 $0x200, v8  }
0x39a: {  	v13 =	vld.idx.msk [tilespmem:v8+s26+$0x0], $0xffff;
	v14 =	vor.u32 $0x280, v8;
	[tilespmem:s16+$0x110] =	vst v2  }
0x39b: {  	v41 =	vld.idx.msk [tilespmem:v10+s26+$0x0], $0xffff;
	v42 =	vor.u32 $0x300, v8;
	v15 =	vshll.u32 v1, $0x3;
	[tilespmem:s16+$0x190] =	vst v4  }
0x39c: {  	v43 =	vld.idx.msk [tilespmem:v9+s26+$0x0], $0xffff;
	v44 =	vor.u32 $0x380, v8;
	v45 =	vand.u32 $0x7F, v1;
	[tilespmem:s16+$0x10] =	vst v0;
	v46 =	vand.u32 $0xFFFFFC00, v15  }
0x39d: {  	[tilespmem:s16+$0x210] =	vst v5;
	v1 =	vor.u32 v45, v46;
	v47 =	vld.idx.msk [tilespmem:v11+s26+$0x0], $0xffff  }
0x39e: {  	s2 =	sadd.s32 $0x100, s8;
	[tilespmem:s16+$0x290] =	vst v7;
	v9 =	vor.u32 $0x80, v1;
	v48 =	vld.idx.msk [tilespmem:v12+s26+$0x0], $0xffff  }
0x39f: {  	s3 =	sand.u32 $0x60, s11;
	s7 =	sand.u32 $0x3C00, s2;
	v50 =	vor.u32 $0x100, v1;
	[tilespmem:s19+$0x15000] =	vst v3;
	v49 =	vld.idx.msk [tilespmem:v14+s26+$0x0], $0xffff  }
0x3a0: {  	s3 =	sor.u32 s3, s7;
	v52 =	vor.u32 $0x180, v1;
	[tilespmem:s18+$0x15000] =	vst v6;
	v51 =	vld.idx.msk [tilespmem:v42+s26+$0x0], $0xffff  }
0x3a1: {  	v54 =	vor.u32 $0x200, v1;
	s7 =	sadd.s32 $0x15000, s3;
	v53 =	vld.idx.msk [tilespmem:v44+s26+$0x0], $0xffff;
	[tilespmem:s3+$0x15000] =	vst v13  }
0x3a2: {  	s20 =	sadd.s32 $0x1, s12;
	v56 =	vor.u32 $0x280, v1;
	[tilespmem:s7+$0x80] =	vst v41;
	v55 =	vld.idx.msk [tilespmem:v1+s26+$0x0], $0xffff  }
0x3a3: {  	v58 =	vor.u32 $0x300, v1;
	s3 =	sand.u32 $0x3, s20;
	[tilespmem:s7+$0x100] =	vst v43;
	v57 =	vld.idx.msk [tilespmem:v9+s26+$0x0], $0xffff  }
0x3a4: {  	s3 =	sshll.u32 s3, $0x5;
	v1 =	vor.u32 $0x380, v1;
	v59 =	vld.idx.msk [tilespmem:v50+s26+$0x0], $0xffff;
	[tilespmem:s7+$0x180] =	vst v47  }
0x3a5: {  	s2 =	sadd.s32 s3, s2;
	v60 =	vld.idx.msk [tilespmem:v52+s26+$0x0], $0xffff;
	[tilespmem:s7+$0x200] =	vst v48  }
0x3a6: {  	v61 =	vld.idx.msk [tilespmem:v54+s26+$0x0], $0xffff;
	s3 =	sor.u32 $0x300, s2;
	[tilespmem:s7+$0x280] =	vst v49  }
0x3a7: {  	v62 =	vld.idx.msk [tilespmem:v56+s26+$0x0], $0xffff;
	s21 =	sor.u32 $0x380, s2;
	[tilespmem:s3+$0x15000] =	vst v51  }
0x3a8: {  	v63 =	vld.idx.msk [tilespmem:v58+s26+$0x0], $0xffff;
	[tilespmem:s21+$0x15000] =	vst v53  }
0x3a9: {  	v1 =	vld.idx.msk [tilespmem:v1+s26+$0x0], $0xffff;
	[tilespmem:s7+$0x10] =	vst v55  }
0x3aa: {  	[tilespmem:s7+$0x90] =	vst v57  }
0x3ab: {  	[tilespmem:s7+$0x110] =	vst v59  }
0x3ac: {  	[tilespmem:s7+$0x190] =	vst v60  }
0x3ad: {  	s2 =	sadd.s32 $0x10, s2;
	[tilespmem:s7+$0x210] =	vst v61  }
0x3ae: {  	s22 =	sor.u32 $0x300, s2;
	[tilespmem:s7+$0x290] =	vst v62  }
0x3af: {  	s2 =	sor.u32 $0x380, s2;
	[tilespmem:s22+$0x15000] =	vst v63  }
0x3b0: {  	[tilespmem:s2+$0x15000] =	vst v1  }
0x3b1: {  	s2 =	rddreg [dreg:$0x10]  }
0x3b2: {  	[hbm4b:s2+s5] =	stream.linear.scatter [tilespmem:s30], [sflag:$0x4], $0x4000, $0x38;
	[tilespmem:$0x19000] =	vst v63  }
0x3b3: {  	_ =	swait.ge [sflag:s0], $0x4000  }
0x3b4: {  	[sflag:s0] =	ssyncset.done $0x0  }
0x3b5: {  	[sflag:s0] =	ssyncadd.s32 $0xFFFFC000  }
0x3b6: {  	_ =	swait.ge [sflag:s1], $0x4000  }
0x3b7: {  	s23 =	rddreg [dreg:$0x12]  }
0x3b8: {  	s24 =	rddreg [dreg:$0x11];
	s3 =	sadd.s32 $0x1, s23  }
0x3b9: {  	p0 =	sne.s32 s3, s24  }
.Ltmp13:
0x3ba: {  	_ = 	snop;
	(pc) =	sbr.rel @p0 .LBB2_1-.Ltmp13, $3  }
0x3bb: {  	_ =	sdelay $0x1  }
0x3bc: {  	[sflag:s1] =	ssyncset.done $0x0  }
0x3bd: {  	[sflag:s1] =	ssyncadd.s32 $0xFFFFC000  }
0x3be: {  	_ =	sfence.sel $0x180000  }
0x3bf: {  	[bflag:$0x0] =	sbarrier.arrive $0xFFFF  }
0x3c0: {  	_ =	strace $0x90000047  }
0x3c1: {  	s0 =	stileid.u32;
	[bflag:$0x2] =	sbarrier.arrive $0xFFFF  }
0x3c2: {  	p0 =	sne.s32 s0, $0x0;
	s0 =	rddreg [dreg:$0x3]  }
0x3c3: {  	s0 =	sadd.s32 @!p0 $0x100000, s0  }
0x3c4: {  	[sflag:s0] =	ssyncadd.tile.s32 @!p0 $0x1;
	_ =	shalt  }
.Lfunc_end2:
_tile_overlayer_lowered:
.L_overlay_start_2:
0x3c5: {  	(tag) =	ssettag $0x2  }
0x3c6: {  	s0 =	rddreg [dreg:$0x0];
	s2 =	stileid.u32  }
0x3c7: {  	s1 =	rddreg [dreg:$0x1];
	p0 =	sne.s32 s2, $0x0  }
0x3c8: {  	s3 =	rddreg [dreg:$0x2];
	[bflag:$0x3] =	sbarrier.arrive $0xFFFF;
	s2 =	simm.s32 @!p0 $0x1C05  }
0x3c9: {  	[timem:s3], [sflag:s2] =	dma.local @!p0 [hbm:s0], s1  }
0x3ca: {  	s0 =	simm.s32 @!p0 $0x5  }
0x3cb: {  	_ =	swait.ge @!p0 [sflag:s0], s1  }
0x3cc: {  	s1 =	ssub.s32 @!p0 $0x0, s1;
	[sflag:s0] =	ssyncset.done @!p0 $0x0  }
0x3cd: {  	[sflag:s0] =	ssyncadd.s32 @!p0 s1  }
0x3ce: {  	[bflag:$0x3] =	sbarrier.arrive $0xFFFF  }
0x3cf: {  	_ =	shalt  }

</sc_bundles>
